<compile_context>
chip_gen: v7x
topology: tpu7x:2x2x1
jax: 0.10.2.dev20260603
libtpu: 0.0.44.dev20260713+nightly
codegen_flags: <defaults>
</compile_context>

<pallas_src>
import functools
import math

import jax
import jax.numpy as jnp
from jax import lax
from jax.experimental import pallas as pl
from jax.experimental.pallas import tpu as pltpu
from jax.experimental.pallas import tpu_sc as plsc

_NUM_CLASSES = 80
_IMG_SIZE = 512.0
_LAMBDA_BOX = 7.5
_LAMBDA_CLS = 0.5
_TOPK = 10
_ALPHA_COST = 1.5
_BETA_COST = 6.0
_ALPHA = 0.25
_EPS = 1e-7

_F32 = jnp.float32
_I32 = jnp.int32


def _sigmoid(x):
    return 1.0 / (1.0 + jnp.exp(-x))


def _softplus(x):
    return jnp.maximum(x, 0.0) + jnp.log(1.0 + jnp.exp(-jnp.abs(x)))


def _atan_pos(x):
    t3 = x > 2.414213562373095
    t1 = x > 0.4142135623730950
    xr = jnp.where(t3, -1.0 / x, jnp.where(t1, (x - 1.0) / (x + 1.0), x))
    y = jnp.where(t3, math.pi / 2.0, jnp.where(t1, math.pi / 4.0, 0.0))
    z = xr * xr
    p = ((8.05374449538e-2 * z - 1.38776856032e-1) * z + 1.99777106478e-1) * z \
        - 3.33329491539e-1
    return y + xr + xr * z * p


def _head_body(S, G, preds_ref, gtb_ref, lbl_ref, vals_ref, ids_ref, fneg_ref):
    N = S * S
    E = 4 + _NUM_CLASSES
    stride = _IMG_SIZE / float(S)
    blk = preds_ref[0]
    gtb = gtb_ref[0]
    lbl = lbl_ref[0]

    l = blk[:, 4:E]
    p = _sigmoid(l)
    ce0 = _softplus(l)
    fneg = (1.0 - _ALPHA) * ce0 * p * p
    fneg_ref[0] = jnp.full((1, 128), jnp.sum(fneg), dtype=_F32)

    e4 = (lax.broadcasted_iota(_I32, (4, E), 0)
          == lax.broadcasted_iota(_I32, (4, E), 1)).astype(_F32)
    boxT = lax.dot_general(e4, blk, (((1,), (1,)), ((), ())),
                           preferred_element_type=_F32)
    tx, ty, tw, th = boxT[0:1], boxT[1:2], boxT[2:3], boxT[3:4]
    n = lax.broadcasted_iota(_I32, (1, N), 1)
    gxf = (n % S).astype(_F32)
    gyf = (n // S).astype(_F32)
    px = (_sigmoid(tx) * 2.0 - 0.5 + gxf) * stride
    py = (_sigmoid(ty) * 2.0 - 0.5 + gyf) * stride
    pw = _softplus(tw) * stride
    ph = _softplus(th) * stride
    px1 = px - 0.5 * pw
    px2 = px + 0.5 * pw
    py1 = py - 0.5 * ph
    py2 = py + 0.5 * ph

    gcx = gtb[:, 0:1] * _IMG_SIZE
    gcy = gtb[:, 1:2] * _IMG_SIZE
    gw = gtb[:, 2:3] * _IMG_SIZE
    gh = gtb[:, 3:4] * _IMG_SIZE
    gx1 = gcx - 0.5 * gw
    gx2 = gcx + 0.5 * gw
    gy1 = gcy - 0.5 * gh
    gy2 = gcy + 0.5 * gh

    a1 = jnp.maximum(px2 - px1, 0.0) * jnp.maximum(py2 - py1, 0.0)
    a2 = jnp.maximum(gx2 - gx1, 0.0) * jnp.maximum(gy2 - gy1, 0.0)
    ix1 = jnp.maximum(px1, gx1)
    iy1 = jnp.maximum(py1, gy1)
    ix2 = jnp.minimum(px2, gx2)
    iy2 = jnp.minimum(py2, gy2)
    inter = jnp.maximum(ix2 - ix1, 0.0) * jnp.maximum(iy2 - iy1, 0.0)
    union = a1 + a2 - inter + _EPS
    iou = jnp.clip(inter / union, 0.0, 1.0)

    oh = (lax.broadcasted_iota(_I32, (G, E), 1) == (lbl + 4)).astype(_F32)
    selT = lax.dot_general(oh, blk, (((1,), (1,)), ((), ())),
                           preferred_element_type=_F32)
    pc = jnp.clip(_sigmoid(selT), 1e-6, 1.0 - 1e-6)
    cost = _ALPHA_COST * (-jnp.log(pc)) + _BETA_COST * (-jnp.log(iou + _EPS))

    INF = _F32(jnp.inf)
    lane = lax.broadcasted_iota(_I32, (G, N), 1)
    gidx = lax.broadcasted_iota(_I32, (G, 1), 0)
    work = cost
    candm = jnp.zeros((G, N), dtype=_F32)
    for t in range(_TOPK):
        m = jnp.min(work, axis=1, keepdims=True)
        idx = jnp.min(jnp.where(work == m, lane, _I32(1 << 30)),
                      axis=1, keepdims=True)
        vals_ref[0, :, t:t + 1] = m
        ids_ref[0, :, t:t + 1] = idx
        hit = lane == idx
        candm = jnp.where(hit, 1.0, candm)
        work = jnp.where(hit, INF, work)
    cand = jnp.any(candm > 0.0, axis=0, keepdims=True)

    masked = jnp.where(cand, work, INF)
    for t in range(_TOPK, G):
        m = jnp.min(masked, axis=1, keepdims=True)
        fin = m < _F32(1e30)
        idx = jnp.min(jnp.where(masked == m, lane, _I32(1 << 30)),
                      axis=1, keepdims=True)
        vals_ref[0, :, t:t + 1] = jnp.where(fin, m, INF)
        ids_ref[0, :, t:t + 1] = jnp.where(fin, idx, -2 - (gidx * G + t))
        masked = jnp.where(lane == idx, INF, masked)


def _head_call(preds_r, gt_boxes, lbl_r):
    B, N, E = preds_r.shape
    S = int(round(math.sqrt(N)))
    G = gt_boxes.shape[1]
    body = functools.partial(_head_body, S, G)
    out_shape = [jax.ShapeDtypeStruct((B, G, G), _F32),
                 jax.ShapeDtypeStruct((B, G, G), _I32),
                 jax.ShapeDtypeStruct((B, 1, 128), _F32)]
    spec_gg = pl.BlockSpec((1, G, G), lambda i: (i, 0, 0))
    return pl.pallas_call(
        body,
        grid=(B,),
        in_specs=[pl.BlockSpec((1, N, E), lambda i: (i, 0, 0)),
                  pl.BlockSpec((1, G, 4), lambda i: (i, 0, 0)),
                  pl.BlockSpec((1, G, 1), lambda i: (i, 0, 0))],
        out_specs=[spec_gg, spec_gg, pl.BlockSpec((1, 1, 128), lambda i: (i, 0, 0))],
        out_shape=out_shape,
    )(preds_r, gt_boxes, lbl_r)


def _greedy_sc_body(B, G, vals_hbm, ids_hbm, sp_out, vals_v, ids_v, sp_v):
    P = G * G
    NCH = P // 16
    c = lax.axis_index("c")
    s = lax.axis_index("s")
    w = s * 2 + c

    @pl.when(w < B)
    def _():
        pltpu.sync_copy(vals_hbm.at[pl.ds(w * P, P)], vals_v)
        pltpu.sync_copy(ids_hbm.at[pl.ds(w * P, P)], ids_v)
        lanes = lax.iota(_I32, 16)
        BIGI = _I32(1 << 30)
        sp_v[pl.ds(0, 16)] = jnp.full((16,), -1, dtype=_I32)
        sp_v[pl.ds(16, 16)] = jnp.full((16,), -1, dtype=_I32)
        sp_v[pl.ds(32, 16)] = jnp.full((16,), 0, dtype=_I32)
        sp_v[pl.ds(48, 16)] = jnp.full((16,), 0, dtype=_I32)

        def iter_body(t, carry):
            mv = jnp.full((16,), jnp.inf, dtype=_F32)
            pv = jnp.full((16,), BIGI, dtype=_I32)
            for ci in range(NCH):
                v = vals_v[pl.ds(ci * 16, 16)]
                pos = lanes + ci * 16
                better = v < mv
                mv = jnp.where(better, v, mv)
                pv = jnp.where(better, pos, pv)
            m = mv[0]
            for i in range(1, 16):
                m = jnp.minimum(m, mv[i])
            pw = jnp.where(mv == jnp.full((16,), m, dtype=_F32), pv, BIGI)
            pos = pw[0]
            for i in range(1, 16):
                pos = jnp.minimum(pos, pw[i])
            posB = jnp.full((16,), pos, dtype=_I32)
            idm = jnp.full((16,), BIGI, dtype=_I32)
            for ci in range(NCH):
                vi = ids_v[pl.ds(ci * 16, 16)]
                posv = lanes + ci * 16
                idm = jnp.minimum(idm, jnp.where(posv == posB, vi, BIGI))
            pid = idm[0]
            for i in range(1, 16):
                pid = jnp.minimum(pid, idm[i])
            g = pos // G
            slot = pos - g * G
            gv = jnp.full((16,), g, dtype=_I32)
            pidv = jnp.full((16,), pid, dtype=_I32)
            slotv = jnp.full((16,), slot, dtype=_I32)
            lo = jnp.full((16,), g * G, dtype=_I32)
            hi = jnp.full((16,), g * G + G, dtype=_I32)
            for ci in range(NCH):
                v = vals_v[pl.ds(ci * 16, 16)]
                vi = ids_v[pl.ds(ci * 16, 16)]
                posv = lanes + ci * 16
                kill = (vi == pidv) | ((posv >= lo) & (posv < hi))
                vals_v[pl.ds(ci * 16, 16)] = jnp.where(kill, jnp.inf, v)
            a0 = sp_v[pl.ds(0, 16)]
            sp_v[pl.ds(0, 16)] = jnp.where(lanes == gv, slotv, a0)
            a1 = sp_v[pl.ds(16, 16)]
            sp_v[pl.ds(16, 16)] = jnp.where((lanes + 16) == gv, slotv, a1)
            p0 = sp_v[pl.ds(32, 16)]
            sp_v[pl.ds(32, 16)] = jnp.where(lanes == gv, pidv, p0)
            p1 = sp_v[pl.ds(48, 16)]
            sp_v[pl.ds(48, 16)] = jnp.where((lanes + 16) == gv, pidv, p1)
            return carry

        lax.fori_loop(0, G, iter_body, 0)
        pltpu.sync_copy(sp_v, sp_out.at[pl.ds(w * 64, 64)])


def _greedy_call(vals_flat, ids_flat, B, G):
    mesh = plsc.VectorSubcoreMesh(core_axis_name="c", subcore_axis_name="s")
    body = functools.partial(_greedy_sc_body, B, G)
    kern = pl.kernel(
        body,
        out_type=jax.ShapeDtypeStruct((B * 64,), _I32),
        mesh=mesh,
        scratch_types=[pltpu.VMEM((G * G,), _F32),
                       pltpu.VMEM((G * G,), _I32),
                       pltpu.VMEM((64,), _I32)],
    )
    return kern(vals_flat, ids_flat)


def _final_body(B, G, S, sp_ref, preds_ref, gtb_ref, lbl_ref, fneg_ref,
                out_ref, acc):
    N = S * S
    E = 4 + _NUM_CLASSES
    stride = _IMG_SIZE / float(S)
    i = pl.program_id(0)
    blk = preds_ref[0]
    sp = sp_ref[0]
    slot = sp[0:G, 0:1]
    pid = sp[32:32 + G, 0:1]
    valid = slot >= 0
    lbl = lbl_ref[0]

    oh = (lax.broadcasted_iota(_I32, (G, N), 1) == pid).astype(_F32)
    rows = lax.dot_general(oh, blk, (((1,), (0,)), ((), ())),
                           preferred_element_type=_F32)
    tx = rows[:, 0:1]
    ty = rows[:, 1:2]
    tw_r = rows[:, 2:3]
    th_r = rows[:, 3:4]
    ohl = (lax.broadcasted_iota(_I32, (G, E), 1) == (lbl + 4)).astype(_F32)
    msel = jnp.sum(rows * ohl, axis=1, keepdims=True)

    gxf = (pid % S).astype(_F32)
    gyf = (pid // S).astype(_F32)
    px = (_sigmoid(tx) * 2.0 - 0.5 + gxf) * stride
    py = (_sigmoid(ty) * 2.0 - 0.5 + gyf) * stride
    pwd = _softplus(tw_r) * stride
    phd = _softplus(th_r) * stride
    mx1 = px - 0.5 * pwd
    mx2 = px + 0.5 * pwd
    my1 = py - 0.5 * phd
    my2 = py + 0.5 * phd

    gtb = gtb_ref[0]
    gcx = gtb[:, 0:1] * _IMG_SIZE
    gcy = gtb[:, 1:2] * _IMG_SIZE
    gw = gtb[:, 2:3] * _IMG_SIZE
    gh = gtb[:, 3:4] * _IMG_SIZE
    gx1 = gcx - 0.5 * gw
    gx2 = gcx + 0.5 * gw
    gy1 = gcy - 0.5 * gh
    gy2 = gcy + 0.5 * gh

    pw = jnp.maximum(mx2 - mx1, _EPS)
    ph = jnp.maximum(my2 - my1, _EPS)
    tw = jnp.maximum(gx2 - gx1, _EPS)
    th = jnp.maximum(gy2 - gy1, _EPS)
    iw = jnp.maximum(jnp.minimum(mx2, gx2) - jnp.maximum(mx1, gx1), 0.0)
    ih = jnp.maximum(jnp.minimum(my2, gy2) - jnp.maximum(my1, gy1), 0.0)
    inter = iw * ih
    union = pw * ph + tw * th - inter + _EPS
    iou = inter / union
    pcx = (mx1 + mx2) * 0.5
    pcy = (my1 + my2) * 0.5
    tcx = (gx1 + gx2) * 0.5
    tcy = (gy1 + gy2) * 0.5
    cd = (pcx - tcx) ** 2 + (pcy - tcy) ** 2
    cw = jnp.maximum(mx2, gx2) - jnp.minimum(mx1, gx1)
    ch = jnp.maximum(my2, gy2) - jnp.minimum(my1, gy1)
    c2 = cw ** 2 + ch ** 2 + _EPS
    v = (4.0 / (math.pi ** 2)) * (_atan_pos(tw / th) - _atan_pos(pw / ph)) ** 2
    alpha = v / (v - iou + 1.0 + _EPS)
    ciou = iou - cd / c2 - alpha * v
    box_i = jnp.sum(jnp.where(valid, 1.0 - ciou, 0.0))

    lm = msel
    pm = _sigmoid(lm)
    ce0 = _softplus(lm)
    ce1 = ce0 - lm
    delta = _ALPHA * ce1 * (1.0 - pm) ** 2 - (1.0 - _ALPHA) * ce0 * pm ** 2
    cls_i = fneg_ref[0][0, 0] + jnp.sum(jnp.where(valid, delta, 0.0))
    m_i = jnp.sum(jnp.where(valid, 1.0, 0.0))

    @pl.when(i == 0)
    def _():
        acc[0] = 0.0
        acc[1] = 0.0
        acc[2] = 0.0

    acc[0] += box_i
    acc[1] += cls_i
    acc[2] += m_i

    @pl.when(i == B - 1)
    def _():
        denom = jnp.maximum(acc[2], 1.0)
        loss = (_LAMBDA_BOX * acc[0] + _LAMBDA_CLS * acc[1]) / denom
        out_ref[...] = jnp.full((1, 128), loss, dtype=_F32)


def _final_call(sp3, preds_r, gt_boxes, lbl_r, fneg, S):
    B, G, _ = gt_boxes.shape
    N, E = preds_r.shape[1], preds_r.shape[2]
    body = functools.partial(_final_body, B, G, S)
    return pl.pallas_call(
        body,
        grid=(B,),
        in_specs=[pl.BlockSpec((1, 64, 1), lambda i: (i, 0, 0)),
                  pl.BlockSpec((1, N, E), lambda i: (i, 0, 0)),
                  pl.BlockSpec((1, G, 4), lambda i: (i, 0, 0)),
                  pl.BlockSpec((1, G, 1), lambda i: (i, 0, 0)),
                  pl.BlockSpec((1, 1, 128), lambda i: (i, 0, 0))],
        out_specs=pl.BlockSpec((1, 128), lambda i: (0, 0)),
        out_shape=jax.ShapeDtypeStruct((1, 128), _F32),
        scratch_shapes=[pltpu.SMEM((8,), _F32)],
    )(sp3, preds_r, gt_boxes, lbl_r, fneg)


def kernel(preds, gt_boxes, gt_labels):
    B, A, S, S2, E4 = preds.shape
    N = A * S * S2
    E = E4
    G = gt_boxes.shape[1]
    preds_r = preds.reshape(B, N, E)
    lbl_r = gt_labels.astype(_I32).reshape(B, G, 1)
    vals, ids, fneg = _head_call(preds_r, gt_boxes, lbl_r)
    sp = _greedy_call(vals.reshape(-1), ids.reshape(-1), B, G)
    out = _final_call(sp.reshape(B, 64, 1), preds_r, gt_boxes, lbl_r, fneg, S)
    return out[0, 0]

# --- scband reference (transcript-rebuilt; emitter-appended) ---
"""Pipeline reference for scband-loss-af-39994735460664 (READ-ONLY COPY).

The authoritative reference and input builder live on the scoring server;
editing this copy changes nothing except your own understanding.
"""

import math
import jax, jax.numpy as jnp
import numpy as np

NUM_CLASSES = 80
IMG_SIZE = 512
LAMBDA_BOX = 7.5
LAMBDA_CLS = 0.5
TOPK = 10
ALPHA_COST = 1.5
BETA_COST = 6.0
GAMMA = 2.0
ALPHA = 0.25
EPS = 1e-7


def setup_inputs(seed: int = 0):
    key = jax.random.key(seed)
    k1, k2, k3, k4 = jax.random.split(key, 4)
    preds = jax.random.normal(k1, (16, 1, 64, 64, 4 + NUM_CLASSES), dtype=jnp.float32)
    cxy = jax.random.uniform(k2, (16, 20, 2), minval=0.2, maxval=0.8)
    wh = jax.random.uniform(k4, (16, 20, 2), minval=0.05, maxval=0.3)
    gt_boxes = jnp.concatenate([cxy, wh], axis=-1).astype(jnp.float32)
    gt_labels = jax.random.randint(k3, (16, 20), 0, NUM_CLASSES)
    return {"preds": preds, "gt_boxes": gt_boxes, "gt_labels": gt_labels}


def _decode(p, stride):
    B, A, S, _, E = p.shape
    tx, ty, tw, th = p[..., 0], p[..., 1], p[..., 2], p[..., 3]
    logits = p[..., 4:]
    gy, gx = jnp.meshgrid(jnp.arange(S, dtype=p.dtype), jnp.arange(S, dtype=p.dtype), indexing="ij")
    gx = gx.reshape(1, 1, S, S)
    gy = gy.reshape(1, 1, S, S)
    px = (jax.nn.sigmoid(tx) * 2.0 - 0.5 + gx) * stride
    py = (jax.nn.sigmoid(ty) * 2.0 - 0.5 + gy) * stride
    pw = jax.nn.softplus(tw) * stride
    ph = jax.nn.softplus(th) * stride
    pred_box = jnp.stack([px, py, pw, ph], axis=-1).reshape(B, -1, 4)
    pred_cls = logits.reshape(B, -1, NUM_CLASSES)
    return pred_box, pred_cls


def xywh_to_xyxy(b):
    cx, cy, w, h = b[..., 0], b[..., 1], b[..., 2], b[..., 3]
    return jnp.stack([cx - 0.5 * w, cy - 0.5 * h, cx + 0.5 * w, cy + 0.5 * h], axis=-1)


def bbox_iou(b1, b2, eps=1e-7):
    a1 = jnp.maximum(b1[:, 2] - b1[:, 0], 0.0) * jnp.maximum(b1[:, 3] - b1[:, 1], 0.0)
    a2 = jnp.maximum(b2[:, 2] - b2[:, 0], 0.0) * jnp.maximum(b2[:, 3] - b2[:, 1], 0.0)
    ix1 = jnp.maximum(b1[:, None, 0], b2[None, :, 0])
    iy1 = jnp.maximum(b1[:, None, 1], b2[None, :, 1])
    ix2 = jnp.minimum(b1[:, None, 2], b2[None, :, 2])
    iy2 = jnp.minimum(b1[:, None, 3], b2[None, :, 3])
    inter = jnp.maximum(ix2 - ix1, 0.0) * jnp.maximum(iy2 - iy1, 0.0)
    union = a1[:, None] + a2[None, :] - inter + eps
    return jnp.clip(inter / union, 0.0, 1.0)


def bbox_ciou(p, t, eps=1e-7):
    px1, py1, px2, py2 = p[..., 0], p[..., 1], p[..., 2], p[..., 3]
    tx1, ty1, tx2, ty2 = t[..., 0], t[..., 1], t[..., 2], t[..., 3]
    pw = jnp.maximum(px2 - px1, eps)
    ph = jnp.maximum(py2 - py1, eps)
    tw = jnp.maximum(tx2 - tx1, eps)
    th = jnp.maximum(ty2 - ty1, eps)
    iw = jnp.maximum(jnp.minimum(px2, tx2) - jnp.maximum(px1, tx1), 0.0)
    ih = jnp.maximum(jnp.minimum(py2, ty2) - jnp.maximum(py1, ty1), 0.0)
    inter = iw * ih
    union = pw * ph + tw * th - inter + eps
    iou = inter / union
    pcx = (px1 + px2) * 0.5
    pcy = (py1 + py2) * 0.5
    tcx = (tx1 + tx2) * 0.5
    tcy = (ty1 + ty2) * 0.5
    cd = (pcx - tcx) ** 2 + (pcy - tcy) ** 2
    cw = jnp.maximum(px2, tx2) - jnp.minimum(px1, tx1)
    ch = jnp.maximum(py2, ty2) - jnp.minimum(py1, ty1)
    c2 = cw ** 2 + ch ** 2 + eps
    v = (4.0 / math.pi ** 2) * (jnp.arctan(tw / th) - jnp.arctan(pw / ph)) ** 2
    alpha = jax.lax.stop_gradient(v / (v - iou + 1.0 + eps))
    return iou - cd / c2 - alpha * v


def focal_loss_map(logits, targets):
    p = jax.nn.sigmoid(logits)
    ce = jnp.maximum(logits, 0.0) - logits * targets + jnp.log1p(jnp.exp(-jnp.abs(logits)))
    pt = p * targets + (1.0 - p) * (1.0 - targets)
    loss = ce * (1.0 - pt) ** GAMMA
    at = ALPHA * targets + (1.0 - ALPHA) * (1.0 - targets)
    return at * loss


def one_to_one_greedy(cost, is_cand):
    Npred, Ngt = cost.shape
    masked = jnp.where(is_cand[:, None], cost, jnp.inf)
    order = jnp.argsort(masked.reshape(-1))
    order = order[: TOPK * Ngt * Ngt]
    assigned0 = jnp.full((Ngt,), -1, dtype=jnp.int32)
    used0 = jnp.zeros((Npred,), dtype=bool)

    def body(carry, idx):
        assigned, used = carry
        c = (idx // Ngt).astype(jnp.int32)
        g = (idx % Ngt).astype(jnp.int32)
        ok = is_cand[c] & (assigned[g] == -1) & jnp.logical_not(used[c])
        assigned = assigned.at[g].set(jnp.where(ok, c, assigned[g]))
        used = used.at[c].set(used[c] | ok)
        return (assigned, used), None

    (assigned, _), _ = jax.lax.scan(body, (assigned0, used0), order)
    return assigned


def _match(pred_xyxy_b, logits_b, gt_xyxy_b, lbl_b):
    sel = logits_b[:, lbl_b]
    pcls = jnp.clip(jax.nn.sigmoid(sel), 1e-6, 1.0 - 1e-6)
    cost_cls = -jnp.log(pcls)
    iou = bbox_iou(pred_xyxy_b, gt_xyxy_b)
    cost_iou = -jnp.log(iou + EPS)
    cost = ALPHA_COST * cost_cls + BETA_COST * cost_iou
    _, topi = jax.lax.top_k(-cost.T, TOPK)
    is_cand = jnp.zeros((cost.shape[0],), dtype=bool).at[topi.reshape(-1)].set(True)
    return one_to_one_greedy(cost, is_cand)


def reference(preds, gt_boxes, gt_labels):
    S = preds.shape[2]
    stride = float(IMG_SIZE) / float(S)
    pred_box, pred_cls = _decode(preds, stride)
    pred_xyxy = xywh_to_xyxy(pred_box)
    gt_xyxy = xywh_to_xyxy(gt_boxes * float(IMG_SIZE))
    B, N, C = pred_cls.shape
    total_box = jnp.float32(0.0)
    total_cls = jnp.float32(0.0)
    total_m = jnp.int32(0)
    for b in range(B):
        assigned = _match(pred_xyxy[b], pred_cls[b], gt_xyxy[b], gt_labels[b])
        valid = assigned >= 0
        midx = jnp.where(valid, assigned, 0)
        cio = bbox_ciou(pred_xyxy[b][midx], gt_xyxy[b])
        total_box = total_box + jnp.sum(jnp.where(valid, 1.0 - cio, 0.0))
        midx_drop = jnp.where(valid, assigned, jnp.int32(N))
        tgt = jnp.zeros((N, C), dtype=jnp.float32).at[midx_drop, gt_labels[b]].set(1.0, mode="drop")
        total_cls = total_cls + jnp.sum(focal_loss_map(pred_cls[b], tgt))
        total_m = total_m + jnp.sum(valid).astype(jnp.int32)
    denom = jnp.maximum(total_m, 1).astype(jnp.float32)
    return LAMBDA_BOX * total_box / denom + LAMBDA_CLS * total_cls / denom

if __name__ == "__main__":
    import jax
    _d = setup_inputs()
    print(jax.jit(kernel)(*tuple(_d.values())))

</pallas_src>

<mosaic_0001>
#map = affine_map<(d0, d1) -> (0)>
module attributes {stable_mosaic.version = 14 : i64} {
  func.func @_greedy_sc_body(%arg0: i32, %arg1: i32, %arg2: memref<6400xf32, #tpu.memory_space<hbm>>, %arg3: memref<6400xi32, #tpu.memory_space<hbm>>, %arg4: memref<1024xi32, #tpu.memory_space<hbm>>, %arg5: memref<400xf32, #tpu.memory_space<vmem>>, %arg6: memref<400xi32, #tpu.memory_space<vmem>>, %arg7: memref<64xi32, #tpu.memory_space<vmem>>) attributes {dimension_semantics = [#tpu.dimension_semantics<core_parallel>, #tpu.dimension_semantics<subcore_parallel>], iteration_bounds = array<i64: 2, 16>, scalar_prefetch = 0 : i64, scratch_operands = 3 : i64, tpu.core_type = #tpu.core_type<sc_vector_subcore>, window_params = [{transform_indices = #map}, {transform_indices = #map}, {transform_indices = #map}]} {
    %mul3A = arith.constant 2 : i32
    %mul3A_0 = arith.muli %arg1, %mul3A : i32
    %add3A = arith.addi %mul3A_0, %arg0 : i32
    %lt3A = arith.constant 16 : i32
    %lt3A_1 = arith.cmpi slt, %add3A, %lt3A : i32
    %convert_element_type3A = arith.extui %lt3A_1 : i1 to i32
    %cond3A = arith.constant 0 : i32
    %cond3A_2 = arith.cmpi ne, %convert_element_type3A, %cond3A : i32
    scf.if %cond3A_2 {
      %mul3A_3 = arith.constant 400 : i32
      %mul3A_4 = arith.muli %add3A, %mul3A_3 : i32
      "tpu.region"() ({
        %run_scoped3A = tpu.sem_alloc : memref<!tpu.dma_semaphore, #tpu.memory_space<semaphore_mem>>
        %dma_start3A = tpu.memref_slice %arg2[%mul3A_4] : memref<6400xf32, #tpu.memory_space<hbm>> -> memref<400xf32, #tpu.memory_space<hbm>>
        %dma_start3A_37 = tpu.memref_slice %arg2[%mul3A_4] : memref<6400xf32, #tpu.memory_space<hbm>> -> memref<400xf32, #tpu.memory_space<hbm>>
        tpu.enqueue_dma source(%dma_start3A_37 : memref<400xf32, #tpu.memory_space<hbm>>) target(%arg5 : memref<400xf32, #tpu.memory_space<vmem>>) target_semaphore(%run_scoped3A : memref<!tpu.dma_semaphore, #tpu.memory_space<semaphore_mem>>)
        %dma_wait3A = tpu.memref_slice %arg2[%mul3A_4] : memref<6400xf32, #tpu.memory_space<hbm>> -> memref<400xf32, #tpu.memory_space<hbm>>
        %dma_wait3A_38 = tpu.memref_slice %arg2[%mul3A_4] : memref<6400xf32, #tpu.memory_space<hbm>> -> memref<400xf32, #tpu.memory_space<hbm>>
        tpu.wait_dma2 semaphore(%run_scoped3A : memref<!tpu.dma_semaphore, #tpu.memory_space<semaphore_mem>>) src(%dma_wait3A_38 : memref<400xf32, #tpu.memory_space<hbm>>) dst(%arg5 : memref<400xf32, #tpu.memory_space<vmem>>)
        tpu.yield
      }) : () -> ()
      %mul3A_5 = arith.constant 400 : i32
      %mul3A_6 = arith.muli %add3A, %mul3A_5 : i32
      "tpu.region"() ({
        %run_scoped3A = tpu.sem_alloc : memref<!tpu.dma_semaphore, #tpu.memory_space<semaphore_mem>>
        %dma_start3A = tpu.memref_slice %arg3[%mul3A_6] : memref<6400xi32, #tpu.memory_space<hbm>> -> memref<400xi32, #tpu.memory_space<hbm>>
        %dma_start3A_37 = tpu.memref_slice %arg3[%mul3A_6] : memref<6400xi32, #tpu.memory_space<hbm>> -> memref<400xi32, #tpu.memory_space<hbm>>
        tpu.enqueue_dma source(%dma_start3A_37 : memref<400xi32, #tpu.memory_space<hbm>>) target(%arg6 : memref<400xi32, #tpu.memory_space<vmem>>) target_semaphore(%run_scoped3A : memref<!tpu.dma_semaphore, #tpu.memory_space<semaphore_mem>>)
        %dma_wait3A = tpu.memref_slice %arg3[%mul3A_6] : memref<6400xi32, #tpu.memory_space<hbm>> -> memref<400xi32, #tpu.memory_space<hbm>>
        %dma_wait3A_38 = tpu.memref_slice %arg3[%mul3A_6] : memref<6400xi32, #tpu.memory_space<hbm>> -> memref<400xi32, #tpu.memory_space<hbm>>
        tpu.wait_dma2 semaphore(%run_scoped3A : memref<!tpu.dma_semaphore, #tpu.memory_space<semaphore_mem>>) src(%dma_wait3A_38 : memref<400xi32, #tpu.memory_space<hbm>>) dst(%arg6 : memref<400xi32, #tpu.memory_space<vmem>>)
        tpu.yield
      }) : () -> ()
      %iota3A = tpu.iota {dimensions = array<i32: 0>} : vector<16xi32>
      %broadcast_in_dim3A = arith.constant -1 : i32
      %broadcast_in_dim3A_7 = vector.broadcast %broadcast_in_dim3A : i32 to vector<16xi32>
      %swap3A = arith.constant 0 : index
      %swap3A_8 = tpu.vector_load %arg7[%swap3A] {strides = array<i32>} : memref<64xi32, #tpu.memory_space<vmem>>, vector<16xi32>,
      %swap3A_9 = vector.shape_cast %swap3A_8 : vector<16xi32> to vector<16xi32>
      %swap3A_10 = vector.shape_cast %broadcast_in_dim3A_7 : vector<16xi32> to vector<16xi32>
      tpu.vector_store %arg7[%swap3A], %swap3A_10 {strides = array<i32>} : memref<64xi32, #tpu.memory_space<vmem>>, vector<16xi32>,
      %broadcast_in_dim3A_11 = arith.constant -1 : i32
      %broadcast_in_dim3A_12 = vector.broadcast %broadcast_in_dim3A_11 : i32 to vector<16xi32>
      %swap3A_13 = arith.constant 16 : index
      %swap3A_14 = tpu.vector_load %arg7[%swap3A_13] {strides = array<i32>} : memref<64xi32, #tpu.memory_space<vmem>>, vector<16xi32>,
      %swap3A_15 = vector.shape_cast %swap3A_14 : vector<16xi32> to vector<16xi32>
      %swap3A_16 = vector.shape_cast %broadcast_in_dim3A_12 : vector<16xi32> to vector<16xi32>
      tpu.vector_store %arg7[%swap3A_13], %swap3A_16 {strides = array<i32>} : memref<64xi32, #tpu.memory_space<vmem>>, vector<16xi32>,
      %broadcast_in_dim3A_17 = arith.constant 0 : i32
      %broadcast_in_dim3A_18 = vector.broadcast %broadcast_in_dim3A_17 : i32 to vector<16xi32>
      %swap3A_19 = arith.constant 32 : index
      %swap3A_20 = tpu.vector_load %arg7[%swap3A_19] {strides = array<i32>} : memref<64xi32, #tpu.memory_space<vmem>>, vector<16xi32>,
      %swap3A_21 = vector.shape_cast %swap3A_20 : vector<16xi32> to vector<16xi32>
      %swap3A_22 = vector.shape_cast %broadcast_in_dim3A_18 : vector<16xi32> to vector<16xi32>
      tpu.vector_store %arg7[%swap3A_19], %swap3A_22 {strides = array<i32>} : memref<64xi32, #tpu.memory_space<vmem>>, vector<16xi32>,
      %broadcast_in_dim3A_23 = arith.constant 0 : i32
      %broadcast_in_dim3A_24 = vector.broadcast %broadcast_in_dim3A_23 : i32 to vector<16xi32>
      %swap3A_25 = arith.constant 48 : index
      %swap3A_26 = tpu.vector_load %arg7[%swap3A_25] {strides = array<i32>} : memref<64xi32, #tpu.memory_space<vmem>>, vector<16xi32>,
      %swap3A_27 = vector.shape_cast %swap3A_26 : vector<16xi32> to vector<16xi32>
      %swap3A_28 = vector.shape_cast %broadcast_in_dim3A_24 : vector<16xi32> to vector<16xi32>
      tpu.vector_store %arg7[%swap3A_25], %swap3A_28 {strides = array<i32>} : memref<64xi32, #tpu.memory_space<vmem>>, vector<16xi32>,
      %scan3A = arith.constant 0 : i32
      %scan3A_29 = arith.constant 1073741824 : i32
      %scan3A_30 = arith.constant 0 : i32
      %scan3A_31 = arith.constant 20 : i32
      %scan3A_32 = arith.addi %scan3A_30, %scan3A_31 : i32
      %scan3A_33 = arith.constant 1 : i32
      scf.for %scan3A_37 = %scan3A_30 to %scan3A_32 step %scan3A_33  : i32 {
        %broadcast_in_dim3A_38 = arith.constant 0x7F800000 : f32
        %broadcast_in_dim3A_39 = vector.broadcast %broadcast_in_dim3A_38 : f32 to vector<16xf32>
        %broadcast_in_dim3A_40 = vector.broadcast %scan3A_29 : i32 to vector<16xi32>
        %get3A = arith.constant 0 : index
        %get3A_41 = tpu.vector_load %arg5[%get3A] {strides = array<i32>} : memref<400xf32, #tpu.memory_space<vmem>>, vector<16xf32>,
        %get3A_42 = vector.shape_cast %get3A_41 : vector<16xf32> to vector<16xf32>
        %add3A_43 = arith.constant 0 : i32
        %add3A_44 = vector.broadcast %add3A_43 : i32 to vector<16xi32>
        %add3A_45 = arith.addi %iota3A, %add3A_44 : vector<16xi32>
        %lt3A_46 = arith.cmpf olt, %get3A_42, %broadcast_in_dim3A_39 : vector<16xf32>
        %select_n3A = arith.select %lt3A_46, %get3A_42, %broadcast_in_dim3A_39 : vector<16xi1>, vector<16xf32>
        %select_n3A_47 = arith.select %lt3A_46, %add3A_45, %broadcast_in_dim3A_40 : vector<16xi1>, vector<16xi32>
        %get3A_48 = arith.constant 16 : index
        %get3A_49 = tpu.vector_load %arg5[%get3A_48] {strides = array<i32>} : memref<400xf32, #tpu.memory_space<vmem>>, vector<16xf32>,
        %get3A_50 = vector.shape_cast %get3A_49 : vector<16xf32> to vector<16xf32>
        %add3A_51 = arith.constant 16 : i32
        %add3A_52 = vector.broadcast %add3A_51 : i32 to vector<16xi32>
        %add3A_53 = arith.addi %iota3A, %add3A_52 : vector<16xi32>
        %lt3A_54 = arith.cmpf olt, %get3A_50, %select_n3A : vector<16xf32>
        %select_n3A_55 = arith.select %lt3A_54, %get3A_50, %select_n3A : vector<16xi1>, vector<16xf32>
        %select_n3A_56 = arith.select %lt3A_54, %add3A_53, %select_n3A_47 : vector<16xi1>, vector<16xi32>
        %get3A_57 = arith.constant 32 : index
        %get3A_58 = tpu.vector_load %arg5[%get3A_57] {strides = array<i32>} : memref<400xf32, #tpu.memory_space<vmem>>, vector<16xf32>,
        %get3A_59 = vector.shape_cast %get3A_58 : vector<16xf32> to vector<16xf32>
        %add3A_60 = arith.constant 32 : i32
        %add3A_61 = vector.broadcast %add3A_60 : i32 to vector<16xi32>
        %add3A_62 = arith.addi %iota3A, %add3A_61 : vector<16xi32>
        %lt3A_63 = arith.cmpf olt, %get3A_59, %select_n3A_55 : vector<16xf32>
        %select_n3A_64 = arith.select %lt3A_63, %get3A_59, %select_n3A_55 : vector<16xi1>, vector<16xf32>
        %select_n3A_65 = arith.select %lt3A_63, %add3A_62, %select_n3A_56 : vector<16xi1>, vector<16xi32>
        %get3A_66 = arith.constant 48 : index
        %get3A_67 = tpu.vector_load %arg5[%get3A_66] {strides = array<i32>} : memref<400xf32, #tpu.memory_space<vmem>>, vector<16xf32>,
        %get3A_68 = vector.shape_cast %get3A_67 : vector<16xf32> to vector<16xf32>
        %add3A_69 = arith.constant 48 : i32
        %add3A_70 = vector.broadcast %add3A_69 : i32 to vector<16xi32>
        %add3A_71 = arith.addi %iota3A, %add3A_70 : vector<16xi32>
        %lt3A_72 = arith.cmpf olt, %get3A_68, %select_n3A_64 : vector<16xf32>
        %select_n3A_73 = arith.select %lt3A_72, %get3A_68, %select_n3A_64 : vector<16xi1>, vector<16xf32>
        %select_n3A_74 = arith.select %lt3A_72, %add3A_71, %select_n3A_65 : vector<16xi1>, vector<16xi32>
        %get3A_75 = arith.constant 64 : index
        %get3A_76 = tpu.vector_load %arg5[%get3A_75] {strides = array<i32>} : memref<400xf32, #tpu.memory_space<vmem>>, vector<16xf32>,
        %get3A_77 = vector.shape_cast %get3A_76 : vector<16xf32> to vector<16xf32>
        %add3A_78 = arith.constant 64 : i32
        %add3A_79 = vector.broadcast %add3A_78 : i32 to vector<16xi32>
        %add3A_80 = arith.addi %iota3A, %add3A_79 : vector<16xi32>
        %lt3A_81 = arith.cmpf olt, %get3A_77, %select_n3A_73 : vector<16xf32>
        %select_n3A_82 = arith.select %lt3A_81, %get3A_77, %select_n3A_73 : vector<16xi1>, vector<16xf32>
        %select_n3A_83 = arith.select %lt3A_81, %add3A_80, %select_n3A_74 : vector<16xi1>, vector<16xi32>
        %get3A_84 = arith.constant 80 : index
        %get3A_85 = tpu.vector_load %arg5[%get3A_84] {strides = array<i32>} : memref<400xf32, #tpu.memory_space<vmem>>, vector<16xf32>,
        %get3A_86 = vector.shape_cast %get3A_85 : vector<16xf32> to vector<16xf32>
        %add3A_87 = arith.constant 80 : i32
        %add3A_88 = vector.broadcast %add3A_87 : i32 to vector<16xi32>
        %add3A_89 = arith.addi %iota3A, %add3A_88 : vector<16xi32>
        %lt3A_90 = arith.cmpf olt, %get3A_86, %select_n3A_82 : vector<16xf32>
        %select_n3A_91 = arith.select %lt3A_90, %get3A_86, %select_n3A_82 : vector<16xi1>, vector<16xf32>
        %select_n3A_92 = arith.select %lt3A_90, %add3A_89, %select_n3A_83 : vector<16xi1>, vector<16xi32>
        %get3A_93 = arith.constant 96 : index
        %get3A_94 = tpu.vector_load %arg5[%get3A_93] {strides = array<i32>} : memref<400xf32, #tpu.memory_space<vmem>>, vector<16xf32>,
        %get3A_95 = vector.shape_cast %get3A_94 : vector<16xf32> to vector<16xf32>
        %add3A_96 = arith.constant 96 : i32
        %add3A_97 = vector.broadcast %add3A_96 : i32 to vector<16xi32>
        %add3A_98 = arith.addi %iota3A, %add3A_97 : vector<16xi32>
        %lt3A_99 = arith.cmpf olt, %get3A_95, %select_n3A_91 : vector<16xf32>
        %select_n3A_100 = arith.select %lt3A_99, %get3A_95, %select_n3A_91 : vector<16xi1>, vector<16xf32>
        %select_n3A_101 = arith.select %lt3A_99, %add3A_98, %select_n3A_92 : vector<16xi1>, vector<16xi32>
        %get3A_102 = arith.constant 112 : index
        %get3A_103 = tpu.vector_load %arg5[%get3A_102] {strides = array<i32>} : memref<400xf32, #tpu.memory_space<vmem>>, vector<16xf32>,
        %get3A_104 = vector.shape_cast %get3A_103 : vector<16xf32> to vector<16xf32>
        %add3A_105 = arith.constant 112 : i32
        %add3A_106 = vector.broadcast %add3A_105 : i32 to vector<16xi32>
        %add3A_107 = arith.addi %iota3A, %add3A_106 : vector<16xi32>
        %lt3A_108 = arith.cmpf olt, %get3A_104, %select_n3A_100 : vector<16xf32>
        %select_n3A_109 = arith.select %lt3A_108, %get3A_104, %select_n3A_100 : vector<16xi1>, vector<16xf32>
        %select_n3A_110 = arith.select %lt3A_108, %add3A_107, %select_n3A_101 : vector<16xi1>, vector<16xi32>
        %get3A_111 = arith.constant 128 : index
        %get3A_112 = tpu.vector_load %arg5[%get3A_111] {strides = array<i32>} : memref<400xf32, #tpu.memory_space<vmem>>, vector<16xf32>,
        %get3A_113 = vector.shape_cast %get3A_112 : vector<16xf32> to vector<16xf32>
        %add3A_114 = arith.constant 128 : i32
        %add3A_115 = vector.broadcast %add3A_114 : i32 to vector<16xi32>
        %add3A_116 = arith.addi %iota3A, %add3A_115 : vector<16xi32>
        %lt3A_117 = arith.cmpf olt, %get3A_113, %select_n3A_109 : vector<16xf32>
        %select_n3A_118 = arith.select %lt3A_117, %get3A_113, %select_n3A_109 : vector<16xi1>, vector<16xf32>
        %select_n3A_119 = arith.select %lt3A_117, %add3A_116, %select_n3A_110 : vector<16xi1>, vector<16xi32>
        %get3A_120 = arith.constant 144 : index
        %get3A_121 = tpu.vector_load %arg5[%get3A_120] {strides = array<i32>} : memref<400xf32, #tpu.memory_space<vmem>>, vector<16xf32>,
        %get3A_122 = vector.shape_cast %get3A_121 : vector<16xf32> to vector<16xf32>
        %add3A_123 = arith.constant 144 : i32
        %add3A_124 = vector.broadcast %add3A_123 : i32 to vector<16xi32>
        %add3A_125 = arith.addi %iota3A, %add3A_124 : vector<16xi32>
        %lt3A_126 = arith.cmpf olt, %get3A_122, %select_n3A_118 : vector<16xf32>
        %select_n3A_127 = arith.select %lt3A_126, %get3A_122, %select_n3A_118 : vector<16xi1>, vector<16xf32>
        %select_n3A_128 = arith.select %lt3A_126, %add3A_125, %select_n3A_119 : vector<16xi1>, vector<16xi32>
        %get3A_129 = arith.constant 160 : index
        %get3A_130 = tpu.vector_load %arg5[%get3A_129] {strides = array<i32>} : memref<400xf32, #tpu.memory_space<vmem>>, vector<16xf32>,
        %get3A_131 = vector.shape_cast %get3A_130 : vector<16xf32> to vector<16xf32>
        %add3A_132 = arith.constant 160 : i32
        %add3A_133 = vector.broadcast %add3A_132 : i32 to vector<16xi32>
        %add3A_134 = arith.addi %iota3A, %add3A_133 : vector<16xi32>
        %lt3A_135 = arith.cmpf olt, %get3A_131, %select_n3A_127 : vector<16xf32>
        %select_n3A_136 = arith.select %lt3A_135, %get3A_131, %select_n3A_127 : vector<16xi1>, vector<16xf32>
        %select_n3A_137 = arith.select %lt3A_135, %add3A_134, %select_n3A_128 : vector<16xi1>, vector<16xi32>
        %get3A_138 = arith.constant 176 : index
        %get3A_139 = tpu.vector_load %arg5[%get3A_138] {strides = array<i32>} : memref<400xf32, #tpu.memory_space<vmem>>, vector<16xf32>,
        %get3A_140 = vector.shape_cast %get3A_139 : vector<16xf32> to vector<16xf32>
        %add3A_141 = arith.constant 176 : i32
        %add3A_142 = vector.broadcast %add3A_141 : i32 to vector<16xi32>
        %add3A_143 = arith.addi %iota3A, %add3A_142 : vector<16xi32>
        %lt3A_144 = arith.cmpf olt, %get3A_140, %select_n3A_136 : vector<16xf32>
        %select_n3A_145 = arith.select %lt3A_144, %get3A_140, %select_n3A_136 : vector<16xi1>, vector<16xf32>
        %select_n3A_146 = arith.select %lt3A_144, %add3A_143, %select_n3A_137 : vector<16xi1>, vector<16xi32>
        %get3A_147 = arith.constant 192 : index
        %get3A_148 = tpu.vector_load %arg5[%get3A_147] {strides = array<i32>} : memref<400xf32, #tpu.memory_space<vmem>>, vector<16xf32>,
        %get3A_149 = vector.shape_cast %get3A_148 : vector<16xf32> to vector<16xf32>
        %add3A_150 = arith.constant 192 : i32
        %add3A_151 = vector.broadcast %add3A_150 : i32 to vector<16xi32>
        %add3A_152 = arith.addi %iota3A, %add3A_151 : vector<16xi32>
        %lt3A_153 = arith.cmpf olt, %get3A_149, %select_n3A_145 : vector<16xf32>
        %select_n3A_154 = arith.select %lt3A_153, %get3A_149, %select_n3A_145 : vector<16xi1>, vector<16xf32>
        %select_n3A_155 = arith.select %lt3A_153, %add3A_152, %select_n3A_146 : vector<16xi1>, vector<16xi32>
        %get3A_156 = arith.constant 208 : index
        %get3A_157 = tpu.vector_load %arg5[%get3A_156] {strides = array<i32>} : memref<400xf32, #tpu.memory_space<vmem>>, vector<16xf32>,
        %get3A_158 = vector.shape_cast %get3A_157 : vector<16xf32> to vector<16xf32>
        %add3A_159 = arith.constant 208 : i32
        %add3A_160 = vector.broadcast %add3A_159 : i32 to vector<16xi32>
        %add3A_161 = arith.addi %iota3A, %add3A_160 : vector<16xi32>
        %lt3A_162 = arith.cmpf olt, %get3A_158, %select_n3A_154 : vector<16xf32>
        %select_n3A_163 = arith.select %lt3A_162, %get3A_158, %select_n3A_154 : vector<16xi1>, vector<16xf32>
        %select_n3A_164 = arith.select %lt3A_162, %add3A_161, %select_n3A_155 : vector<16xi1>, vector<16xi32>
        %get3A_165 = arith.constant 224 : index
        %get3A_166 = tpu.vector_load %arg5[%get3A_165] {strides = array<i32>} : memref<400xf32, #tpu.memory_space<vmem>>, vector<16xf32>,
        %get3A_167 = vector.shape_cast %get3A_166 : vector<16xf32> to vector<16xf32>
        %add3A_168 = arith.constant 224 : i32
        %add3A_169 = vector.broadcast %add3A_168 : i32 to vector<16xi32>
        %add3A_170 = arith.addi %iota3A, %add3A_169 : vector<16xi32>
        %lt3A_171 = arith.cmpf olt, %get3A_167, %select_n3A_163 : vector<16xf32>
        %select_n3A_172 = arith.select %lt3A_171, %get3A_167, %select_n3A_163 : vector<16xi1>, vector<16xf32>
        %select_n3A_173 = arith.select %lt3A_171, %add3A_170, %select_n3A_164 : vector<16xi1>, vector<16xi32>
        %get3A_174 = arith.constant 240 : index
        %get3A_175 = tpu.vector_load %arg5[%get3A_174] {strides = array<i32>} : memref<400xf32, #tpu.memory_space<vmem>>, vector<16xf32>,
        %get3A_176 = vector.shape_cast %get3A_175 : vector<16xf32> to vector<16xf32>
        %add3A_177 = arith.constant 240 : i32
        %add3A_178 = vector.broadcast %add3A_177 : i32 to vector<16xi32>
        %add3A_179 = arith.addi %iota3A, %add3A_178 : vector<16xi32>
        %lt3A_180 = arith.cmpf olt, %get3A_176, %select_n3A_172 : vector<16xf32>
        %select_n3A_181 = arith.select %lt3A_180, %get3A_176, %select_n3A_172 : vector<16xi1>, vector<16xf32>
        %select_n3A_182 = arith.select %lt3A_180, %add3A_179, %select_n3A_173 : vector<16xi1>, vector<16xi32>
        %get3A_183 = arith.constant 256 : index
        %get3A_184 = tpu.vector_load %arg5[%get3A_183] {strides = array<i32>} : memref<400xf32, #tpu.memory_space<vmem>>, vector<16xf32>,
        %get3A_185 = vector.shape_cast %get3A_184 : vector<16xf32> to vector<16xf32>
        %add3A_186 = arith.constant 256 : i32
        %add3A_187 = vector.broadcast %add3A_186 : i32 to vector<16xi32>
        %add3A_188 = arith.addi %iota3A, %add3A_187 : vector<16xi32>
        %lt3A_189 = arith.cmpf olt, %get3A_185, %select_n3A_181 : vector<16xf32>
        %select_n3A_190 = arith.select %lt3A_189, %get3A_185, %select_n3A_181 : vector<16xi1>, vector<16xf32>
        %select_n3A_191 = arith.select %lt3A_189, %add3A_188, %select_n3A_182 : vector<16xi1>, vector<16xi32>
        %get3A_192 = arith.constant 272 : index
        %get3A_193 = tpu.vector_load %arg5[%get3A_192] {strides = array<i32>} : memref<400xf32, #tpu.memory_space<vmem>>, vector<16xf32>,
        %get3A_194 = vector.shape_cast %get3A_193 : vector<16xf32> to vector<16xf32>
        %add3A_195 = arith.constant 272 : i32
        %add3A_196 = vector.broadcast %add3A_195 : i32 to vector<16xi32>
        %add3A_197 = arith.addi %iota3A, %add3A_196 : vector<16xi32>
        %lt3A_198 = arith.cmpf olt, %get3A_194, %select_n3A_190 : vector<16xf32>
        %select_n3A_199 = arith.select %lt3A_198, %get3A_194, %select_n3A_190 : vector<16xi1>, vector<16xf32>
        %select_n3A_200 = arith.select %lt3A_198, %add3A_197, %select_n3A_191 : vector<16xi1>, vector<16xi32>
        %get3A_201 = arith.constant 288 : index
        %get3A_202 = tpu.vector_load %arg5[%get3A_201] {strides = array<i32>} : memref<400xf32, #tpu.memory_space<vmem>>, vector<16xf32>,
        %get3A_203 = vector.shape_cast %get3A_202 : vector<16xf32> to vector<16xf32>
        %add3A_204 = arith.constant 288 : i32
        %add3A_205 = vector.broadcast %add3A_204 : i32 to vector<16xi32>
        %add3A_206 = arith.addi %iota3A, %add3A_205 : vector<16xi32>
        %lt3A_207 = arith.cmpf olt, %get3A_203, %select_n3A_199 : vector<16xf32>
        %select_n3A_208 = arith.select %lt3A_207, %get3A_203, %select_n3A_199 : vector<16xi1>, vector<16xf32>
        %select_n3A_209 = arith.select %lt3A_207, %add3A_206, %select_n3A_200 : vector<16xi1>, vector<16xi32>
        %get3A_210 = arith.constant 304 : index
        %get3A_211 = tpu.vector_load %arg5[%get3A_210] {strides = array<i32>} : memref<400xf32, #tpu.memory_space<vmem>>, vector<16xf32>,
        %get3A_212 = vector.shape_cast %get3A_211 : vector<16xf32> to vector<16xf32>
        %add3A_213 = arith.constant 304 : i32
        %add3A_214 = vector.broadcast %add3A_213 : i32 to vector<16xi32>
        %add3A_215 = arith.addi %iota3A, %add3A_214 : vector<16xi32>
        %lt3A_216 = arith.cmpf olt, %get3A_212, %select_n3A_208 : vector<16xf32>
        %select_n3A_217 = arith.select %lt3A_216, %get3A_212, %select_n3A_208 : vector<16xi1>, vector<16xf32>
        %select_n3A_218 = arith.select %lt3A_216, %add3A_215, %select_n3A_209 : vector<16xi1>, vector<16xi32>
        %get3A_219 = arith.constant 320 : index
        %get3A_220 = tpu.vector_load %arg5[%get3A_219] {strides = array<i32>} : memref<400xf32, #tpu.memory_space<vmem>>, vector<16xf32>,
        %get3A_221 = vector.shape_cast %get3A_220 : vector<16xf32> to vector<16xf32>
        %add3A_222 = arith.constant 320 : i32
        %add3A_223 = vector.broadcast %add3A_222 : i32 to vector<16xi32>
        %add3A_224 = arith.addi %iota3A, %add3A_223 : vector<16xi32>
        %lt3A_225 = arith.cmpf olt, %get3A_221, %select_n3A_217 : vector<16xf32>
        %select_n3A_226 = arith.select %lt3A_225, %get3A_221, %select_n3A_217 : vector<16xi1>, vector<16xf32>
        %select_n3A_227 = arith.select %lt3A_225, %add3A_224, %select_n3A_218 : vector<16xi1>, vector<16xi32>
        %get3A_228 = arith.constant 336 : index
        %get3A_229 = tpu.vector_load %arg5[%get3A_228] {strides = array<i32>} : memref<400xf32, #tpu.memory_space<vmem>>, vector<16xf32>,
        %get3A_230 = vector.shape_cast %get3A_229 : vector<16xf32> to vector<16xf32>
        %add3A_231 = arith.constant 336 : i32
        %add3A_232 = vector.broadcast %add3A_231 : i32 to vector<16xi32>
        %add3A_233 = arith.addi %iota3A, %add3A_232 : vector<16xi32>
        %lt3A_234 = arith.cmpf olt, %get3A_230, %select_n3A_226 : vector<16xf32>
        %select_n3A_235 = arith.select %lt3A_234, %get3A_230, %select_n3A_226 : vector<16xi1>, vector<16xf32>
        %select_n3A_236 = arith.select %lt3A_234, %add3A_233, %select_n3A_227 : vector<16xi1>, vector<16xi32>
        %get3A_237 = arith.constant 352 : index
        %get3A_238 = tpu.vector_load %arg5[%get3A_237] {strides = array<i32>} : memref<400xf32, #tpu.memory_space<vmem>>, vector<16xf32>,
        %get3A_239 = vector.shape_cast %get3A_238 : vector<16xf32> to vector<16xf32>
        %add3A_240 = arith.constant 352 : i32
        %add3A_241 = vector.broadcast %add3A_240 : i32 to vector<16xi32>
        %add3A_242 = arith.addi %iota3A, %add3A_241 : vector<16xi32>
        %lt3A_243 = arith.cmpf olt, %get3A_239, %select_n3A_235 : vector<16xf32>
        %select_n3A_244 = arith.select %lt3A_243, %get3A_239, %select_n3A_235 : vector<16xi1>, vector<16xf32>
        %select_n3A_245 = arith.select %lt3A_243, %add3A_242, %select_n3A_236 : vector<16xi1>, vector<16xi32>
        %get3A_246 = arith.constant 368 : index
        %get3A_247 = tpu.vector_load %arg5[%get3A_246] {strides = array<i32>} : memref<400xf32, #tpu.memory_space<vmem>>, vector<16xf32>,
        %get3A_248 = vector.shape_cast %get3A_247 : vector<16xf32> to vector<16xf32>
        %add3A_249 = arith.constant 368 : i32
        %add3A_250 = vector.broadcast %add3A_249 : i32 to vector<16xi32>
        %add3A_251 = arith.addi %iota3A, %add3A_250 : vector<16xi32>
        %lt3A_252 = arith.cmpf olt, %get3A_248, %select_n3A_244 : vector<16xf32>
        %select_n3A_253 = arith.select %lt3A_252, %get3A_248, %select_n3A_244 : vector<16xi1>, vector<16xf32>
        %select_n3A_254 = arith.select %lt3A_252, %add3A_251, %select_n3A_245 : vector<16xi1>, vector<16xi32>
        %get3A_255 = arith.constant 384 : index
        %get3A_256 = tpu.vector_load %arg5[%get3A_255] {strides = array<i32>} : memref<400xf32, #tpu.memory_space<vmem>>, vector<16xf32>,
        %get3A_257 = vector.shape_cast %get3A_256 : vector<16xf32> to vector<16xf32>
        %add3A_258 = arith.constant 384 : i32
        %add3A_259 = vector.broadcast %add3A_258 : i32 to vector<16xi32>
        %add3A_260 = arith.addi %iota3A, %add3A_259 : vector<16xi32>
        %lt3A_261 = arith.cmpf olt, %get3A_257, %select_n3A_253 : vector<16xf32>
        %select_n3A_262 = arith.select %lt3A_261, %get3A_257, %select_n3A_253 : vector<16xi1>, vector<16xf32>
        %select_n3A_263 = arith.select %lt3A_261, %add3A_260, %select_n3A_254 : vector<16xi1>, vector<16xi32>
        %slice3A = vector.extract_strided_slice %select_n3A_262 {offsets = [0], sizes = [1], strides = [1]} : vector<16xf32> to vector<1xf32>
        %squeeze3A = vector.extract %slice3A[0] : f32 from vector<1xf32>
        %slice3A_264 = vector.extract_strided_slice %select_n3A_262 {offsets = [1], sizes = [1], strides = [1]} : vector<16xf32> to vector<1xf32>
        %squeeze3A_265 = vector.extract %slice3A_264[0] : f32 from vector<1xf32>
        %min3A = arith.minimumf %squeeze3A, %squeeze3A_265 : f32
        %slice3A_266 = vector.extract_strided_slice %select_n3A_262 {offsets = [2], sizes = [1], strides = [1]} : vector<16xf32> to vector<1xf32>
        %squeeze3A_267 = vector.extract %slice3A_266[0] : f32 from vector<1xf32>
        %min3A_268 = arith.minimumf %min3A, %squeeze3A_267 : f32
        %slice3A_269 = vector.extract_strided_slice %select_n3A_262 {offsets = [3], sizes = [1], strides = [1]} : vector<16xf32> to vector<1xf32>
        %squeeze3A_270 = vector.extract %slice3A_269[0] : f32 from vector<1xf32>
        %min3A_271 = arith.minimumf %min3A_268, %squeeze3A_270 : f32
        %slice3A_272 = vector.extract_strided_slice %select_n3A_262 {offsets = [4], sizes = [1], strides = [1]} : vector<16xf32> to vector<1xf32>
        %squeeze3A_273 = vector.extract %slice3A_272[0] : f32 from vector<1xf32>
        %min3A_274 = arith.minimumf %min3A_271, %squeeze3A_273 : f32
        %slice3A_275 = vector.extract_strided_slice %select_n3A_262 {offsets = [5], sizes = [1], strides = [1]} : vector<16xf32> to vector<1xf32>
        %squeeze3A_276 = vector.extract %slice3A_275[0] : f32 from vector<1xf32>
        %min3A_277 = arith.minimumf %min3A_274, %squeeze3A_276 : f32
        %slice3A_278 = vector.extract_strided_slice %select_n3A_262 {offsets = [6], sizes = [1], strides = [1]} : vector<16xf32> to vector<1xf32>
        %squeeze3A_279 = vector.extract %slice3A_278[0] : f32 from vector<1xf32>
        %min3A_280 = arith.minimumf %min3A_277, %squeeze3A_279 : f32
        %slice3A_281 = vector.extract_strided_slice %select_n3A_262 {offsets = [7], sizes = [1], strides = [1]} : vector<16xf32> to vector<1xf32>
        %squeeze3A_282 = vector.extract %slice3A_281[0] : f32 from vector<1xf32>
        %min3A_283 = arith.minimumf %min3A_280, %squeeze3A_282 : f32
        %slice3A_284 = vector.extract_strided_slice %select_n3A_262 {offsets = [8], sizes = [1], strides = [1]} : vector<16xf32> to vector<1xf32>
        %squeeze3A_285 = vector.extract %slice3A_284[0] : f32 from vector<1xf32>
        %min3A_286 = arith.minimumf %min3A_283, %squeeze3A_285 : f32
        %slice3A_287 = vector.extract_strided_slice %select_n3A_262 {offsets = [9], sizes = [1], strides = [1]} : vector<16xf32> to vector<1xf32>
        %squeeze3A_288 = vector.extract %slice3A_287[0] : f32 from vector<1xf32>
        %min3A_289 = arith.minimumf %min3A_286, %squeeze3A_288 : f32
        %slice3A_290 = vector.extract_strided_slice %select_n3A_262 {offsets = [10], sizes = [1], strides = [1]} : vector<16xf32> to vector<1xf32>
        %squeeze3A_291 = vector.extract %slice3A_290[0] : f32 from vector<1xf32>
        %min3A_292 = arith.minimumf %min3A_289, %squeeze3A_291 : f32
        %slice3A_293 = vector.extract_strided_slice %select_n3A_262 {offsets = [11], sizes = [1], strides = [1]} : vector<16xf32> to vector<1xf32>
        %squeeze3A_294 = vector.extract %slice3A_293[0] : f32 from vector<1xf32>
        %min3A_295 = arith.minimumf %min3A_292, %squeeze3A_294 : f32
        %slice3A_296 = vector.extract_strided_slice %select_n3A_262 {offsets = [12], sizes = [1], strides = [1]} : vector<16xf32> to vector<1xf32>
        %squeeze3A_297 = vector.extract %slice3A_296[0] : f32 from vector<1xf32>
        %min3A_298 = arith.minimumf %min3A_295, %squeeze3A_297 : f32
        %slice3A_299 = vector.extract_strided_slice %select_n3A_262 {offsets = [13], sizes = [1], strides = [1]} : vector<16xf32> to vector<1xf32>
        %squeeze3A_300 = vector.extract %slice3A_299[0] : f32 from vector<1xf32>
        %min3A_301 = arith.minimumf %min3A_298, %squeeze3A_300 : f32
        %slice3A_302 = vector.extract_strided_slice %select_n3A_262 {offsets = [14], sizes = [1], strides = [1]} : vector<16xf32> to vector<1xf32>
        %squeeze3A_303 = vector.extract %slice3A_302[0] : f32 from vector<1xf32>
        %min3A_304 = arith.minimumf %min3A_301, %squeeze3A_303 : f32
        %slice3A_305 = vector.extract_strided_slice %select_n3A_262 {offsets = [15], sizes = [1], strides = [1]} : vector<16xf32> to vector<1xf32>
        %squeeze3A_306 = vector.extract %slice3A_305[0] : f32 from vector<1xf32>
        %min3A_307 = arith.minimumf %min3A_304, %squeeze3A_306 : f32
        %broadcast_in_dim3A_308 = vector.broadcast %min3A_307 : f32 to vector<16xf32>
        %eq3A = arith.cmpf oeq, %select_n3A_262, %broadcast_in_dim3A_308 : vector<16xf32>
        %broadcast_in_dim3A_309 = vector.broadcast %scan3A_29 : i32 to vector<16xi32>
        %select_n3A_310 = arith.select %eq3A, %select_n3A_263, %broadcast_in_dim3A_309 : vector<16xi1>, vector<16xi32>
        %slice3A_311 = vector.extract_strided_slice %select_n3A_310 {offsets = [0], sizes = [1], strides = [1]} : vector<16xi32> to vector<1xi32>
        %squeeze3A_312 = vector.extract %slice3A_311[0] : i32 from vector<1xi32>
        %slice3A_313 = vector.extract_strided_slice %select_n3A_310 {offsets = [1], sizes = [1], strides = [1]} : vector<16xi32> to vector<1xi32>
        %squeeze3A_314 = vector.extract %slice3A_313[0] : i32 from vector<1xi32>
        %min3A_315 = arith.minsi %squeeze3A_312, %squeeze3A_314 : i32
        %slice3A_316 = vector.extract_strided_slice %select_n3A_310 {offsets = [2], sizes = [1], strides = [1]} : vector<16xi32> to vector<1xi32>
        %squeeze3A_317 = vector.extract %slice3A_316[0] : i32 from vector<1xi32>
        %min3A_318 = arith.minsi %min3A_315, %squeeze3A_317 : i32
        %slice3A_319 = vector.extract_strided_slice %select_n3A_310 {offsets = [3], sizes = [1], strides = [1]} : vector<16xi32> to vector<1xi32>
        %squeeze3A_320 = vector.extract %slice3A_319[0] : i32 from vector<1xi32>
        %min3A_321 = arith.minsi %min3A_318, %squeeze3A_320 : i32
        %slice3A_322 = vector.extract_strided_slice %select_n3A_310 {offsets = [4], sizes = [1], strides = [1]} : vector<16xi32> to vector<1xi32>
        %squeeze3A_323 = vector.extract %slice3A_322[0] : i32 from vector<1xi32>
        %min3A_324 = arith.minsi %min3A_321, %squeeze3A_323 : i32
        %slice3A_325 = vector.extract_strided_slice %select_n3A_310 {offsets = [5], sizes = [1], strides = [1]} : vector<16xi32> to vector<1xi32>
        %squeeze3A_326 = vector.extract %slice3A_325[0] : i32 from vector<1xi32>
        %min3A_327 = arith.minsi %min3A_324, %squeeze3A_326 : i32
        %slice3A_328 = vector.extract_strided_slice %select_n3A_310 {offsets = [6], sizes = [1], strides = [1]} : vector<16xi32> to vector<1xi32>
        %squeeze3A_329 = vector.extract %slice3A_328[0] : i32 from vector<1xi32>
        %min3A_330 = arith.minsi %min3A_327, %squeeze3A_329 : i32
        %slice3A_331 = vector.extract_strided_slice %select_n3A_310 {offsets = [7], sizes = [1], strides = [1]} : vector<16xi32> to vector<1xi32>
        %squeeze3A_332 = vector.extract %slice3A_331[0] : i32 from vector<1xi32>
        %min3A_333 = arith.minsi %min3A_330, %squeeze3A_332 : i32
        %slice3A_334 = vector.extract_strided_slice %select_n3A_310 {offsets = [8], sizes = [1], strides = [1]} : vector<16xi32> to vector<1xi32>
        %squeeze3A_335 = vector.extract %slice3A_334[0] : i32 from vector<1xi32>
        %min3A_336 = arith.minsi %min3A_333, %squeeze3A_335 : i32
        %slice3A_337 = vector.extract_strided_slice %select_n3A_310 {offsets = [9], sizes = [1], strides = [1]} : vector<16xi32> to vector<1xi32>
        %squeeze3A_338 = vector.extract %slice3A_337[0] : i32 from vector<1xi32>
        %min3A_339 = arith.minsi %min3A_336, %squeeze3A_338 : i32
        %slice3A_340 = vector.extract_strided_slice %select_n3A_310 {offsets = [10], sizes = [1], strides = [1]} : vector<16xi32> to vector<1xi32>
        %squeeze3A_341 = vector.extract %slice3A_340[0] : i32 from vector<1xi32>
        %min3A_342 = arith.minsi %min3A_339, %squeeze3A_341 : i32
        %slice3A_343 = vector.extract_strided_slice %select_n3A_310 {offsets = [11], sizes = [1], strides = [1]} : vector<16xi32> to vector<1xi32>
        %squeeze3A_344 = vector.extract %slice3A_343[0] : i32 from vector<1xi32>
        %min3A_345 = arith.minsi %min3A_342, %squeeze3A_344 : i32
        %slice3A_346 = vector.extract_strided_slice %select_n3A_310 {offsets = [12], sizes = [1], strides = [1]} : vector<16xi32> to vector<1xi32>
        %squeeze3A_347 = vector.extract %slice3A_346[0] : i32 from vector<1xi32>
        %min3A_348 = arith.minsi %min3A_345, %squeeze3A_347 : i32
        %slice3A_349 = vector.extract_strided_slice %select_n3A_310 {offsets = [13], sizes = [1], strides = [1]} : vector<16xi32> to vector<1xi32>
        %squeeze3A_350 = vector.extract %slice3A_349[0] : i32 from vector<1xi32>
        %min3A_351 = arith.minsi %min3A_348, %squeeze3A_350 : i32
        %slice3A_352 = vector.extract_strided_slice %select_n3A_310 {offsets = [14], sizes = [1], strides = [1]} : vector<16xi32> to vector<1xi32>
        %squeeze3A_353 = vector.extract %slice3A_352[0] : i32 from vector<1xi32>
        %min3A_354 = arith.minsi %min3A_351, %squeeze3A_353 : i32
        %slice3A_355 = vector.extract_strided_slice %select_n3A_310 {offsets = [15], sizes = [1], strides = [1]} : vector<16xi32> to vector<1xi32>
        %squeeze3A_356 = vector.extract %slice3A_355[0] : i32 from vector<1xi32>
        %min3A_357 = arith.minsi %min3A_354, %squeeze3A_356 : i32
        %broadcast_in_dim3A_358 = vector.broadcast %min3A_357 : i32 to vector<16xi32>
        %broadcast_in_dim3A_359 = vector.broadcast %scan3A_29 : i32 to vector<16xi32>
        %get3A_360 = arith.constant 0 : index
        %get3A_361 = tpu.vector_load %arg6[%get3A_360] {strides = array<i32>} : memref<400xi32, #tpu.memory_space<vmem>>, vector<16xi32>,
        %get3A_362 = vector.shape_cast %get3A_361 : vector<16xi32> to vector<16xi32>
        %add3A_363 = arith.constant 0 : i32
        %add3A_364 = vector.broadcast %add3A_363 : i32 to vector<16xi32>
        %add3A_365 = arith.addi %iota3A, %add3A_364 : vector<16xi32>
        %eq3A_366 = arith.cmpi eq, %add3A_365, %broadcast_in_dim3A_358 : vector<16xi32>
        %broadcast_in_dim3A_367 = vector.broadcast %scan3A_29 : i32 to vector<16xi32>
        %select_n3A_368 = arith.select %eq3A_366, %get3A_362, %broadcast_in_dim3A_367 : vector<16xi1>, vector<16xi32>
        %min3A_369 = arith.minsi %broadcast_in_dim3A_359, %select_n3A_368 : vector<16xi32>
        %get3A_370 = arith.constant 16 : index
        %get3A_371 = tpu.vector_load %arg6[%get3A_370] {strides = array<i32>} : memref<400xi32, #tpu.memory_space<vmem>>, vector<16xi32>,
        %get3A_372 = vector.shape_cast %get3A_371 : vector<16xi32> to vector<16xi32>
        %add3A_373 = arith.constant 16 : i32
        %add3A_374 = vector.broadcast %add3A_373 : i32 to vector<16xi32>
        %add3A_375 = arith.addi %iota3A, %add3A_374 : vector<16xi32>
        %eq3A_376 = arith.cmpi eq, %add3A_375, %broadcast_in_dim3A_358 : vector<16xi32>
        %broadcast_in_dim3A_377 = vector.broadcast %scan3A_29 : i32 to vector<16xi32>
        %select_n3A_378 = arith.select %eq3A_376, %get3A_372, %broadcast_in_dim3A_377 : vector<16xi1>, vector<16xi32>
        %min3A_379 = arith.minsi %min3A_369, %select_n3A_378 : vector<16xi32>
        %get3A_380 = arith.constant 32 : index
        %get3A_381 = tpu.vector_load %arg6[%get3A_380] {strides = array<i32>} : memref<400xi32, #tpu.memory_space<vmem>>, vector<16xi32>,
        %get3A_382 = vector.shape_cast %get3A_381 : vector<16xi32> to vector<16xi32>
        %add3A_383 = arith.constant 32 : i32
        %add3A_384 = vector.broadcast %add3A_383 : i32 to vector<16xi32>
        %add3A_385 = arith.addi %iota3A, %add3A_384 : vector<16xi32>
        %eq3A_386 = arith.cmpi eq, %add3A_385, %broadcast_in_dim3A_358 : vector<16xi32>
        %broadcast_in_dim3A_387 = vector.broadcast %scan3A_29 : i32 to vector<16xi32>
        %select_n3A_388 = arith.select %eq3A_386, %get3A_382, %broadcast_in_dim3A_387 : vector<16xi1>, vector<16xi32>
        %min3A_389 = arith.minsi %min3A_379, %select_n3A_388 : vector<16xi32>
        %get3A_390 = arith.constant 48 : index
        %get3A_391 = tpu.vector_load %arg6[%get3A_390] {strides = array<i32>} : memref<400xi32, #tpu.memory_space<vmem>>, vector<16xi32>,
        %get3A_392 = vector.shape_cast %get3A_391 : vector<16xi32> to vector<16xi32>
        %add3A_393 = arith.constant 48 : i32
        %add3A_394 = vector.broadcast %add3A_393 : i32 to vector<16xi32>
        %add3A_395 = arith.addi %iota3A, %add3A_394 : vector<16xi32>
        %eq3A_396 = arith.cmpi eq, %add3A_395, %broadcast_in_dim3A_358 : vector<16xi32>
        %broadcast_in_dim3A_397 = vector.broadcast %scan3A_29 : i32 to vector<16xi32>
        %select_n3A_398 = arith.select %eq3A_396, %get3A_392, %broadcast_in_dim3A_397 : vector<16xi1>, vector<16xi32>
        %min3A_399 = arith.minsi %min3A_389, %select_n3A_398 : vector<16xi32>
        %get3A_400 = arith.constant 64 : index
        %get3A_401 = tpu.vector_load %arg6[%get3A_400] {strides = array<i32>} : memref<400xi32, #tpu.memory_space<vmem>>, vector<16xi32>,
        %get3A_402 = vector.shape_cast %get3A_401 : vector<16xi32> to vector<16xi32>
        %add3A_403 = arith.constant 64 : i32
        %add3A_404 = vector.broadcast %add3A_403 : i32 to vector<16xi32>
        %add3A_405 = arith.addi %iota3A, %add3A_404 : vector<16xi32>
        %eq3A_406 = arith.cmpi eq, %add3A_405, %broadcast_in_dim3A_358 : vector<16xi32>
        %broadcast_in_dim3A_407 = vector.broadcast %scan3A_29 : i32 to vector<16xi32>
        %select_n3A_408 = arith.select %eq3A_406, %get3A_402, %broadcast_in_dim3A_407 : vector<16xi1>, vector<16xi32>
        %min3A_409 = arith.minsi %min3A_399, %select_n3A_408 : vector<16xi32>
        %get3A_410 = arith.constant 80 : index
        %get3A_411 = tpu.vector_load %arg6[%get3A_410] {strides = array<i32>} : memref<400xi32, #tpu.memory_space<vmem>>, vector<16xi32>,
        %get3A_412 = vector.shape_cast %get3A_411 : vector<16xi32> to vector<16xi32>
        %add3A_413 = arith.constant 80 : i32
        %add3A_414 = vector.broadcast %add3A_413 : i32 to vector<16xi32>
        %add3A_415 = arith.addi %iota3A, %add3A_414 : vector<16xi32>
        %eq3A_416 = arith.cmpi eq, %add3A_415, %broadcast_in_dim3A_358 : vector<16xi32>
        %broadcast_in_dim3A_417 = vector.broadcast %scan3A_29 : i32 to vector<16xi32>
        %select_n3A_418 = arith.select %eq3A_416, %get3A_412, %broadcast_in_dim3A_417 : vector<16xi1>, vector<16xi32>
        %min3A_419 = arith.minsi %min3A_409, %select_n3A_418 : vector<16xi32>
        %get3A_420 = arith.constant 96 : index
        %get3A_421 = tpu.vector_load %arg6[%get3A_420] {strides = array<i32>} : memref<400xi32, #tpu.memory_space<vmem>>, vector<16xi32>,
        %get3A_422 = vector.shape_cast %get3A_421 : vector<16xi32> to vector<16xi32>
        %add3A_423 = arith.constant 96 : i32
        %add3A_424 = vector.broadcast %add3A_423 : i32 to vector<16xi32>
        %add3A_425 = arith.addi %iota3A, %add3A_424 : vector<16xi32>
        %eq3A_426 = arith.cmpi eq, %add3A_425, %broadcast_in_dim3A_358 : vector<16xi32>
        %broadcast_in_dim3A_427 = vector.broadcast %scan3A_29 : i32 to vector<16xi32>
        %select_n3A_428 = arith.select %eq3A_426, %get3A_422, %broadcast_in_dim3A_427 : vector<16xi1>, vector<16xi32>
        %min3A_429 = arith.minsi %min3A_419, %select_n3A_428 : vector<16xi32>
        %get3A_430 = arith.constant 112 : index
        %get3A_431 = tpu.vector_load %arg6[%get3A_430] {strides = array<i32>} : memref<400xi32, #tpu.memory_space<vmem>>, vector<16xi32>,
        %get3A_432 = vector.shape_cast %get3A_431 : vector<16xi32> to vector<16xi32>
        %add3A_433 = arith.constant 112 : i32
        %add3A_434 = vector.broadcast %add3A_433 : i32 to vector<16xi32>
        %add3A_435 = arith.addi %iota3A, %add3A_434 : vector<16xi32>
        %eq3A_436 = arith.cmpi eq, %add3A_435, %broadcast_in_dim3A_358 : vector<16xi32>
        %broadcast_in_dim3A_437 = vector.broadcast %scan3A_29 : i32 to vector<16xi32>
        %select_n3A_438 = arith.select %eq3A_436, %get3A_432, %broadcast_in_dim3A_437 : vector<16xi1>, vector<16xi32>
        %min3A_439 = arith.minsi %min3A_429, %select_n3A_438 : vector<16xi32>
        %get3A_440 = arith.constant 128 : index
        %get3A_441 = tpu.vector_load %arg6[%get3A_440] {strides = array<i32>} : memref<400xi32, #tpu.memory_space<vmem>>, vector<16xi32>,
        %get3A_442 = vector.shape_cast %get3A_441 : vector<16xi32> to vector<16xi32>
        %add3A_443 = arith.constant 128 : i32
        %add3A_444 = vector.broadcast %add3A_443 : i32 to vector<16xi32>
        %add3A_445 = arith.addi %iota3A, %add3A_444 : vector<16xi32>
        %eq3A_446 = arith.cmpi eq, %add3A_445, %broadcast_in_dim3A_358 : vector<16xi32>
        %broadcast_in_dim3A_447 = vector.broadcast %scan3A_29 : i32 to vector<16xi32>
        %select_n3A_448 = arith.select %eq3A_446, %get3A_442, %broadcast_in_dim3A_447 : vector<16xi1>, vector<16xi32>
        %min3A_449 = arith.minsi %min3A_439, %select_n3A_448 : vector<16xi32>
        %get3A_450 = arith.constant 144 : index
        %get3A_451 = tpu.vector_load %arg6[%get3A_450] {strides = array<i32>} : memref<400xi32, #tpu.memory_space<vmem>>, vector<16xi32>,
        %get3A_452 = vector.shape_cast %get3A_451 : vector<16xi32> to vector<16xi32>
        %add3A_453 = arith.constant 144 : i32
        %add3A_454 = vector.broadcast %add3A_453 : i32 to vector<16xi32>
        %add3A_455 = arith.addi %iota3A, %add3A_454 : vector<16xi32>
        %eq3A_456 = arith.cmpi eq, %add3A_455, %broadcast_in_dim3A_358 : vector<16xi32>
        %broadcast_in_dim3A_457 = vector.broadcast %scan3A_29 : i32 to vector<16xi32>
        %select_n3A_458 = arith.select %eq3A_456, %get3A_452, %broadcast_in_dim3A_457 : vector<16xi1>, vector<16xi32>
        %min3A_459 = arith.minsi %min3A_449, %select_n3A_458 : vector<16xi32>
        %get3A_460 = arith.constant 160 : index
        %get3A_461 = tpu.vector_load %arg6[%get3A_460] {strides = array<i32>} : memref<400xi32, #tpu.memory_space<vmem>>, vector<16xi32>,
        %get3A_462 = vector.shape_cast %get3A_461 : vector<16xi32> to vector<16xi32>
        %add3A_463 = arith.constant 160 : i32
        %add3A_464 = vector.broadcast %add3A_463 : i32 to vector<16xi32>
        %add3A_465 = arith.addi %iota3A, %add3A_464 : vector<16xi32>
        %eq3A_466 = arith.cmpi eq, %add3A_465, %broadcast_in_dim3A_358 : vector<16xi32>
        %broadcast_in_dim3A_467 = vector.broadcast %scan3A_29 : i32 to vector<16xi32>
        %select_n3A_468 = arith.select %eq3A_466, %get3A_462, %broadcast_in_dim3A_467 : vector<16xi1>, vector<16xi32>
        %min3A_469 = arith.minsi %min3A_459, %select_n3A_468 : vector<16xi32>
        %get3A_470 = arith.constant 176 : index
        %get3A_471 = tpu.vector_load %arg6[%get3A_470] {strides = array<i32>} : memref<400xi32, #tpu.memory_space<vmem>>, vector<16xi32>,
        %get3A_472 = vector.shape_cast %get3A_471 : vector<16xi32> to vector<16xi32>
        %add3A_473 = arith.constant 176 : i32
        %add3A_474 = vector.broadcast %add3A_473 : i32 to vector<16xi32>
        %add3A_475 = arith.addi %iota3A, %add3A_474 : vector<16xi32>
        %eq3A_476 = arith.cmpi eq, %add3A_475, %broadcast_in_dim3A_358 : vector<16xi32>
        %broadcast_in_dim3A_477 = vector.broadcast %scan3A_29 : i32 to vector<16xi32>
        %select_n3A_478 = arith.select %eq3A_476, %get3A_472, %broadcast_in_dim3A_477 : vector<16xi1>, vector<16xi32>
        %min3A_479 = arith.minsi %min3A_469, %select_n3A_478 : vector<16xi32>
        %get3A_480 = arith.constant 192 : index
        %get3A_481 = tpu.vector_load %arg6[%get3A_480] {strides = array<i32>} : memref<400xi32, #tpu.memory_space<vmem>>, vector<16xi32>,
        %get3A_482 = vector.shape_cast %get3A_481 : vector<16xi32> to vector<16xi32>
        %add3A_483 = arith.constant 192 : i32
        %add3A_484 = vector.broadcast %add3A_483 : i32 to vector<16xi32>
        %add3A_485 = arith.addi %iota3A, %add3A_484 : vector<16xi32>
        %eq3A_486 = arith.cmpi eq, %add3A_485, %broadcast_in_dim3A_358 : vector<16xi32>
        %broadcast_in_dim3A_487 = vector.broadcast %scan3A_29 : i32 to vector<16xi32>
        %select_n3A_488 = arith.select %eq3A_486, %get3A_482, %broadcast_in_dim3A_487 : vector<16xi1>, vector<16xi32>
        %min3A_489 = arith.minsi %min3A_479, %select_n3A_488 : vector<16xi32>
        %get3A_490 = arith.constant 208 : index
        %get3A_491 = tpu.vector_load %arg6[%get3A_490] {strides = array<i32>} : memref<400xi32, #tpu.memory_space<vmem>>, vector<16xi32>,
        %get3A_492 = vector.shape_cast %get3A_491 : vector<16xi32> to vector<16xi32>
        %add3A_493 = arith.constant 208 : i32
        %add3A_494 = vector.broadcast %add3A_493 : i32 to vector<16xi32>
        %add3A_495 = arith.addi %iota3A, %add3A_494 : vector<16xi32>
        %eq3A_496 = arith.cmpi eq, %add3A_495, %broadcast_in_dim3A_358 : vector<16xi32>
        %broadcast_in_dim3A_497 = vector.broadcast %scan3A_29 : i32 to vector<16xi32>
        %select_n3A_498 = arith.select %eq3A_496, %get3A_492, %broadcast_in_dim3A_497 : vector<16xi1>, vector<16xi32>
        %min3A_499 = arith.minsi %min3A_489, %select_n3A_498 : vector<16xi32>
        %get3A_500 = arith.constant 224 : index
        %get3A_501 = tpu.vector_load %arg6[%get3A_500] {strides = array<i32>} : memref<400xi32, #tpu.memory_space<vmem>>, vector<16xi32>,
        %get3A_502 = vector.shape_cast %get3A_501 : vector<16xi32> to vector<16xi32>
        %add3A_503 = arith.constant 224 : i32
        %add3A_504 = vector.broadcast %add3A_503 : i32 to vector<16xi32>
        %add3A_505 = arith.addi %iota3A, %add3A_504 : vector<16xi32>
        %eq3A_506 = arith.cmpi eq, %add3A_505, %broadcast_in_dim3A_358 : vector<16xi32>
        %broadcast_in_dim3A_507 = vector.broadcast %scan3A_29 : i32 to vector<16xi32>
        %select_n3A_508 = arith.select %eq3A_506, %get3A_502, %broadcast_in_dim3A_507 : vector<16xi1>, vector<16xi32>
        %min3A_509 = arith.minsi %min3A_499, %select_n3A_508 : vector<16xi32>
        %get3A_510 = arith.constant 240 : index
        %get3A_511 = tpu.vector_load %arg6[%get3A_510] {strides = array<i32>} : memref<400xi32, #tpu.memory_space<vmem>>, vector<16xi32>,
        %get3A_512 = vector.shape_cast %get3A_511 : vector<16xi32> to vector<16xi32>
        %add3A_513 = arith.constant 240 : i32
        %add3A_514 = vector.broadcast %add3A_513 : i32 to vector<16xi32>
        %add3A_515 = arith.addi %iota3A, %add3A_514 : vector<16xi32>
        %eq3A_516 = arith.cmpi eq, %add3A_515, %broadcast_in_dim3A_358 : vector<16xi32>
        %broadcast_in_dim3A_517 = vector.broadcast %scan3A_29 : i32 to vector<16xi32>
        %select_n3A_518 = arith.select %eq3A_516, %get3A_512, %broadcast_in_dim3A_517 : vector<16xi1>, vector<16xi32>
        %min3A_519 = arith.minsi %min3A_509, %select_n3A_518 : vector<16xi32>
        %get3A_520 = arith.constant 256 : index
        %get3A_521 = tpu.vector_load %arg6[%get3A_520] {strides = array<i32>} : memref<400xi32, #tpu.memory_space<vmem>>, vector<16xi32>,
        %get3A_522 = vector.shape_cast %get3A_521 : vector<16xi32> to vector<16xi32>
        %add3A_523 = arith.constant 256 : i32
        %add3A_524 = vector.broadcast %add3A_523 : i32 to vector<16xi32>
        %add3A_525 = arith.addi %iota3A, %add3A_524 : vector<16xi32>
        %eq3A_526 = arith.cmpi eq, %add3A_525, %broadcast_in_dim3A_358 : vector<16xi32>
        %broadcast_in_dim3A_527 = vector.broadcast %scan3A_29 : i32 to vector<16xi32>
        %select_n3A_528 = arith.select %eq3A_526, %get3A_522, %broadcast_in_dim3A_527 : vector<16xi1>, vector<16xi32>
        %min3A_529 = arith.minsi %min3A_519, %select_n3A_528 : vector<16xi32>
        %get3A_530 = arith.constant 272 : index
        %get3A_531 = tpu.vector_load %arg6[%get3A_530] {strides = array<i32>} : memref<400xi32, #tpu.memory_space<vmem>>, vector<16xi32>,
        %get3A_532 = vector.shape_cast %get3A_531 : vector<16xi32> to vector<16xi32>
        %add3A_533 = arith.constant 272 : i32
        %add3A_534 = vector.broadcast %add3A_533 : i32 to vector<16xi32>
        %add3A_535 = arith.addi %iota3A, %add3A_534 : vector<16xi32>
        %eq3A_536 = arith.cmpi eq, %add3A_535, %broadcast_in_dim3A_358 : vector<16xi32>
        %broadcast_in_dim3A_537 = vector.broadcast %scan3A_29 : i32 to vector<16xi32>
        %select_n3A_538 = arith.select %eq3A_536, %get3A_532, %broadcast_in_dim3A_537 : vector<16xi1>, vector<16xi32>
        %min3A_539 = arith.minsi %min3A_529, %select_n3A_538 : vector<16xi32>
        %get3A_540 = arith.constant 288 : index
        %get3A_541 = tpu.vector_load %arg6[%get3A_540] {strides = array<i32>} : memref<400xi32, #tpu.memory_space<vmem>>, vector<16xi32>,
        %get3A_542 = vector.shape_cast %get3A_541 : vector<16xi32> to vector<16xi32>
        %add3A_543 = arith.constant 288 : i32
        %add3A_544 = vector.broadcast %add3A_543 : i32 to vector<16xi32>
        %add3A_545 = arith.addi %iota3A, %add3A_544 : vector<16xi32>
        %eq3A_546 = arith.cmpi eq, %add3A_545, %broadcast_in_dim3A_358 : vector<16xi32>
        %broadcast_in_dim3A_547 = vector.broadcast %scan3A_29 : i32 to vector<16xi32>
        %select_n3A_548 = arith.select %eq3A_546, %get3A_542, %broadcast_in_dim3A_547 : vector<16xi1>, vector<16xi32>
        %min3A_549 = arith.minsi %min3A_539, %select_n3A_548 : vector<16xi32>
        %get3A_550 = arith.constant 304 : index
        %get3A_551 = tpu.vector_load %arg6[%get3A_550] {strides = array<i32>} : memref<400xi32, #tpu.memory_space<vmem>>, vector<16xi32>,
        %get3A_552 = vector.shape_cast %get3A_551 : vector<16xi32> to vector<16xi32>
        %add3A_553 = arith.constant 304 : i32
        %add3A_554 = vector.broadcast %add3A_553 : i32 to vector<16xi32>
        %add3A_555 = arith.addi %iota3A, %add3A_554 : vector<16xi32>
        %eq3A_556 = arith.cmpi eq, %add3A_555, %broadcast_in_dim3A_358 : vector<16xi32>
        %broadcast_in_dim3A_557 = vector.broadcast %scan3A_29 : i32 to vector<16xi32>
        %select_n3A_558 = arith.select %eq3A_556, %get3A_552, %broadcast_in_dim3A_557 : vector<16xi1>, vector<16xi32>
        %min3A_559 = arith.minsi %min3A_549, %select_n3A_558 : vector<16xi32>
        %get3A_560 = arith.constant 320 : index
        %get3A_561 = tpu.vector_load %arg6[%get3A_560] {strides = array<i32>} : memref<400xi32, #tpu.memory_space<vmem>>, vector<16xi32>,
        %get3A_562 = vector.shape_cast %get3A_561 : vector<16xi32> to vector<16xi32>
        %add3A_563 = arith.constant 320 : i32
        %add3A_564 = vector.broadcast %add3A_563 : i32 to vector<16xi32>
        %add3A_565 = arith.addi %iota3A, %add3A_564 : vector<16xi32>
        %eq3A_566 = arith.cmpi eq, %add3A_565, %broadcast_in_dim3A_358 : vector<16xi32>
        %broadcast_in_dim3A_567 = vector.broadcast %scan3A_29 : i32 to vector<16xi32>
        %select_n3A_568 = arith.select %eq3A_566, %get3A_562, %broadcast_in_dim3A_567 : vector<16xi1>, vector<16xi32>
        %min3A_569 = arith.minsi %min3A_559, %select_n3A_568 : vector<16xi32>
        %get3A_570 = arith.constant 336 : index
        %get3A_571 = tpu.vector_load %arg6[%get3A_570] {strides = array<i32>} : memref<400xi32, #tpu.memory_space<vmem>>, vector<16xi32>,
        %get3A_572 = vector.shape_cast %get3A_571 : vector<16xi32> to vector<16xi32>
        %add3A_573 = arith.constant 336 : i32
        %add3A_574 = vector.broadcast %add3A_573 : i32 to vector<16xi32>
        %add3A_575 = arith.addi %iota3A, %add3A_574 : vector<16xi32>
        %eq3A_576 = arith.cmpi eq, %add3A_575, %broadcast_in_dim3A_358 : vector<16xi32>
        %broadcast_in_dim3A_577 = vector.broadcast %scan3A_29 : i32 to vector<16xi32>
        %select_n3A_578 = arith.select %eq3A_576, %get3A_572, %broadcast_in_dim3A_577 : vector<16xi1>, vector<16xi32>
        %min3A_579 = arith.minsi %min3A_569, %select_n3A_578 : vector<16xi32>
        %get3A_580 = arith.constant 352 : index
        %get3A_581 = tpu.vector_load %arg6[%get3A_580] {strides = array<i32>} : memref<400xi32, #tpu.memory_space<vmem>>, vector<16xi32>,
        %get3A_582 = vector.shape_cast %get3A_581 : vector<16xi32> to vector<16xi32>
        %add3A_583 = arith.constant 352 : i32
        %add3A_584 = vector.broadcast %add3A_583 : i32 to vector<16xi32>
        %add3A_585 = arith.addi %iota3A, %add3A_584 : vector<16xi32>
        %eq3A_586 = arith.cmpi eq, %add3A_585, %broadcast_in_dim3A_358 : vector<16xi32>
        %broadcast_in_dim3A_587 = vector.broadcast %scan3A_29 : i32 to vector<16xi32>
        %select_n3A_588 = arith.select %eq3A_586, %get3A_582, %broadcast_in_dim3A_587 : vector<16xi1>, vector<16xi32>
        %min3A_589 = arith.minsi %min3A_579, %select_n3A_588 : vector<16xi32>
        %get3A_590 = arith.constant 368 : index
        %get3A_591 = tpu.vector_load %arg6[%get3A_590] {strides = array<i32>} : memref<400xi32, #tpu.memory_space<vmem>>, vector<16xi32>,
        %get3A_592 = vector.shape_cast %get3A_591 : vector<16xi32> to vector<16xi32>
        %add3A_593 = arith.constant 368 : i32
        %add3A_594 = vector.broadcast %add3A_593 : i32 to vector<16xi32>
        %add3A_595 = arith.addi %iota3A, %add3A_594 : vector<16xi32>
        %eq3A_596 = arith.cmpi eq, %add3A_595, %broadcast_in_dim3A_358 : vector<16xi32>
        %broadcast_in_dim3A_597 = vector.broadcast %scan3A_29 : i32 to vector<16xi32>
        %select_n3A_598 = arith.select %eq3A_596, %get3A_592, %broadcast_in_dim3A_597 : vector<16xi1>, vector<16xi32>
        %min3A_599 = arith.minsi %min3A_589, %select_n3A_598 : vector<16xi32>
        %get3A_600 = arith.constant 384 : index
        %get3A_601 = tpu.vector_load %arg6[%get3A_600] {strides = array<i32>} : memref<400xi32, #tpu.memory_space<vmem>>, vector<16xi32>,
        %get3A_602 = vector.shape_cast %get3A_601 : vector<16xi32> to vector<16xi32>
        %add3A_603 = arith.constant 384 : i32
        %add3A_604 = vector.broadcast %add3A_603 : i32 to vector<16xi32>
        %add3A_605 = arith.addi %iota3A, %add3A_604 : vector<16xi32>
        %eq3A_606 = arith.cmpi eq, %add3A_605, %broadcast_in_dim3A_358 : vector<16xi32>
        %broadcast_in_dim3A_607 = vector.broadcast %scan3A_29 : i32 to vector<16xi32>
        %select_n3A_608 = arith.select %eq3A_606, %get3A_602, %broadcast_in_dim3A_607 : vector<16xi1>, vector<16xi32>
        %min3A_609 = arith.minsi %min3A_599, %select_n3A_608 : vector<16xi32>
        %slice3A_610 = vector.extract_strided_slice %min3A_609 {offsets = [0], sizes = [1], strides = [1]} : vector<16xi32> to vector<1xi32>
        %squeeze3A_611 = vector.extract %slice3A_610[0] : i32 from vector<1xi32>
        %slice3A_612 = vector.extract_strided_slice %min3A_609 {offsets = [1], sizes = [1], strides = [1]} : vector<16xi32> to vector<1xi32>
        %squeeze3A_613 = vector.extract %slice3A_612[0] : i32 from vector<1xi32>
        %min3A_614 = arith.minsi %squeeze3A_611, %squeeze3A_613 : i32
        %slice3A_615 = vector.extract_strided_slice %min3A_609 {offsets = [2], sizes = [1], strides = [1]} : vector<16xi32> to vector<1xi32>
        %squeeze3A_616 = vector.extract %slice3A_615[0] : i32 from vector<1xi32>
        %min3A_617 = arith.minsi %min3A_614, %squeeze3A_616 : i32
        %slice3A_618 = vector.extract_strided_slice %min3A_609 {offsets = [3], sizes = [1], strides = [1]} : vector<16xi32> to vector<1xi32>
        %squeeze3A_619 = vector.extract %slice3A_618[0] : i32 from vector<1xi32>
        %min3A_620 = arith.minsi %min3A_617, %squeeze3A_619 : i32
        %slice3A_621 = vector.extract_strided_slice %min3A_609 {offsets = [4], sizes = [1], strides = [1]} : vector<16xi32> to vector<1xi32>
        %squeeze3A_622 = vector.extract %slice3A_621[0] : i32 from vector<1xi32>
        %min3A_623 = arith.minsi %min3A_620, %squeeze3A_622 : i32
        %slice3A_624 = vector.extract_strided_slice %min3A_609 {offsets = [5], sizes = [1], strides = [1]} : vector<16xi32> to vector<1xi32>
        %squeeze3A_625 = vector.extract %slice3A_624[0] : i32 from vector<1xi32>
        %min3A_626 = arith.minsi %min3A_623, %squeeze3A_625 : i32
        %slice3A_627 = vector.extract_strided_slice %min3A_609 {offsets = [6], sizes = [1], strides = [1]} : vector<16xi32> to vector<1xi32>
        %squeeze3A_628 = vector.extract %slice3A_627[0] : i32 from vector<1xi32>
        %min3A_629 = arith.minsi %min3A_626, %squeeze3A_628 : i32
        %slice3A_630 = vector.extract_strided_slice %min3A_609 {offsets = [7], sizes = [1], strides = [1]} : vector<16xi32> to vector<1xi32>
        %squeeze3A_631 = vector.extract %slice3A_630[0] : i32 from vector<1xi32>
        %min3A_632 = arith.minsi %min3A_629, %squeeze3A_631 : i32
        %slice3A_633 = vector.extract_strided_slice %min3A_609 {offsets = [8], sizes = [1], strides = [1]} : vector<16xi32> to vector<1xi32>
        %squeeze3A_634 = vector.extract %slice3A_633[0] : i32 from vector<1xi32>
        %min3A_635 = arith.minsi %min3A_632, %squeeze3A_634 : i32
        %slice3A_636 = vector.extract_strided_slice %min3A_609 {offsets = [9], sizes = [1], strides = [1]} : vector<16xi32> to vector<1xi32>
        %squeeze3A_637 = vector.extract %slice3A_636[0] : i32 from vector<1xi32>
        %min3A_638 = arith.minsi %min3A_635, %squeeze3A_637 : i32
        %slice3A_639 = vector.extract_strided_slice %min3A_609 {offsets = [10], sizes = [1], strides = [1]} : vector<16xi32> to vector<1xi32>
        %squeeze3A_640 = vector.extract %slice3A_639[0] : i32 from vector<1xi32>
        %min3A_641 = arith.minsi %min3A_638, %squeeze3A_640 : i32
        %slice3A_642 = vector.extract_strided_slice %min3A_609 {offsets = [11], sizes = [1], strides = [1]} : vector<16xi32> to vector<1xi32>
        %squeeze3A_643 = vector.extract %slice3A_642[0] : i32 from vector<1xi32>
        %min3A_644 = arith.minsi %min3A_641, %squeeze3A_643 : i32
        %slice3A_645 = vector.extract_strided_slice %min3A_609 {offsets = [12], sizes = [1], strides = [1]} : vector<16xi32> to vector<1xi32>
        %squeeze3A_646 = vector.extract %slice3A_645[0] : i32 from vector<1xi32>
        %min3A_647 = arith.minsi %min3A_644, %squeeze3A_646 : i32
        %slice3A_648 = vector.extract_strided_slice %min3A_609 {offsets = [13], sizes = [1], strides = [1]} : vector<16xi32> to vector<1xi32>
        %squeeze3A_649 = vector.extract %slice3A_648[0] : i32 from vector<1xi32>
        %min3A_650 = arith.minsi %min3A_647, %squeeze3A_649 : i32
        %slice3A_651 = vector.extract_strided_slice %min3A_609 {offsets = [14], sizes = [1], strides = [1]} : vector<16xi32> to vector<1xi32>
        %squeeze3A_652 = vector.extract %slice3A_651[0] : i32 from vector<1xi32>
        %min3A_653 = arith.minsi %min3A_650, %squeeze3A_652 : i32
        %slice3A_654 = vector.extract_strided_slice %min3A_609 {offsets = [15], sizes = [1], strides = [1]} : vector<16xi32> to vector<1xi32>
        %squeeze3A_655 = vector.extract %slice3A_654[0] : i32 from vector<1xi32>
        %min3A_656 = arith.minsi %min3A_653, %squeeze3A_655 : i32
        %jit3A = arith.constant 20 : i32
        %div3A = arith.divsi %min3A_357, %jit3A : i32
        %sign3A = arith.constant 0 : i32
        %sign3A_657 = arith.cmpi sgt, %min3A_357, %sign3A : i32
        %sign3A_658 = arith.extui %sign3A_657 : i1 to i32
        %sign3A_659 = arith.constant 0 : i32
        %sign3A_660 = arith.cmpi slt, %min3A_357, %sign3A_659 : i32
        %sign3A_661 = arith.extui %sign3A_660 : i1 to i32
        %sign3A_662 = arith.subi %sign3A_658, %sign3A_661 : i32
        %sign3A_663 = arith.constant 0 : i32
        %sign3A_664 = arith.cmpi sgt, %jit3A, %sign3A_663 : i32
        %sign3A_665 = arith.extui %sign3A_664 : i1 to i32
        %sign3A_666 = arith.constant 0 : i32
        %sign3A_667 = arith.cmpi slt, %jit3A, %sign3A_666 : i32
        %sign3A_668 = arith.extui %sign3A_667 : i1 to i32
        %sign3A_669 = arith.subi %sign3A_665, %sign3A_668 : i32
        %ne3A = arith.cmpi ne, %sign3A_662, %sign3A_669 : i32
        %rem3A = arith.remsi %min3A_357, %jit3A : i32
        %ne3A_670 = arith.constant 0 : i32
        %ne3A_671 = arith.cmpi ne, %rem3A, %ne3A_670 : i32
        %and3A = arith.andi %ne3A, %ne3A_671 : i1
        %sub3A = arith.constant 1 : i32
        %sub3A_672 = arith.subi %div3A, %sub3A : i32
        %select_n3A_673 = arith.select %and3A, %sub3A_672, %div3A : i32
        %mul3A_674 = arith.constant 20 : i32
        %mul3A_675 = arith.muli %select_n3A_673, %mul3A_674 : i32
        %sub3A_676 = arith.subi %min3A_357, %mul3A_675 : i32
        %broadcast_in_dim3A_677 = vector.broadcast %select_n3A_673 : i32 to vector<16xi32>
        %broadcast_in_dim3A_678 = vector.broadcast %min3A_656 : i32 to vector<16xi32>
        %broadcast_in_dim3A_679 = vector.broadcast %sub3A_676 : i32 to vector<16xi32>
        %mul3A_680 = arith.constant 20 : i32
        %mul3A_681 = arith.muli %select_n3A_673, %mul3A_680 : i32
        %broadcast_in_dim3A_682 = vector.broadcast %mul3A_681 : i32 to vector<16xi32>
        %mul3A_683 = arith.constant 20 : i32
        %mul3A_684 = arith.muli %select_n3A_673, %mul3A_683 : i32
        %add3A_685 = arith.constant 20 : i32
        %add3A_686 = arith.addi %mul3A_684, %add3A_685 : i32
        %broadcast_in_dim3A_687 = vector.broadcast %add3A_686 : i32 to vector<16xi32>
        %get3A_688 = arith.constant 0 : index
        %get3A_689 = tpu.vector_load %arg5[%get3A_688] {strides = array<i32>} : memref<400xf32, #tpu.memory_space<vmem>>, vector<16xf32>,
        %get3A_690 = vector.shape_cast %get3A_689 : vector<16xf32> to vector<16xf32>
        %get3A_691 = arith.constant 0 : index
        %get3A_692 = tpu.vector_load %arg6[%get3A_691] {strides = array<i32>} : memref<400xi32, #tpu.memory_space<vmem>>, vector<16xi32>,
        %get3A_693 = vector.shape_cast %get3A_692 : vector<16xi32> to vector<16xi32>
        %add3A_694 = arith.constant 0 : i32
        %add3A_695 = vector.broadcast %add3A_694 : i32 to vector<16xi32>
        %add3A_696 = arith.addi %iota3A, %add3A_695 : vector<16xi32>
        %eq3A_697 = arith.cmpi eq, %get3A_693, %broadcast_in_dim3A_678 : vector<16xi32>
        %ge3A = arith.cmpi sge, %add3A_696, %broadcast_in_dim3A_682 : vector<16xi32>
        %lt3A_698 = arith.cmpi slt, %add3A_696, %broadcast_in_dim3A_687 : vector<16xi32>
        %and3A_699 = arith.andi %ge3A, %lt3A_698 : vector<16xi1>
        %or3A = arith.ori %eq3A_697, %and3A_699 : vector<16xi1>
        %jit3A_700 = arith.constant 0x7F800000 : f32
        %broadcast_in_dim3A_701 = vector.broadcast %jit3A_700 : f32 to vector<16xf32>
        %select_n3A_702 = arith.select %or3A, %broadcast_in_dim3A_701, %get3A_690 : vector<16xi1>, vector<16xf32>
        %swap3A_703 = arith.constant 0 : index
        %swap3A_704 = tpu.vector_load %arg5[%swap3A_703] {strides = array<i32>} : memref<400xf32, #tpu.memory_space<vmem>>, vector<16xf32>,
        %swap3A_705 = vector.shape_cast %swap3A_704 : vector<16xf32> to vector<16xf32>
        %swap3A_706 = vector.shape_cast %select_n3A_702 : vector<16xf32> to vector<16xf32>
        tpu.vector_store %arg5[%swap3A_703], %swap3A_706 {strides = array<i32>} : memref<400xf32, #tpu.memory_space<vmem>>, vector<16xf32>,
        %get3A_707 = arith.constant 16 : index
        %get3A_708 = tpu.vector_load %arg5[%get3A_707] {strides = array<i32>} : memref<400xf32, #tpu.memory_space<vmem>>, vector<16xf32>,
        %get3A_709 = vector.shape_cast %get3A_708 : vector<16xf32> to vector<16xf32>
        %get3A_710 = arith.constant 16 : index
        %get3A_711 = tpu.vector_load %arg6[%get3A_710] {strides = array<i32>} : memref<400xi32, #tpu.memory_space<vmem>>, vector<16xi32>,
        %get3A_712 = vector.shape_cast %get3A_711 : vector<16xi32> to vector<16xi32>
        %add3A_713 = arith.constant 16 : i32
        %add3A_714 = vector.broadcast %add3A_713 : i32 to vector<16xi32>
        %add3A_715 = arith.addi %iota3A, %add3A_714 : vector<16xi32>
        %eq3A_716 = arith.cmpi eq, %get3A_712, %broadcast_in_dim3A_678 : vector<16xi32>
        %ge3A_717 = arith.cmpi sge, %add3A_715, %broadcast_in_dim3A_682 : vector<16xi32>
        %lt3A_718 = arith.cmpi slt, %add3A_715, %broadcast_in_dim3A_687 : vector<16xi32>
        %and3A_719 = arith.andi %ge3A_717, %lt3A_718 : vector<16xi1>
        %or3A_720 = arith.ori %eq3A_716, %and3A_719 : vector<16xi1>
        %jit3A_721 = arith.constant 0x7F800000 : f32
        %broadcast_in_dim3A_722 = vector.broadcast %jit3A_721 : f32 to vector<16xf32>
        %select_n3A_723 = arith.select %or3A_720, %broadcast_in_dim3A_722, %get3A_709 : vector<16xi1>, vector<16xf32>
        %swap3A_724 = arith.constant 16 : index
        %swap3A_725 = tpu.vector_load %arg5[%swap3A_724] {strides = array<i32>} : memref<400xf32, #tpu.memory_space<vmem>>, vector<16xf32>,
        %swap3A_726 = vector.shape_cast %swap3A_725 : vector<16xf32> to vector<16xf32>
        %swap3A_727 = vector.shape_cast %select_n3A_723 : vector<16xf32> to vector<16xf32>
        tpu.vector_store %arg5[%swap3A_724], %swap3A_727 {strides = array<i32>} : memref<400xf32, #tpu.memory_space<vmem>>, vector<16xf32>,
        %get3A_728 = arith.constant 32 : index
        %get3A_729 = tpu.vector_load %arg5[%get3A_728] {strides = array<i32>} : memref<400xf32, #tpu.memory_space<vmem>>, vector<16xf32>,
        %get3A_730 = vector.shape_cast %get3A_729 : vector<16xf32> to vector<16xf32>
        %get3A_731 = arith.constant 32 : index
        %get3A_732 = tpu.vector_load %arg6[%get3A_731] {strides = array<i32>} : memref<400xi32, #tpu.memory_space<vmem>>, vector<16xi32>,
        %get3A_733 = vector.shape_cast %get3A_732 : vector<16xi32> to vector<16xi32>
        %add3A_734 = arith.constant 32 : i32
        %add3A_735 = vector.broadcast %add3A_734 : i32 to vector<16xi32>
        %add3A_736 = arith.addi %iota3A, %add3A_735 : vector<16xi32>
        %eq3A_737 = arith.cmpi eq, %get3A_733, %broadcast_in_dim3A_678 : vector<16xi32>
        %ge3A_738 = arith.cmpi sge, %add3A_736, %broadcast_in_dim3A_682 : vector<16xi32>
        %lt3A_739 = arith.cmpi slt, %add3A_736, %broadcast_in_dim3A_687 : vector<16xi32>
        %and3A_740 = arith.andi %ge3A_738, %lt3A_739 : vector<16xi1>
        %or3A_741 = arith.ori %eq3A_737, %and3A_740 : vector<16xi1>
        %jit3A_742 = arith.constant 0x7F800000 : f32
        %broadcast_in_dim3A_743 = vector.broadcast %jit3A_742 : f32 to vector<16xf32>
        %select_n3A_744 = arith.select %or3A_741, %broadcast_in_dim3A_743, %get3A_730 : vector<16xi1>, vector<16xf32>
        %swap3A_745 = arith.constant 32 : index
        %swap3A_746 = tpu.vector_load %arg5[%swap3A_745] {strides = array<i32>} : memref<400xf32, #tpu.memory_space<vmem>>, vector<16xf32>,
        %swap3A_747 = vector.shape_cast %swap3A_746 : vector<16xf32> to vector<16xf32>
        %swap3A_748 = vector.shape_cast %select_n3A_744 : vector<16xf32> to vector<16xf32>
        tpu.vector_store %arg5[%swap3A_745], %swap3A_748 {strides = array<i32>} : memref<400xf32, #tpu.memory_space<vmem>>, vector<16xf32>,
        %get3A_749 = arith.constant 48 : index
        %get3A_750 = tpu.vector_load %arg5[%get3A_749] {strides = array<i32>} : memref<400xf32, #tpu.memory_space<vmem>>, vector<16xf32>,
        %get3A_751 = vector.shape_cast %get3A_750 : vector<16xf32> to vector<16xf32>
        %get3A_752 = arith.constant 48 : index
        %get3A_753 = tpu.vector_load %arg6[%get3A_752] {strides = array<i32>} : memref<400xi32, #tpu.memory_space<vmem>>, vector<16xi32>,
        %get3A_754 = vector.shape_cast %get3A_753 : vector<16xi32> to vector<16xi32>
        %add3A_755 = arith.constant 48 : i32
        %add3A_756 = vector.broadcast %add3A_755 : i32 to vector<16xi32>
        %add3A_757 = arith.addi %iota3A, %add3A_756 : vector<16xi32>
        %eq3A_758 = arith.cmpi eq, %get3A_754, %broadcast_in_dim3A_678 : vector<16xi32>
        %ge3A_759 = arith.cmpi sge, %add3A_757, %broadcast_in_dim3A_682 : vector<16xi32>
        %lt3A_760 = arith.cmpi slt, %add3A_757, %broadcast_in_dim3A_687 : vector<16xi32>
        %and3A_761 = arith.andi %ge3A_759, %lt3A_760 : vector<16xi1>
        %or3A_762 = arith.ori %eq3A_758, %and3A_761 : vector<16xi1>
        %jit3A_763 = arith.constant 0x7F800000 : f32
        %broadcast_in_dim3A_764 = vector.broadcast %jit3A_763 : f32 to vector<16xf32>
        %select_n3A_765 = arith.select %or3A_762, %broadcast_in_dim3A_764, %get3A_751 : vector<16xi1>, vector<16xf32>
        %swap3A_766 = arith.constant 48 : index
        %swap3A_767 = tpu.vector_load %arg5[%swap3A_766] {strides = array<i32>} : memref<400xf32, #tpu.memory_space<vmem>>, vector<16xf32>,
        %swap3A_768 = vector.shape_cast %swap3A_767 : vector<16xf32> to vector<16xf32>
        %swap3A_769 = vector.shape_cast %select_n3A_765 : vector<16xf32> to vector<16xf32>
        tpu.vector_store %arg5[%swap3A_766], %swap3A_769 {strides = array<i32>} : memref<400xf32, #tpu.memory_space<vmem>>, vector<16xf32>,
        %get3A_770 = arith.constant 64 : index
        %get3A_771 = tpu.vector_load %arg5[%get3A_770] {strides = array<i32>} : memref<400xf32, #tpu.memory_space<vmem>>, vector<16xf32>,
        %get3A_772 = vector.shape_cast %get3A_771 : vector<16xf32> to vector<16xf32>
        %get3A_773 = arith.constant 64 : index
        %get3A_774 = tpu.vector_load %arg6[%get3A_773] {strides = array<i32>} : memref<400xi32, #tpu.memory_space<vmem>>, vector<16xi32>,
        %get3A_775 = vector.shape_cast %get3A_774 : vector<16xi32> to vector<16xi32>
        %add3A_776 = arith.constant 64 : i32
        %add3A_777 = vector.broadcast %add3A_776 : i32 to vector<16xi32>
        %add3A_778 = arith.addi %iota3A, %add3A_777 : vector<16xi32>
        %eq3A_779 = arith.cmpi eq, %get3A_775, %broadcast_in_dim3A_678 : vector<16xi32>
        %ge3A_780 = arith.cmpi sge, %add3A_778, %broadcast_in_dim3A_682 : vector<16xi32>
        %lt3A_781 = arith.cmpi slt, %add3A_778, %broadcast_in_dim3A_687 : vector<16xi32>
        %and3A_782 = arith.andi %ge3A_780, %lt3A_781 : vector<16xi1>
        %or3A_783 = arith.ori %eq3A_779, %and3A_782 : vector<16xi1>
        %jit3A_784 = arith.constant 0x7F800000 : f32
        %broadcast_in_dim3A_785 = vector.broadcast %jit3A_784 : f32 to vector<16xf32>
        %select_n3A_786 = arith.select %or3A_783, %broadcast_in_dim3A_785, %get3A_772 : vector<16xi1>, vector<16xf32>
        %swap3A_787 = arith.constant 64 : index
        %swap3A_788 = tpu.vector_load %arg5[%swap3A_787] {strides = array<i32>} : memref<400xf32, #tpu.memory_space<vmem>>, vector<16xf32>,
        %swap3A_789 = vector.shape_cast %swap3A_788 : vector<16xf32> to vector<16xf32>
        %swap3A_790 = vector.shape_cast %select_n3A_786 : vector<16xf32> to vector<16xf32>
        tpu.vector_store %arg5[%swap3A_787], %swap3A_790 {strides = array<i32>} : memref<400xf32, #tpu.memory_space<vmem>>, vector<16xf32>,
        %get3A_791 = arith.constant 80 : index
        %get3A_792 = tpu.vector_load %arg5[%get3A_791] {strides = array<i32>} : memref<400xf32, #tpu.memory_space<vmem>>, vector<16xf32>,
        %get3A_793 = vector.shape_cast %get3A_792 : vector<16xf32> to vector<16xf32>
        %get3A_794 = arith.constant 80 : index
        %get3A_795 = tpu.vector_load %arg6[%get3A_794] {strides = array<i32>} : memref<400xi32, #tpu.memory_space<vmem>>, vector<16xi32>,
        %get3A_796 = vector.shape_cast %get3A_795 : vector<16xi32> to vector<16xi32>
        %add3A_797 = arith.constant 80 : i32
        %add3A_798 = vector.broadcast %add3A_797 : i32 to vector<16xi32>
        %add3A_799 = arith.addi %iota3A, %add3A_798 : vector<16xi32>
        %eq3A_800 = arith.cmpi eq, %get3A_796, %broadcast_in_dim3A_678 : vector<16xi32>
        %ge3A_801 = arith.cmpi sge, %add3A_799, %broadcast_in_dim3A_682 : vector<16xi32>
        %lt3A_802 = arith.cmpi slt, %add3A_799, %broadcast_in_dim3A_687 : vector<16xi32>
        %and3A_803 = arith.andi %ge3A_801, %lt3A_802 : vector<16xi1>
        %or3A_804 = arith.ori %eq3A_800, %and3A_803 : vector<16xi1>
        %jit3A_805 = arith.constant 0x7F800000 : f32
        %broadcast_in_dim3A_806 = vector.broadcast %jit3A_805 : f32 to vector<16xf32>
        %select_n3A_807 = arith.select %or3A_804, %broadcast_in_dim3A_806, %get3A_793 : vector<16xi1>, vector<16xf32>
        %swap3A_808 = arith.constant 80 : index
        %swap3A_809 = tpu.vector_load %arg5[%swap3A_808] {strides = array<i32>} : memref<400xf32, #tpu.memory_space<vmem>>, vector<16xf32>,
        %swap3A_810 = vector.shape_cast %swap3A_809 : vector<16xf32> to vector<16xf32>
        %swap3A_811 = vector.shape_cast %select_n3A_807 : vector<16xf32> to vector<16xf32>
        tpu.vector_store %arg5[%swap3A_808], %swap3A_811 {strides = array<i32>} : memref<400xf32, #tpu.memory_space<vmem>>, vector<16xf32>,
        %get3A_812 = arith.constant 96 : index
        %get3A_813 = tpu.vector_load %arg5[%get3A_812] {strides = array<i32>} : memref<400xf32, #tpu.memory_space<vmem>>, vector<16xf32>,
        %get3A_814 = vector.shape_cast %get3A_813 : vector<16xf32> to vector<16xf32>
        %get3A_815 = arith.constant 96 : index
        %get3A_816 = tpu.vector_load %arg6[%get3A_815] {strides = array<i32>} : memref<400xi32, #tpu.memory_space<vmem>>, vector<16xi32>,
        %get3A_817 = vector.shape_cast %get3A_816 : vector<16xi32> to vector<16xi32>
        %add3A_818 = arith.constant 96 : i32
        %add3A_819 = vector.broadcast %add3A_818 : i32 to vector<16xi32>
        %add3A_820 = arith.addi %iota3A, %add3A_819 : vector<16xi32>
        %eq3A_821 = arith.cmpi eq, %get3A_817, %broadcast_in_dim3A_678 : vector<16xi32>
        %ge3A_822 = arith.cmpi sge, %add3A_820, %broadcast_in_dim3A_682 : vector<16xi32>
        %lt3A_823 = arith.cmpi slt, %add3A_820, %broadcast_in_dim3A_687 : vector<16xi32>
        %and3A_824 = arith.andi %ge3A_822, %lt3A_823 : vector<16xi1>
        %or3A_825 = arith.ori %eq3A_821, %and3A_824 : vector<16xi1>
        %jit3A_826 = arith.constant 0x7F800000 : f32
        %broadcast_in_dim3A_827 = vector.broadcast %jit3A_826 : f32 to vector<16xf32>
        %select_n3A_828 = arith.select %or3A_825, %broadcast_in_dim3A_827, %get3A_814 : vector<16xi1>, vector<16xf32>
        %swap3A_829 = arith.constant 96 : index
        %swap3A_830 = tpu.vector_load %arg5[%swap3A_829] {strides = array<i32>} : memref<400xf32, #tpu.memory_space<vmem>>, vector<16xf32>,
        %swap3A_831 = vector.shape_cast %swap3A_830 : vector<16xf32> to vector<16xf32>
        %swap3A_832 = vector.shape_cast %select_n3A_828 : vector<16xf32> to vector<16xf32>
        tpu.vector_store %arg5[%swap3A_829], %swap3A_832 {strides = array<i32>} : memref<400xf32, #tpu.memory_space<vmem>>, vector<16xf32>,
        %get3A_833 = arith.constant 112 : index
        %get3A_834 = tpu.vector_load %arg5[%get3A_833] {strides = array<i32>} : memref<400xf32, #tpu.memory_space<vmem>>, vector<16xf32>,
        %get3A_835 = vector.shape_cast %get3A_834 : vector<16xf32> to vector<16xf32>
        %get3A_836 = arith.constant 112 : index
        %get3A_837 = tpu.vector_load %arg6[%get3A_836] {strides = array<i32>} : memref<400xi32, #tpu.memory_space<vmem>>, vector<16xi32>,
        %get3A_838 = vector.shape_cast %get3A_837 : vector<16xi32> to vector<16xi32>
        %add3A_839 = arith.constant 112 : i32
        %add3A_840 = vector.broadcast %add3A_839 : i32 to vector<16xi32>
        %add3A_841 = arith.addi %iota3A, %add3A_840 : vector<16xi32>
        %eq3A_842 = arith.cmpi eq, %get3A_838, %broadcast_in_dim3A_678 : vector<16xi32>
        %ge3A_843 = arith.cmpi sge, %add3A_841, %broadcast_in_dim3A_682 : vector<16xi32>
        %lt3A_844 = arith.cmpi slt, %add3A_841, %broadcast_in_dim3A_687 : vector<16xi32>
        %and3A_845 = arith.andi %ge3A_843, %lt3A_844 : vector<16xi1>
        %or3A_846 = arith.ori %eq3A_842, %and3A_845 : vector<16xi1>
        %jit3A_847 = arith.constant 0x7F800000 : f32
        %broadcast_in_dim3A_848 = vector.broadcast %jit3A_847 : f32 to vector<16xf32>
        %select_n3A_849 = arith.select %or3A_846, %broadcast_in_dim3A_848, %get3A_835 : vector<16xi1>, vector<16xf32>
        %swap3A_850 = arith.constant 112 : index
        %swap3A_851 = tpu.vector_load %arg5[%swap3A_850] {strides = array<i32>} : memref<400xf32, #tpu.memory_space<vmem>>, vector<16xf32>,
        %swap3A_852 = vector.shape_cast %swap3A_851 : vector<16xf32> to vector<16xf32>
        %swap3A_853 = vector.shape_cast %select_n3A_849 : vector<16xf32> to vector<16xf32>
        tpu.vector_store %arg5[%swap3A_850], %swap3A_853 {strides = array<i32>} : memref<400xf32, #tpu.memory_space<vmem>>, vector<16xf32>,
        %get3A_854 = arith.constant 128 : index
        %get3A_855 = tpu.vector_load %arg5[%get3A_854] {strides = array<i32>} : memref<400xf32, #tpu.memory_space<vmem>>, vector<16xf32>,
        %get3A_856 = vector.shape_cast %get3A_855 : vector<16xf32> to vector<16xf32>
        %get3A_857 = arith.constant 128 : index
        %get3A_858 = tpu.vector_load %arg6[%get3A_857] {strides = array<i32>} : memref<400xi32, #tpu.memory_space<vmem>>, vector<16xi32>,
        %get3A_859 = vector.shape_cast %get3A_858 : vector<16xi32> to vector<16xi32>
        %add3A_860 = arith.constant 128 : i32
        %add3A_861 = vector.broadcast %add3A_860 : i32 to vector<16xi32>
        %add3A_862 = arith.addi %iota3A, %add3A_861 : vector<16xi32>
        %eq3A_863 = arith.cmpi eq, %get3A_859, %broadcast_in_dim3A_678 : vector<16xi32>
        %ge3A_864 = arith.cmpi sge, %add3A_862, %broadcast_in_dim3A_682 : vector<16xi32>
        %lt3A_865 = arith.cmpi slt, %add3A_862, %broadcast_in_dim3A_687 : vector<16xi32>
        %and3A_866 = arith.andi %ge3A_864, %lt3A_865 : vector<16xi1>
        %or3A_867 = arith.ori %eq3A_863, %and3A_866 : vector<16xi1>
        %jit3A_868 = arith.constant 0x7F800000 : f32
        %broadcast_in_dim3A_869 = vector.broadcast %jit3A_868 : f32 to vector<16xf32>
        %select_n3A_870 = arith.select %or3A_867, %broadcast_in_dim3A_869, %get3A_856 : vector<16xi1>, vector<16xf32>
        %swap3A_871 = arith.constant 128 : index
        %swap3A_872 = tpu.vector_load %arg5[%swap3A_871] {strides = array<i32>} : memref<400xf32, #tpu.memory_space<vmem>>, vector<16xf32>,
        %swap3A_873 = vector.shape_cast %swap3A_872 : vector<16xf32> to vector<16xf32>
        %swap3A_874 = vector.shape_cast %select_n3A_870 : vector<16xf32> to vector<16xf32>
        tpu.vector_store %arg5[%swap3A_871], %swap3A_874 {strides = array<i32>} : memref<400xf32, #tpu.memory_space<vmem>>, vector<16xf32>,
        %get3A_875 = arith.constant 144 : index
        %get3A_876 = tpu.vector_load %arg5[%get3A_875] {strides = array<i32>} : memref<400xf32, #tpu.memory_space<vmem>>, vector<16xf32>,
        %get3A_877 = vector.shape_cast %get3A_876 : vector<16xf32> to vector<16xf32>
        %get3A_878 = arith.constant 144 : index
        %get3A_879 = tpu.vector_load %arg6[%get3A_878] {strides = array<i32>} : memref<400xi32, #tpu.memory_space<vmem>>, vector<16xi32>,
        %get3A_880 = vector.shape_cast %get3A_879 : vector<16xi32> to vector<16xi32>
        %add3A_881 = arith.constant 144 : i32
        %add3A_882 = vector.broadcast %add3A_881 : i32 to vector<16xi32>
        %add3A_883 = arith.addi %iota3A, %add3A_882 : vector<16xi32>
        %eq3A_884 = arith.cmpi eq, %get3A_880, %broadcast_in_dim3A_678 : vector<16xi32>
        %ge3A_885 = arith.cmpi sge, %add3A_883, %broadcast_in_dim3A_682 : vector<16xi32>
        %lt3A_886 = arith.cmpi slt, %add3A_883, %broadcast_in_dim3A_687 : vector<16xi32>
        %and3A_887 = arith.andi %ge3A_885, %lt3A_886 : vector<16xi1>
        %or3A_888 = arith.ori %eq3A_884, %and3A_887 : vector<16xi1>
        %jit3A_889 = arith.constant 0x7F800000 : f32
        %broadcast_in_dim3A_890 = vector.broadcast %jit3A_889 : f32 to vector<16xf32>
        %select_n3A_891 = arith.select %or3A_888, %broadcast_in_dim3A_890, %get3A_877 : vector<16xi1>, vector<16xf32>
        %swap3A_892 = arith.constant 144 : index
        %swap3A_893 = tpu.vector_load %arg5[%swap3A_892] {strides = array<i32>} : memref<400xf32, #tpu.memory_space<vmem>>, vector<16xf32>,
        %swap3A_894 = vector.shape_cast %swap3A_893 : vector<16xf32> to vector<16xf32>
        %swap3A_895 = vector.shape_cast %select_n3A_891 : vector<16xf32> to vector<16xf32>
        tpu.vector_store %arg5[%swap3A_892], %swap3A_895 {strides = array<i32>} : memref<400xf32, #tpu.memory_space<vmem>>, vector<16xf32>,
        %get3A_896 = arith.constant 160 : index
        %get3A_897 = tpu.vector_load %arg5[%get3A_896] {strides = array<i32>} : memref<400xf32, #tpu.memory_space<vmem>>, vector<16xf32>,
        %get3A_898 = vector.shape_cast %get3A_897 : vector<16xf32> to vector<16xf32>
        %get3A_899 = arith.constant 160 : index
        %get3A_900 = tpu.vector_load %arg6[%get3A_899] {strides = array<i32>} : memref<400xi32, #tpu.memory_space<vmem>>, vector<16xi32>,
        %get3A_901 = vector.shape_cast %get3A_900 : vector<16xi32> to vector<16xi32>
        %add3A_902 = arith.constant 160 : i32
        %add3A_903 = vector.broadcast %add3A_902 : i32 to vector<16xi32>
        %add3A_904 = arith.addi %iota3A, %add3A_903 : vector<16xi32>
        %eq3A_905 = arith.cmpi eq, %get3A_901, %broadcast_in_dim3A_678 : vector<16xi32>
        %ge3A_906 = arith.cmpi sge, %add3A_904, %broadcast_in_dim3A_682 : vector<16xi32>
        %lt3A_907 = arith.cmpi slt, %add3A_904, %broadcast_in_dim3A_687 : vector<16xi32>
        %and3A_908 = arith.andi %ge3A_906, %lt3A_907 : vector<16xi1>
        %or3A_909 = arith.ori %eq3A_905, %and3A_908 : vector<16xi1>
        %jit3A_910 = arith.constant 0x7F800000 : f32
        %broadcast_in_dim3A_911 = vector.broadcast %jit3A_910 : f32 to vector<16xf32>
        %select_n3A_912 = arith.select %or3A_909, %broadcast_in_dim3A_911, %get3A_898 : vector<16xi1>, vector<16xf32>
        %swap3A_913 = arith.constant 160 : index
        %swap3A_914 = tpu.vector_load %arg5[%swap3A_913] {strides = array<i32>} : memref<400xf32, #tpu.memory_space<vmem>>, vector<16xf32>,
        %swap3A_915 = vector.shape_cast %swap3A_914 : vector<16xf32> to vector<16xf32>
        %swap3A_916 = vector.shape_cast %select_n3A_912 : vector<16xf32> to vector<16xf32>
        tpu.vector_store %arg5[%swap3A_913], %swap3A_916 {strides = array<i32>} : memref<400xf32, #tpu.memory_space<vmem>>, vector<16xf32>,
        %get3A_917 = arith.constant 176 : index
        %get3A_918 = tpu.vector_load %arg5[%get3A_917] {strides = array<i32>} : memref<400xf32, #tpu.memory_space<vmem>>, vector<16xf32>,
        %get3A_919 = vector.shape_cast %get3A_918 : vector<16xf32> to vector<16xf32>
        %get3A_920 = arith.constant 176 : index
        %get3A_921 = tpu.vector_load %arg6[%get3A_920] {strides = array<i32>} : memref<400xi32, #tpu.memory_space<vmem>>, vector<16xi32>,
        %get3A_922 = vector.shape_cast %get3A_921 : vector<16xi32> to vector<16xi32>
        %add3A_923 = arith.constant 176 : i32
        %add3A_924 = vector.broadcast %add3A_923 : i32 to vector<16xi32>
        %add3A_925 = arith.addi %iota3A, %add3A_924 : vector<16xi32>
        %eq3A_926 = arith.cmpi eq, %get3A_922, %broadcast_in_dim3A_678 : vector<16xi32>
        %ge3A_927 = arith.cmpi sge, %add3A_925, %broadcast_in_dim3A_682 : vector<16xi32>
        %lt3A_928 = arith.cmpi slt, %add3A_925, %broadcast_in_dim3A_687 : vector<16xi32>
        %and3A_929 = arith.andi %ge3A_927, %lt3A_928 : vector<16xi1>
        %or3A_930 = arith.ori %eq3A_926, %and3A_929 : vector<16xi1>
        %jit3A_931 = arith.constant 0x7F800000 : f32
        %broadcast_in_dim3A_932 = vector.broadcast %jit3A_931 : f32 to vector<16xf32>
        %select_n3A_933 = arith.select %or3A_930, %broadcast_in_dim3A_932, %get3A_919 : vector<16xi1>, vector<16xf32>
        %swap3A_934 = arith.constant 176 : index
        %swap3A_935 = tpu.vector_load %arg5[%swap3A_934] {strides = array<i32>} : memref<400xf32, #tpu.memory_space<vmem>>, vector<16xf32>,
        %swap3A_936 = vector.shape_cast %swap3A_935 : vector<16xf32> to vector<16xf32>
        %swap3A_937 = vector.shape_cast %select_n3A_933 : vector<16xf32> to vector<16xf32>
        tpu.vector_store %arg5[%swap3A_934], %swap3A_937 {strides = array<i32>} : memref<400xf32, #tpu.memory_space<vmem>>, vector<16xf32>,
        %get3A_938 = arith.constant 192 : index
        %get3A_939 = tpu.vector_load %arg5[%get3A_938] {strides = array<i32>} : memref<400xf32, #tpu.memory_space<vmem>>, vector<16xf32>,
        %get3A_940 = vector.shape_cast %get3A_939 : vector<16xf32> to vector<16xf32>
        %get3A_941 = arith.constant 192 : index
        %get3A_942 = tpu.vector_load %arg6[%get3A_941] {strides = array<i32>} : memref<400xi32, #tpu.memory_space<vmem>>, vector<16xi32>,
        %get3A_943 = vector.shape_cast %get3A_942 : vector<16xi32> to vector<16xi32>
        %add3A_944 = arith.constant 192 : i32
        %add3A_945 = vector.broadcast %add3A_944 : i32 to vector<16xi32>
        %add3A_946 = arith.addi %iota3A, %add3A_945 : vector<16xi32>
        %eq3A_947 = arith.cmpi eq, %get3A_943, %broadcast_in_dim3A_678 : vector<16xi32>
        %ge3A_948 = arith.cmpi sge, %add3A_946, %broadcast_in_dim3A_682 : vector<16xi32>
        %lt3A_949 = arith.cmpi slt, %add3A_946, %broadcast_in_dim3A_687 : vector<16xi32>
        %and3A_950 = arith.andi %ge3A_948, %lt3A_949 : vector<16xi1>
        %or3A_951 = arith.ori %eq3A_947, %and3A_950 : vector<16xi1>
        %jit3A_952 = arith.constant 0x7F800000 : f32
        %broadcast_in_dim3A_953 = vector.broadcast %jit3A_952 : f32 to vector<16xf32>
        %select_n3A_954 = arith.select %or3A_951, %broadcast_in_dim3A_953, %get3A_940 : vector<16xi1>, vector<16xf32>
        %swap3A_955 = arith.constant 192 : index
        %swap3A_956 = tpu.vector_load %arg5[%swap3A_955] {strides = array<i32>} : memref<400xf32, #tpu.memory_space<vmem>>, vector<16xf32>,
        %swap3A_957 = vector.shape_cast %swap3A_956 : vector<16xf32> to vector<16xf32>
        %swap3A_958 = vector.shape_cast %select_n3A_954 : vector<16xf32> to vector<16xf32>
        tpu.vector_store %arg5[%swap3A_955], %swap3A_958 {strides = array<i32>} : memref<400xf32, #tpu.memory_space<vmem>>, vector<16xf32>,
        %get3A_959 = arith.constant 208 : index
        %get3A_960 = tpu.vector_load %arg5[%get3A_959] {strides = array<i32>} : memref<400xf32, #tpu.memory_space<vmem>>, vector<16xf32>,
        %get3A_961 = vector.shape_cast %get3A_960 : vector<16xf32> to vector<16xf32>
        %get3A_962 = arith.constant 208 : index
        %get3A_963 = tpu.vector_load %arg6[%get3A_962] {strides = array<i32>} : memref<400xi32, #tpu.memory_space<vmem>>, vector<16xi32>,
        %get3A_964 = vector.shape_cast %get3A_963 : vector<16xi32> to vector<16xi32>
        %add3A_965 = arith.constant 208 : i32
        %add3A_966 = vector.broadcast %add3A_965 : i32 to vector<16xi32>
        %add3A_967 = arith.addi %iota3A, %add3A_966 : vector<16xi32>
        %eq3A_968 = arith.cmpi eq, %get3A_964, %broadcast_in_dim3A_678 : vector<16xi32>
        %ge3A_969 = arith.cmpi sge, %add3A_967, %broadcast_in_dim3A_682 : vector<16xi32>
        %lt3A_970 = arith.cmpi slt, %add3A_967, %broadcast_in_dim3A_687 : vector<16xi32>
        %and3A_971 = arith.andi %ge3A_969, %lt3A_970 : vector<16xi1>
        %or3A_972 = arith.ori %eq3A_968, %and3A_971 : vector<16xi1>
        %jit3A_973 = arith.constant 0x7F800000 : f32
        %broadcast_in_dim3A_974 = vector.broadcast %jit3A_973 : f32 to vector<16xf32>
        %select_n3A_975 = arith.select %or3A_972, %broadcast_in_dim3A_974, %get3A_961 : vector<16xi1>, vector<16xf32>
        %swap3A_976 = arith.constant 208 : index
        %swap3A_977 = tpu.vector_load %arg5[%swap3A_976] {strides = array<i32>} : memref<400xf32, #tpu.memory_space<vmem>>, vector<16xf32>,
        %swap3A_978 = vector.shape_cast %swap3A_977 : vector<16xf32> to vector<16xf32>
        %swap3A_979 = vector.shape_cast %select_n3A_975 : vector<16xf32> to vector<16xf32>
        tpu.vector_store %arg5[%swap3A_976], %swap3A_979 {strides = array<i32>} : memref<400xf32, #tpu.memory_space<vmem>>, vector<16xf32>,
        %get3A_980 = arith.constant 224 : index
        %get3A_981 = tpu.vector_load %arg5[%get3A_980] {strides = array<i32>} : memref<400xf32, #tpu.memory_space<vmem>>, vector<16xf32>,
        %get3A_982 = vector.shape_cast %get3A_981 : vector<16xf32> to vector<16xf32>
        %get3A_983 = arith.constant 224 : index
        %get3A_984 = tpu.vector_load %arg6[%get3A_983] {strides = array<i32>} : memref<400xi32, #tpu.memory_space<vmem>>, vector<16xi32>,
        %get3A_985 = vector.shape_cast %get3A_984 : vector<16xi32> to vector<16xi32>
        %add3A_986 = arith.constant 224 : i32
        %add3A_987 = vector.broadcast %add3A_986 : i32 to vector<16xi32>
        %add3A_988 = arith.addi %iota3A, %add3A_987 : vector<16xi32>
        %eq3A_989 = arith.cmpi eq, %get3A_985, %broadcast_in_dim3A_678 : vector<16xi32>
        %ge3A_990 = arith.cmpi sge, %add3A_988, %broadcast_in_dim3A_682 : vector<16xi32>
        %lt3A_991 = arith.cmpi slt, %add3A_988, %broadcast_in_dim3A_687 : vector<16xi32>
        %and3A_992 = arith.andi %ge3A_990, %lt3A_991 : vector<16xi1>
        %or3A_993 = arith.ori %eq3A_989, %and3A_992 : vector<16xi1>
        %jit3A_994 = arith.constant 0x7F800000 : f32
        %broadcast_in_dim3A_995 = vector.broadcast %jit3A_994 : f32 to vector<16xf32>
        %select_n3A_996 = arith.select %or3A_993, %broadcast_in_dim3A_995, %get3A_982 : vector<16xi1>, vector<16xf32>
        %swap3A_997 = arith.constant 224 : index
        %swap3A_998 = tpu.vector_load %arg5[%swap3A_997] {strides = array<i32>} : memref<400xf32, #tpu.memory_space<vmem>>, vector<16xf32>,
        %swap3A_999 = vector.shape_cast %swap3A_998 : vector<16xf32> to vector<16xf32>
        %swap3A_1000 = vector.shape_cast %select_n3A_996 : vector<16xf32> to vector<16xf32>
        tpu.vector_store %arg5[%swap3A_997], %swap3A_1000 {strides = array<i32>} : memref<400xf32, #tpu.memory_space<vmem>>, vector<16xf32>,
        %get3A_1001 = arith.constant 240 : index
        %get3A_1002 = tpu.vector_load %arg5[%get3A_1001] {strides = array<i32>} : memref<400xf32, #tpu.memory_space<vmem>>, vector<16xf32>,
        %get3A_1003 = vector.shape_cast %get3A_1002 : vector<16xf32> to vector<16xf32>
        %get3A_1004 = arith.constant 240 : index
        %get3A_1005 = tpu.vector_load %arg6[%get3A_1004] {strides = array<i32>} : memref<400xi32, #tpu.memory_space<vmem>>, vector<16xi32>,
        %get3A_1006 = vector.shape_cast %get3A_1005 : vector<16xi32> to vector<16xi32>
        %add3A_1007 = arith.constant 240 : i32
        %add3A_1008 = vector.broadcast %add3A_1007 : i32 to vector<16xi32>
        %add3A_1009 = arith.addi %iota3A, %add3A_1008 : vector<16xi32>
        %eq3A_1010 = arith.cmpi eq, %get3A_1006, %broadcast_in_dim3A_678 : vector<16xi32>
        %ge3A_1011 = arith.cmpi sge, %add3A_1009, %broadcast_in_dim3A_682 : vector<16xi32>
        %lt3A_1012 = arith.cmpi slt, %add3A_1009, %broadcast_in_dim3A_687 : vector<16xi32>
        %and3A_1013 = arith.andi %ge3A_1011, %lt3A_1012 : vector<16xi1>
        %or3A_1014 = arith.ori %eq3A_1010, %and3A_1013 : vector<16xi1>
        %jit3A_1015 = arith.constant 0x7F800000 : f32
        %broadcast_in_dim3A_1016 = vector.broadcast %jit3A_1015 : f32 to vector<16xf32>
        %select_n3A_1017 = arith.select %or3A_1014, %broadcast_in_dim3A_1016, %get3A_1003 : vector<16xi1>, vector<16xf32>
        %swap3A_1018 = arith.constant 240 : index
        %swap3A_1019 = tpu.vector_load %arg5[%swap3A_1018] {strides = array<i32>} : memref<400xf32, #tpu.memory_space<vmem>>, vector<16xf32>,
        %swap3A_1020 = vector.shape_cast %swap3A_1019 : vector<16xf32> to vector<16xf32>
        %swap3A_1021 = vector.shape_cast %select_n3A_1017 : vector<16xf32> to vector<16xf32>
        tpu.vector_store %arg5[%swap3A_1018], %swap3A_1021 {strides = array<i32>} : memref<400xf32, #tpu.memory_space<vmem>>, vector<16xf32>,
        %get3A_1022 = arith.constant 256 : index
        %get3A_1023 = tpu.vector_load %arg5[%get3A_1022] {strides = array<i32>} : memref<400xf32, #tpu.memory_space<vmem>>, vector<16xf32>,
        %get3A_1024 = vector.shape_cast %get3A_1023 : vector<16xf32> to vector<16xf32>
        %get3A_1025 = arith.constant 256 : index
        %get3A_1026 = tpu.vector_load %arg6[%get3A_1025] {strides = array<i32>} : memref<400xi32, #tpu.memory_space<vmem>>, vector<16xi32>,
        %get3A_1027 = vector.shape_cast %get3A_1026 : vector<16xi32> to vector<16xi32>
        %add3A_1028 = arith.constant 256 : i32
        %add3A_1029 = vector.broadcast %add3A_1028 : i32 to vector<16xi32>
        %add3A_1030 = arith.addi %iota3A, %add3A_1029 : vector<16xi32>
        %eq3A_1031 = arith.cmpi eq, %get3A_1027, %broadcast_in_dim3A_678 : vector<16xi32>
        %ge3A_1032 = arith.cmpi sge, %add3A_1030, %broadcast_in_dim3A_682 : vector<16xi32>
        %lt3A_1033 = arith.cmpi slt, %add3A_1030, %broadcast_in_dim3A_687 : vector<16xi32>
        %and3A_1034 = arith.andi %ge3A_1032, %lt3A_1033 : vector<16xi1>
        %or3A_1035 = arith.ori %eq3A_1031, %and3A_1034 : vector<16xi1>
        %jit3A_1036 = arith.constant 0x7F800000 : f32
        %broadcast_in_dim3A_1037 = vector.broadcast %jit3A_1036 : f32 to vector<16xf32>
        %select_n3A_1038 = arith.select %or3A_1035, %broadcast_in_dim3A_1037, %get3A_1024 : vector<16xi1>, vector<16xf32>
        %swap3A_1039 = arith.constant 256 : index
        %swap3A_1040 = tpu.vector_load %arg5[%swap3A_1039] {strides = array<i32>} : memref<400xf32, #tpu.memory_space<vmem>>, vector<16xf32>,
        %swap3A_1041 = vector.shape_cast %swap3A_1040 : vector<16xf32> to vector<16xf32>
        %swap3A_1042 = vector.shape_cast %select_n3A_1038 : vector<16xf32> to vector<16xf32>
        tpu.vector_store %arg5[%swap3A_1039], %swap3A_1042 {strides = array<i32>} : memref<400xf32, #tpu.memory_space<vmem>>, vector<16xf32>,
        %get3A_1043 = arith.constant 272 : index
        %get3A_1044 = tpu.vector_load %arg5[%get3A_1043] {strides = array<i32>} : memref<400xf32, #tpu.memory_space<vmem>>, vector<16xf32>,
        %get3A_1045 = vector.shape_cast %get3A_1044 : vector<16xf32> to vector<16xf32>
        %get3A_1046 = arith.constant 272 : index
        %get3A_1047 = tpu.vector_load %arg6[%get3A_1046] {strides = array<i32>} : memref<400xi32, #tpu.memory_space<vmem>>, vector<16xi32>,
        %get3A_1048 = vector.shape_cast %get3A_1047 : vector<16xi32> to vector<16xi32>
        %add3A_1049 = arith.constant 272 : i32
        %add3A_1050 = vector.broadcast %add3A_1049 : i32 to vector<16xi32>
        %add3A_1051 = arith.addi %iota3A, %add3A_1050 : vector<16xi32>
        %eq3A_1052 = arith.cmpi eq, %get3A_1048, %broadcast_in_dim3A_678 : vector<16xi32>
        %ge3A_1053 = arith.cmpi sge, %add3A_1051, %broadcast_in_dim3A_682 : vector<16xi32>
        %lt3A_1054 = arith.cmpi slt, %add3A_1051, %broadcast_in_dim3A_687 : vector<16xi32>
        %and3A_1055 = arith.andi %ge3A_1053, %lt3A_1054 : vector<16xi1>
        %or3A_1056 = arith.ori %eq3A_1052, %and3A_1055 : vector<16xi1>
        %jit3A_1057 = arith.constant 0x7F800000 : f32
        %broadcast_in_dim3A_1058 = vector.broadcast %jit3A_1057 : f32 to vector<16xf32>
        %select_n3A_1059 = arith.select %or3A_1056, %broadcast_in_dim3A_1058, %get3A_1045 : vector<16xi1>, vector<16xf32>
        %swap3A_1060 = arith.constant 272 : index
        %swap3A_1061 = tpu.vector_load %arg5[%swap3A_1060] {strides = array<i32>} : memref<400xf32, #tpu.memory_space<vmem>>, vector<16xf32>,
        %swap3A_1062 = vector.shape_cast %swap3A_1061 : vector<16xf32> to vector<16xf32>
        %swap3A_1063 = vector.shape_cast %select_n3A_1059 : vector<16xf32> to vector<16xf32>
        tpu.vector_store %arg5[%swap3A_1060], %swap3A_1063 {strides = array<i32>} : memref<400xf32, #tpu.memory_space<vmem>>, vector<16xf32>,
        %get3A_1064 = arith.constant 288 : index
        %get3A_1065 = tpu.vector_load %arg5[%get3A_1064] {strides = array<i32>} : memref<400xf32, #tpu.memory_space<vmem>>, vector<16xf32>,
        %get3A_1066 = vector.shape_cast %get3A_1065 : vector<16xf32> to vector<16xf32>
        %get3A_1067 = arith.constant 288 : index
        %get3A_1068 = tpu.vector_load %arg6[%get3A_1067] {strides = array<i32>} : memref<400xi32, #tpu.memory_space<vmem>>, vector<16xi32>,
        %get3A_1069 = vector.shape_cast %get3A_1068 : vector<16xi32> to vector<16xi32>
        %add3A_1070 = arith.constant 288 : i32
        %add3A_1071 = vector.broadcast %add3A_1070 : i32 to vector<16xi32>
        %add3A_1072 = arith.addi %iota3A, %add3A_1071 : vector<16xi32>
        %eq3A_1073 = arith.cmpi eq, %get3A_1069, %broadcast_in_dim3A_678 : vector<16xi32>
        %ge3A_1074 = arith.cmpi sge, %add3A_1072, %broadcast_in_dim3A_682 : vector<16xi32>
        %lt3A_1075 = arith.cmpi slt, %add3A_1072, %broadcast_in_dim3A_687 : vector<16xi32>
        %and3A_1076 = arith.andi %ge3A_1074, %lt3A_1075 : vector<16xi1>
        %or3A_1077 = arith.ori %eq3A_1073, %and3A_1076 : vector<16xi1>
        %jit3A_1078 = arith.constant 0x7F800000 : f32
        %broadcast_in_dim3A_1079 = vector.broadcast %jit3A_1078 : f32 to vector<16xf32>
        %select_n3A_1080 = arith.select %or3A_1077, %broadcast_in_dim3A_1079, %get3A_1066 : vector<16xi1>, vector<16xf32>
        %swap3A_1081 = arith.constant 288 : index
        %swap3A_1082 = tpu.vector_load %arg5[%swap3A_1081] {strides = array<i32>} : memref<400xf32, #tpu.memory_space<vmem>>, vector<16xf32>,
        %swap3A_1083 = vector.shape_cast %swap3A_1082 : vector<16xf32> to vector<16xf32>
        %swap3A_1084 = vector.shape_cast %select_n3A_1080 : vector<16xf32> to vector<16xf32>
        tpu.vector_store %arg5[%swap3A_1081], %swap3A_1084 {strides = array<i32>} : memref<400xf32, #tpu.memory_space<vmem>>, vector<16xf32>,
        %get3A_1085 = arith.constant 304 : index
        %get3A_1086 = tpu.vector_load %arg5[%get3A_1085] {strides = array<i32>} : memref<400xf32, #tpu.memory_space<vmem>>, vector<16xf32>,
        %get3A_1087 = vector.shape_cast %get3A_1086 : vector<16xf32> to vector<16xf32>
        %get3A_1088 = arith.constant 304 : index
        %get3A_1089 = tpu.vector_load %arg6[%get3A_1088] {strides = array<i32>} : memref<400xi32, #tpu.memory_space<vmem>>, vector<16xi32>,
        %get3A_1090 = vector.shape_cast %get3A_1089 : vector<16xi32> to vector<16xi32>
        %add3A_1091 = arith.constant 304 : i32
        %add3A_1092 = vector.broadcast %add3A_1091 : i32 to vector<16xi32>
        %add3A_1093 = arith.addi %iota3A, %add3A_1092 : vector<16xi32>
        %eq3A_1094 = arith.cmpi eq, %get3A_1090, %broadcast_in_dim3A_678 : vector<16xi32>
        %ge3A_1095 = arith.cmpi sge, %add3A_1093, %broadcast_in_dim3A_682 : vector<16xi32>
        %lt3A_1096 = arith.cmpi slt, %add3A_1093, %broadcast_in_dim3A_687 : vector<16xi32>
        %and3A_1097 = arith.andi %ge3A_1095, %lt3A_1096 : vector<16xi1>
        %or3A_1098 = arith.ori %eq3A_1094, %and3A_1097 : vector<16xi1>
        %jit3A_1099 = arith.constant 0x7F800000 : f32
        %broadcast_in_dim3A_1100 = vector.broadcast %jit3A_1099 : f32 to vector<16xf32>
        %select_n3A_1101 = arith.select %or3A_1098, %broadcast_in_dim3A_1100, %get3A_1087 : vector<16xi1>, vector<16xf32>
        %swap3A_1102 = arith.constant 304 : index
        %swap3A_1103 = tpu.vector_load %arg5[%swap3A_1102] {strides = array<i32>} : memref<400xf32, #tpu.memory_space<vmem>>, vector<16xf32>,
        %swap3A_1104 = vector.shape_cast %swap3A_1103 : vector<16xf32> to vector<16xf32>
        %swap3A_1105 = vector.shape_cast %select_n3A_1101 : vector<16xf32> to vector<16xf32>
        tpu.vector_store %arg5[%swap3A_1102], %swap3A_1105 {strides = array<i32>} : memref<400xf32, #tpu.memory_space<vmem>>, vector<16xf32>,
        %get3A_1106 = arith.constant 320 : index
        %get3A_1107 = tpu.vector_load %arg5[%get3A_1106] {strides = array<i32>} : memref<400xf32, #tpu.memory_space<vmem>>, vector<16xf32>,
        %get3A_1108 = vector.shape_cast %get3A_1107 : vector<16xf32> to vector<16xf32>
        %get3A_1109 = arith.constant 320 : index
        %get3A_1110 = tpu.vector_load %arg6[%get3A_1109] {strides = array<i32>} : memref<400xi32, #tpu.memory_space<vmem>>, vector<16xi32>,
        %get3A_1111 = vector.shape_cast %get3A_1110 : vector<16xi32> to vector<16xi32>
        %add3A_1112 = arith.constant 320 : i32
        %add3A_1113 = vector.broadcast %add3A_1112 : i32 to vector<16xi32>
        %add3A_1114 = arith.addi %iota3A, %add3A_1113 : vector<16xi32>
        %eq3A_1115 = arith.cmpi eq, %get3A_1111, %broadcast_in_dim3A_678 : vector<16xi32>
        %ge3A_1116 = arith.cmpi sge, %add3A_1114, %broadcast_in_dim3A_682 : vector<16xi32>
        %lt3A_1117 = arith.cmpi slt, %add3A_1114, %broadcast_in_dim3A_687 : vector<16xi32>
        %and3A_1118 = arith.andi %ge3A_1116, %lt3A_1117 : vector<16xi1>
        %or3A_1119 = arith.ori %eq3A_1115, %and3A_1118 : vector<16xi1>
        %jit3A_1120 = arith.constant 0x7F800000 : f32
        %broadcast_in_dim3A_1121 = vector.broadcast %jit3A_1120 : f32 to vector<16xf32>
        %select_n3A_1122 = arith.select %or3A_1119, %broadcast_in_dim3A_1121, %get3A_1108 : vector<16xi1>, vector<16xf32>
        %swap3A_1123 = arith.constant 320 : index
        %swap3A_1124 = tpu.vector_load %arg5[%swap3A_1123] {strides = array<i32>} : memref<400xf32, #tpu.memory_space<vmem>>, vector<16xf32>,
        %swap3A_1125 = vector.shape_cast %swap3A_1124 : vector<16xf32> to vector<16xf32>
        %swap3A_1126 = vector.shape_cast %select_n3A_1122 : vector<16xf32> to vector<16xf32>
        tpu.vector_store %arg5[%swap3A_1123], %swap3A_1126 {strides = array<i32>} : memref<400xf32, #tpu.memory_space<vmem>>, vector<16xf32>,
        %get3A_1127 = arith.constant 336 : index
        %get3A_1128 = tpu.vector_load %arg5[%get3A_1127] {strides = array<i32>} : memref<400xf32, #tpu.memory_space<vmem>>, vector<16xf32>,
        %get3A_1129 = vector.shape_cast %get3A_1128 : vector<16xf32> to vector<16xf32>
        %get3A_1130 = arith.constant 336 : index
        %get3A_1131 = tpu.vector_load %arg6[%get3A_1130] {strides = array<i32>} : memref<400xi32, #tpu.memory_space<vmem>>, vector<16xi32>,
        %get3A_1132 = vector.shape_cast %get3A_1131 : vector<16xi32> to vector<16xi32>
        %add3A_1133 = arith.constant 336 : i32
        %add3A_1134 = vector.broadcast %add3A_1133 : i32 to vector<16xi32>
        %add3A_1135 = arith.addi %iota3A, %add3A_1134 : vector<16xi32>
        %eq3A_1136 = arith.cmpi eq, %get3A_1132, %broadcast_in_dim3A_678 : vector<16xi32>
        %ge3A_1137 = arith.cmpi sge, %add3A_1135, %broadcast_in_dim3A_682 : vector<16xi32>
        %lt3A_1138 = arith.cmpi slt, %add3A_1135, %broadcast_in_dim3A_687 : vector<16xi32>
        %and3A_1139 = arith.andi %ge3A_1137, %lt3A_1138 : vector<16xi1>
        %or3A_1140 = arith.ori %eq3A_1136, %and3A_1139 : vector<16xi1>
        %jit3A_1141 = arith.constant 0x7F800000 : f32
        %broadcast_in_dim3A_1142 = vector.broadcast %jit3A_1141 : f32 to vector<16xf32>
        %select_n3A_1143 = arith.select %or3A_1140, %broadcast_in_dim3A_1142, %get3A_1129 : vector<16xi1>, vector<16xf32>
        %swap3A_1144 = arith.constant 336 : index
        %swap3A_1145 = tpu.vector_load %arg5[%swap3A_1144] {strides = array<i32>} : memref<400xf32, #tpu.memory_space<vmem>>, vector<16xf32>,
        %swap3A_1146 = vector.shape_cast %swap3A_1145 : vector<16xf32> to vector<16xf32>
        %swap3A_1147 = vector.shape_cast %select_n3A_1143 : vector<16xf32> to vector<16xf32>
        tpu.vector_store %arg5[%swap3A_1144], %swap3A_1147 {strides = array<i32>} : memref<400xf32, #tpu.memory_space<vmem>>, vector<16xf32>,
        %get3A_1148 = arith.constant 352 : index
        %get3A_1149 = tpu.vector_load %arg5[%get3A_1148] {strides = array<i32>} : memref<400xf32, #tpu.memory_space<vmem>>, vector<16xf32>,
        %get3A_1150 = vector.shape_cast %get3A_1149 : vector<16xf32> to vector<16xf32>
        %get3A_1151 = arith.constant 352 : index
        %get3A_1152 = tpu.vector_load %arg6[%get3A_1151] {strides = array<i32>} : memref<400xi32, #tpu.memory_space<vmem>>, vector<16xi32>,
        %get3A_1153 = vector.shape_cast %get3A_1152 : vector<16xi32> to vector<16xi32>
        %add3A_1154 = arith.constant 352 : i32
        %add3A_1155 = vector.broadcast %add3A_1154 : i32 to vector<16xi32>
        %add3A_1156 = arith.addi %iota3A, %add3A_1155 : vector<16xi32>
        %eq3A_1157 = arith.cmpi eq, %get3A_1153, %broadcast_in_dim3A_678 : vector<16xi32>
        %ge3A_1158 = arith.cmpi sge, %add3A_1156, %broadcast_in_dim3A_682 : vector<16xi32>
        %lt3A_1159 = arith.cmpi slt, %add3A_1156, %broadcast_in_dim3A_687 : vector<16xi32>
        %and3A_1160 = arith.andi %ge3A_1158, %lt3A_1159 : vector<16xi1>
        %or3A_1161 = arith.ori %eq3A_1157, %and3A_1160 : vector<16xi1>
        %jit3A_1162 = arith.constant 0x7F800000 : f32
        %broadcast_in_dim3A_1163 = vector.broadcast %jit3A_1162 : f32 to vector<16xf32>
        %select_n3A_1164 = arith.select %or3A_1161, %broadcast_in_dim3A_1163, %get3A_1150 : vector<16xi1>, vector<16xf32>
        %swap3A_1165 = arith.constant 352 : index
        %swap3A_1166 = tpu.vector_load %arg5[%swap3A_1165] {strides = array<i32>} : memref<400xf32, #tpu.memory_space<vmem>>, vector<16xf32>,
        %swap3A_1167 = vector.shape_cast %swap3A_1166 : vector<16xf32> to vector<16xf32>
        %swap3A_1168 = vector.shape_cast %select_n3A_1164 : vector<16xf32> to vector<16xf32>
        tpu.vector_store %arg5[%swap3A_1165], %swap3A_1168 {strides = array<i32>} : memref<400xf32, #tpu.memory_space<vmem>>, vector<16xf32>,
        %get3A_1169 = arith.constant 368 : index
        %get3A_1170 = tpu.vector_load %arg5[%get3A_1169] {strides = array<i32>} : memref<400xf32, #tpu.memory_space<vmem>>, vector<16xf32>,
        %get3A_1171 = vector.shape_cast %get3A_1170 : vector<16xf32> to vector<16xf32>
        %get3A_1172 = arith.constant 368 : index
        %get3A_1173 = tpu.vector_load %arg6[%get3A_1172] {strides = array<i32>} : memref<400xi32, #tpu.memory_space<vmem>>, vector<16xi32>,
        %get3A_1174 = vector.shape_cast %get3A_1173 : vector<16xi32> to vector<16xi32>
        %add3A_1175 = arith.constant 368 : i32
        %add3A_1176 = vector.broadcast %add3A_1175 : i32 to vector<16xi32>
        %add3A_1177 = arith.addi %iota3A, %add3A_1176 : vector<16xi32>
        %eq3A_1178 = arith.cmpi eq, %get3A_1174, %broadcast_in_dim3A_678 : vector<16xi32>
        %ge3A_1179 = arith.cmpi sge, %add3A_1177, %broadcast_in_dim3A_682 : vector<16xi32>
        %lt3A_1180 = arith.cmpi slt, %add3A_1177, %broadcast_in_dim3A_687 : vector<16xi32>
        %and3A_1181 = arith.andi %ge3A_1179, %lt3A_1180 : vector<16xi1>
        %or3A_1182 = arith.ori %eq3A_1178, %and3A_1181 : vector<16xi1>
        %jit3A_1183 = arith.constant 0x7F800000 : f32
        %broadcast_in_dim3A_1184 = vector.broadcast %jit3A_1183 : f32 to vector<16xf32>
        %select_n3A_1185 = arith.select %or3A_1182, %broadcast_in_dim3A_1184, %get3A_1171 : vector<16xi1>, vector<16xf32>
        %swap3A_1186 = arith.constant 368 : index
        %swap3A_1187 = tpu.vector_load %arg5[%swap3A_1186] {strides = array<i32>} : memref<400xf32, #tpu.memory_space<vmem>>, vector<16xf32>,
        %swap3A_1188 = vector.shape_cast %swap3A_1187 : vector<16xf32> to vector<16xf32>
        %swap3A_1189 = vector.shape_cast %select_n3A_1185 : vector<16xf32> to vector<16xf32>
        tpu.vector_store %arg5[%swap3A_1186], %swap3A_1189 {strides = array<i32>} : memref<400xf32, #tpu.memory_space<vmem>>, vector<16xf32>,
        %get3A_1190 = arith.constant 384 : index
        %get3A_1191 = tpu.vector_load %arg5[%get3A_1190] {strides = array<i32>} : memref<400xf32, #tpu.memory_space<vmem>>, vector<16xf32>,
        %get3A_1192 = vector.shape_cast %get3A_1191 : vector<16xf32> to vector<16xf32>
        %get3A_1193 = arith.constant 384 : index
        %get3A_1194 = tpu.vector_load %arg6[%get3A_1193] {strides = array<i32>} : memref<400xi32, #tpu.memory_space<vmem>>, vector<16xi32>,
        %get3A_1195 = vector.shape_cast %get3A_1194 : vector<16xi32> to vector<16xi32>
        %add3A_1196 = arith.constant 384 : i32
        %add3A_1197 = vector.broadcast %add3A_1196 : i32 to vector<16xi32>
        %add3A_1198 = arith.addi %iota3A, %add3A_1197 : vector<16xi32>
        %eq3A_1199 = arith.cmpi eq, %get3A_1195, %broadcast_in_dim3A_678 : vector<16xi32>
        %ge3A_1200 = arith.cmpi sge, %add3A_1198, %broadcast_in_dim3A_682 : vector<16xi32>
        %lt3A_1201 = arith.cmpi slt, %add3A_1198, %broadcast_in_dim3A_687 : vector<16xi32>
        %and3A_1202 = arith.andi %ge3A_1200, %lt3A_1201 : vector<16xi1>
        %or3A_1203 = arith.ori %eq3A_1199, %and3A_1202 : vector<16xi1>
        %jit3A_1204 = arith.constant 0x7F800000 : f32
        %broadcast_in_dim3A_1205 = vector.broadcast %jit3A_1204 : f32 to vector<16xf32>
        %select_n3A_1206 = arith.select %or3A_1203, %broadcast_in_dim3A_1205, %get3A_1192 : vector<16xi1>, vector<16xf32>
        %swap3A_1207 = arith.constant 384 : index
        %swap3A_1208 = tpu.vector_load %arg5[%swap3A_1207] {strides = array<i32>} : memref<400xf32, #tpu.memory_space<vmem>>, vector<16xf32>,
        %swap3A_1209 = vector.shape_cast %swap3A_1208 : vector<16xf32> to vector<16xf32>
        %swap3A_1210 = vector.shape_cast %select_n3A_1206 : vector<16xf32> to vector<16xf32>
        tpu.vector_store %arg5[%swap3A_1207], %swap3A_1210 {strides = array<i32>} : memref<400xf32, #tpu.memory_space<vmem>>, vector<16xf32>,
        %get3A_1211 = arith.constant 0 : index
        %get3A_1212 = tpu.vector_load %arg7[%get3A_1211] {strides = array<i32>} : memref<64xi32, #tpu.memory_space<vmem>>, vector<16xi32>,
        %get3A_1213 = vector.shape_cast %get3A_1212 : vector<16xi32> to vector<16xi32>
        %eq3A_1214 = arith.cmpi eq, %iota3A, %broadcast_in_dim3A_677 : vector<16xi32>
        %select_n3A_1215 = arith.select %eq3A_1214, %broadcast_in_dim3A_679, %get3A_1213 : vector<16xi1>, vector<16xi32>
        %swap3A_1216 = arith.constant 0 : index
        %swap3A_1217 = tpu.vector_load %arg7[%swap3A_1216] {strides = array<i32>} : memref<64xi32, #tpu.memory_space<vmem>>, vector<16xi32>,
        %swap3A_1218 = vector.shape_cast %swap3A_1217 : vector<16xi32> to vector<16xi32>
        %swap3A_1219 = vector.shape_cast %select_n3A_1215 : vector<16xi32> to vector<16xi32>
        tpu.vector_store %arg7[%swap3A_1216], %swap3A_1219 {strides = array<i32>} : memref<64xi32, #tpu.memory_space<vmem>>, vector<16xi32>,
        %get3A_1220 = arith.constant 16 : index
        %get3A_1221 = tpu.vector_load %arg7[%get3A_1220] {strides = array<i32>} : memref<64xi32, #tpu.memory_space<vmem>>, vector<16xi32>,
        %get3A_1222 = vector.shape_cast %get3A_1221 : vector<16xi32> to vector<16xi32>
        %add3A_1223 = arith.constant 16 : i32
        %add3A_1224 = vector.broadcast %add3A_1223 : i32 to vector<16xi32>
        %add3A_1225 = arith.addi %iota3A, %add3A_1224 : vector<16xi32>
        %eq3A_1226 = arith.cmpi eq, %add3A_1225, %broadcast_in_dim3A_677 : vector<16xi32>
        %select_n3A_1227 = arith.select %eq3A_1226, %broadcast_in_dim3A_679, %get3A_1222 : vector<16xi1>, vector<16xi32>
        %swap3A_1228 = arith.constant 16 : index
        %swap3A_1229 = tpu.vector_load %arg7[%swap3A_1228] {strides = array<i32>} : memref<64xi32, #tpu.memory_space<vmem>>, vector<16xi32>,
        %swap3A_1230 = vector.shape_cast %swap3A_1229 : vector<16xi32> to vector<16xi32>
        %swap3A_1231 = vector.shape_cast %select_n3A_1227 : vector<16xi32> to vector<16xi32>
        tpu.vector_store %arg7[%swap3A_1228], %swap3A_1231 {strides = array<i32>} : memref<64xi32, #tpu.memory_space<vmem>>, vector<16xi32>,
        %get3A_1232 = arith.constant 32 : index
        %get3A_1233 = tpu.vector_load %arg7[%get3A_1232] {strides = array<i32>} : memref<64xi32, #tpu.memory_space<vmem>>, vector<16xi32>,
        %get3A_1234 = vector.shape_cast %get3A_1233 : vector<16xi32> to vector<16xi32>
        %eq3A_1235 = arith.cmpi eq, %iota3A, %broadcast_in_dim3A_677 : vector<16xi32>
        %select_n3A_1236 = arith.select %eq3A_1235, %broadcast_in_dim3A_678, %get3A_1234 : vector<16xi1>, vector<16xi32>
        %swap3A_1237 = arith.constant 32 : index
        %swap3A_1238 = tpu.vector_load %arg7[%swap3A_1237] {strides = array<i32>} : memref<64xi32, #tpu.memory_space<vmem>>, vector<16xi32>,
        %swap3A_1239 = vector.shape_cast %swap3A_1238 : vector<16xi32> to vector<16xi32>
        %swap3A_1240 = vector.shape_cast %select_n3A_1236 : vector<16xi32> to vector<16xi32>
        tpu.vector_store %arg7[%swap3A_1237], %swap3A_1240 {strides = array<i32>} : memref<64xi32, #tpu.memory_space<vmem>>, vector<16xi32>,
        %get3A_1241 = arith.constant 48 : index
        %get3A_1242 = tpu.vector_load %arg7[%get3A_1241] {strides = array<i32>} : memref<64xi32, #tpu.memory_space<vmem>>, vector<16xi32>,
        %get3A_1243 = vector.shape_cast %get3A_1242 : vector<16xi32> to vector<16xi32>
        %add3A_1244 = arith.constant 16 : i32
        %add3A_1245 = vector.broadcast %add3A_1244 : i32 to vector<16xi32>
        %add3A_1246 = arith.addi %iota3A, %add3A_1245 : vector<16xi32>
        %eq3A_1247 = arith.cmpi eq, %add3A_1246, %broadcast_in_dim3A_677 : vector<16xi32>
        %select_n3A_1248 = arith.select %eq3A_1247, %broadcast_in_dim3A_678, %get3A_1243 : vector<16xi1>, vector<16xi32>
        %swap3A_1249 = arith.constant 48 : index
        %swap3A_1250 = tpu.vector_load %arg7[%swap3A_1249] {strides = array<i32>} : memref<64xi32, #tpu.memory_space<vmem>>, vector<16xi32>,
        %swap3A_1251 = vector.shape_cast %swap3A_1250 : vector<16xi32> to vector<16xi32>
        %swap3A_1252 = vector.shape_cast %select_n3A_1248 : vector<16xi32> to vector<16xi32>
        tpu.vector_store %arg7[%swap3A_1249], %swap3A_1252 {strides = array<i32>} : memref<64xi32, #tpu.memory_space<vmem>>, vector<16xi32>,
      }
      %scan3A_34 = arith.constant 20 : i32
      %mul3A_35 = arith.constant 64 : i32
      %mul3A_36 = arith.muli %add3A, %mul3A_35 : i32
      "tpu.region"() ({
        %run_scoped3A = tpu.sem_alloc : memref<!tpu.dma_semaphore, #tpu.memory_space<semaphore_mem>>
        %dma_start3A = tpu.memref_slice %arg4[%mul3A_36] : memref<1024xi32, #tpu.memory_space<hbm>> -> memref<64xi32, #tpu.memory_space<hbm>>
        %dma_start3A_37 = tpu.memref_slice %arg4[%mul3A_36] : memref<1024xi32, #tpu.memory_space<hbm>> -> memref<64xi32, #tpu.memory_space<hbm>>
        tpu.enqueue_dma source(%arg7 : memref<64xi32, #tpu.memory_space<vmem>>) target(%dma_start3A_37 : memref<64xi32, #tpu.memory_space<hbm>>) target_semaphore(%run_scoped3A : memref<!tpu.dma_semaphore, #tpu.memory_space<semaphore_mem>>)
        %dma_wait3A = tpu.memref_slice %arg4[%mul3A_36] : memref<1024xi32, #tpu.memory_space<hbm>> -> memref<64xi32, #tpu.memory_space<hbm>>
        %dma_wait3A_38 = tpu.memref_slice %arg4[%mul3A_36] : memref<1024xi32, #tpu.memory_space<hbm>> -> memref<64xi32, #tpu.memory_space<hbm>>
        tpu.wait_dma2 semaphore(%run_scoped3A : memref<!tpu.dma_semaphore, #tpu.memory_space<semaphore_mem>>) src(%arg7 : memref<64xi32, #tpu.memory_space<vmem>>) dst(%dma_wait3A_38 : memref<64xi32, #tpu.memory_space<hbm>>)
        tpu.yield
      }) : () -> ()
    } else {
    }
    return
  }
}

module attributes {stable_mosaic.version = 14 : i64} {
  func.func @_head_body(%arg0: i32, %arg1: memref<1x4096x84xf32, #tpu.memory_space<vmem>>, %arg2: memref<1x20x4xf32, #tpu.memory_space<vmem>>, %arg3: memref<1x20x1xi32, #tpu.memory_space<vmem>>, %arg4: memref<1x20x20xf32, #tpu.memory_space<vmem>>, %arg5: memref<1x20x20xi32, #tpu.memory_space<vmem>>, %arg6: memref<1x1x128xf32, #tpu.memory_space<vmem>>) attributes {dimension_semantics = [#tpu.dimension_semantics<arbitrary>], iteration_bounds = array<i64: 16>, scalar_prefetch = 0 : i64, scratch_operands = 0 : i64, tpu.core_type = #tpu.core_type<tc>, window_params = [{transform_indices = @transform_0, window_bounds = array<i64: 1, 4096, 84>}, {transform_indices = @transform_1, window_bounds = array<i64: 1, 20, 4>}, {transform_indices = @transform_2, window_bounds = array<i64: 1, 20, 1>}, {transform_indices = @transform_3, window_bounds = array<i64: 1, 20, 20>}, {transform_indices = @transform_4, window_bounds = array<i64: 1, 20, 20>}, {transform_indices = @transform_5, window_bounds = array<i64: 1, 1, 128>}]} {
    %get3A = arith.constant 0 : index
    %get3A_0 = arith.constant 0 : index
    %get3A_1 = arith.constant 0 : index
    %get3A_2 = vector.load %arg1[%get3A, %get3A_0, %get3A_1] : memref<1x4096x84xf32, #tpu.memory_space<vmem>>, vector<1x4096x84xf32>
    %get3A_3 = vector.shape_cast %get3A_2 : vector<1x4096x84xf32> to vector<4096x84xf32>
    %get3A_4 = arith.constant 0 : index
    %get3A_5 = arith.constant 0 : index
    %get3A_6 = arith.constant 0 : index
    %get3A_7 = vector.load %arg2[%get3A_4, %get3A_5, %get3A_6] : memref<1x20x4xf32, #tpu.memory_space<vmem>>, vector<1x20x4xf32>
    %get3A_8 = vector.shape_cast %get3A_7 : vector<1x20x4xf32> to vector<20x4xf32>
    %get3A_9 = arith.constant 0 : index
    %get3A_10 = arith.constant 0 : index
    %get3A_11 = arith.constant 0 : index
    %get3A_12 = vector.load %arg3[%get3A_9, %get3A_10, %get3A_11] : memref<1x20x1xi32, #tpu.memory_space<vmem>>, vector<1x20x1xi32>
    %get3A_13 = vector.shape_cast %get3A_12 : vector<1x20x1xi32> to vector<20x1xi32>
    %slice3A = vector.extract_strided_slice %get3A_3 {offsets = [0, 4], sizes = [4096, 80], strides = [1, 1]} : vector<4096x84xf32> to vector<4096x80xf32>
    %neg3A = arith.constant 0.000000e+00 : f32
    %neg3A_14 = vector.broadcast %neg3A : f32 to vector<4096x80xf32>
    %neg3A_15 = arith.subf %neg3A_14, %slice3A : vector<4096x80xf32>
    %exp3A = math.exp %neg3A_15 : vector<4096x80xf32>
    %add3A = arith.constant 1.000000e+00 : f32
    %add3A_16 = vector.broadcast %add3A : f32 to vector<4096x80xf32>
    %add3A_17 = arith.addf %add3A_16, %exp3A : vector<4096x80xf32>
    %div3A = arith.constant 1.000000e+00 : f32
    %div3A_18 = vector.broadcast %div3A : f32 to vector<4096x80xf32>
    %div3A_19 = arith.divf %div3A_18, %add3A_17 : vector<4096x80xf32>
    %max3A = arith.constant 0.000000e+00 : f32
    %max3A_20 = vector.broadcast %max3A : f32 to vector<4096x80xf32>
    %max3A_21 = arith.maximumf %slice3A, %max3A_20 : vector<4096x80xf32>
    %abs3A = math.absf %slice3A : vector<4096x80xf32>
    %neg3A_22 = arith.constant 0.000000e+00 : f32
    %neg3A_23 = vector.broadcast %neg3A_22 : f32 to vector<4096x80xf32>
    %neg3A_24 = arith.subf %neg3A_23, %abs3A : vector<4096x80xf32>
    %exp3A_25 = math.exp %neg3A_24 : vector<4096x80xf32>
    %add3A_26 = arith.constant 1.000000e+00 : f32
    %add3A_27 = vector.broadcast %add3A_26 : f32 to vector<4096x80xf32>
    %add3A_28 = arith.addf %add3A_27, %exp3A_25 : vector<4096x80xf32>
    %log3A = math.log %add3A_28 : vector<4096x80xf32>
    %add3A_29 = arith.addf %max3A_21, %log3A : vector<4096x80xf32>
    %mul3A = arith.constant 7.500000e-01 : f32
    %mul3A_30 = vector.broadcast %mul3A : f32 to vector<4096x80xf32>
    %mul3A_31 = arith.mulf %mul3A_30, %add3A_29 : vector<4096x80xf32>
    %mul3A_32 = arith.mulf %mul3A_31, %div3A_19 : vector<4096x80xf32>
    %mul3A_33 = arith.mulf %mul3A_32, %div3A_19 : vector<4096x80xf32>
    %reduce_sum3A = vector.shape_cast %mul3A_33 : vector<4096x80xf32> to vector<1x4096x80xf32>
    %reduce_sum3A_34 = arith.constant dense<0.000000e+00> : vector<1xf32>
    %reduce_sum3A_35 = vector.multi_reduction <add>, %reduce_sum3A, %reduce_sum3A_34 [1, 2] : vector<1x4096x80xf32> to vector<1xf32>
    %reduce_sum3A_36 = vector.shape_cast %reduce_sum3A_35 : vector<1xf32> to vector<1x1x1xf32>
    %reduce_sum3A_37 = vector.extract %reduce_sum3A_36[0, 0, 0] : f32 from vector<1x1x1xf32>
    %broadcast_in_dim3A = vector.broadcast %reduce_sum3A_37 : f32 to vector<1x128xf32>
    %swap3A = arith.constant 0 : index
    %swap3A_38 = arith.constant 0 : index
    %swap3A_39 = arith.constant 0 : index
    %swap3A_40 = vector.load %arg6[%swap3A, %swap3A_38, %swap3A_39] : memref<1x1x128xf32, #tpu.memory_space<vmem>>, vector<1x1x128xf32>
    %swap3A_41 = vector.shape_cast %swap3A_40 : vector<1x1x128xf32> to vector<1x128xf32>
    %swap3A_42 = vector.shape_cast %broadcast_in_dim3A : vector<1x128xf32> to vector<1x1x128xf32>
    tpu.vector_store %arg6[%swap3A, %swap3A_38, %swap3A_39], %swap3A_42 {strides = array<i32>} : memref<1x1x128xf32, #tpu.memory_space<vmem>>, vector<1x1x128xf32>,
    %iota3A = tpu.iota {dimensions = array<i32: 0>} : vector<4x84xi32>
    %iota3A_43 = tpu.iota {dimensions = array<i32: 1>} : vector<4x84xi32>
    %eq3A = arith.cmpi eq, %iota3A, %iota3A_43 : vector<4x84xi32>
    %convert_element_type3A = arith.extui %eq3A : vector<4x84xi1> to vector<4x84xi32>
    %convert_element_type3A_44 = arith.sitofp %convert_element_type3A : vector<4x84xi32> to vector<4x84xf32>
    %dot_general3A = arith.constant dense<0.000000e+00> : vector<4x4096xf32>
    %dot_general3A_45 = tpu.matmul %convert_element_type3A_44, %get3A_3, %dot_general3A {dimension_numbers = #tpu.dot_dimension_numbers<[1], [1], [0], [0], [0, 0, 1, 0], [], []>, transpose_lhs_hint = false} : vector<4x84xf32>, vector<4096x84xf32>, vector<4x4096xf32> -> vector<4x4096xf32>
    %slice3A_46 = vector.extract_strided_slice %dot_general3A_45 {offsets = [0, 0], sizes = [1, 4096], strides = [1, 1]} : vector<4x4096xf32> to vector<1x4096xf32>
    %slice3A_47 = vector.extract_strided_slice %dot_general3A_45 {offsets = [1, 0], sizes = [1, 4096], strides = [1, 1]} : vector<4x4096xf32> to vector<1x4096xf32>
    %slice3A_48 = vector.extract_strided_slice %dot_general3A_45 {offsets = [2, 0], sizes = [1, 4096], strides = [1, 1]} : vector<4x4096xf32> to vector<1x4096xf32>
    %slice3A_49 = vector.extract_strided_slice %dot_general3A_45 {offsets = [3, 0], sizes = [1, 4096], strides = [1, 1]} : vector<4x4096xf32> to vector<1x4096xf32>
    %iota3A_50 = tpu.iota {dimensions = array<i32: 1>} : vector<1x4096xi32>
    %jit3A = arith.constant 64 : i32
    %eq3A_51 = arith.constant 0 : i32
    %eq3A_52 = arith.cmpi eq, %jit3A, %eq3A_51 : i32
    %jit3A_53 = arith.constant 1 : i32
    %select_n3A = arith.select %eq3A_52, %jit3A_53, %jit3A : i32
    %rem3A = vector.broadcast %select_n3A : i32 to vector<1x4096xi32>
    %rem3A_54 = arith.remsi %iota3A_50, %rem3A : vector<1x4096xi32>
    %ne3A = arith.constant 0 : i32
    %ne3A_55 = vector.broadcast %ne3A : i32 to vector<1x4096xi32>
    %ne3A_56 = arith.cmpi ne, %rem3A_54, %ne3A_55 : vector<1x4096xi32>
    %lt3A = arith.constant 0 : i32
    %lt3A_57 = vector.broadcast %lt3A : i32 to vector<1x4096xi32>
    %lt3A_58 = arith.cmpi slt, %rem3A_54, %lt3A_57 : vector<1x4096xi32>
    %lt3A_59 = arith.constant 0 : i32
    %lt3A_60 = arith.cmpi slt, %select_n3A, %lt3A_59 : i32
    %ne3A_61 = vector.broadcast %lt3A_60 : i1 to vector<1x4096xi1>
    %ne3A_62 = vector.broadcast %ne3A_61 : vector<1x4096xi1> to vector<1x4096xi1>
    %ne3A_63 = arith.xori %lt3A_58, %ne3A_62 : vector<1x4096xi1>
    %and3A = arith.andi %ne3A_63, %ne3A_56 : vector<1x4096xi1>
    %add3A_64 = vector.broadcast %select_n3A : i32 to vector<1x4096xi32>
    %add3A_65 = arith.addi %rem3A_54, %add3A_64 : vector<1x4096xi32>
    %select_n3A_66 = arith.select %and3A, %add3A_65, %rem3A_54 : vector<1x4096xi1>, vector<1x4096xi32>
    %convert_element_type3A_67 = arith.sitofp %select_n3A_66 : vector<1x4096xi32> to vector<1x4096xf32>
    %jit3A_68 = arith.constant 64 : i32
    %div3A_69 = vector.broadcast %jit3A_68 : i32 to vector<1x4096xi32>
    %div3A_70 = arith.divsi %iota3A_50, %div3A_69 : vector<1x4096xi32>
    %sign3A = arith.constant 0 : i32
    %sign3A_71 = vector.broadcast %sign3A : i32 to vector<1x4096xi32>
    %sign3A_72 = arith.cmpi sgt, %iota3A_50, %sign3A_71 : vector<1x4096xi32>
    %sign3A_73 = arith.extui %sign3A_72 : vector<1x4096xi1> to vector<1x4096xi32>
    %sign3A_74 = arith.constant 0 : i32
    %sign3A_75 = vector.broadcast %sign3A_74 : i32 to vector<1x4096xi32>
    %sign3A_76 = arith.cmpi slt, %iota3A_50, %sign3A_75 : vector<1x4096xi32>
    %sign3A_77 = arith.extui %sign3A_76 : vector<1x4096xi1> to vector<1x4096xi32>
    %sign3A_78 = arith.subi %sign3A_73, %sign3A_77 : vector<1x4096xi32>
    %sign3A_79 = arith.constant 0 : i32
    %sign3A_80 = arith.cmpi sgt, %jit3A_68, %sign3A_79 : i32
    %sign3A_81 = arith.extui %sign3A_80 : i1 to i32
    %sign3A_82 = arith.constant 0 : i32
    %sign3A_83 = arith.cmpi slt, %jit3A_68, %sign3A_82 : i32
    %sign3A_84 = arith.extui %sign3A_83 : i1 to i32
    %sign3A_85 = arith.subi %sign3A_81, %sign3A_84 : i32
    %ne3A_86 = vector.broadcast %sign3A_85 : i32 to vector<1x4096xi32>
    %ne3A_87 = arith.cmpi ne, %sign3A_78, %ne3A_86 : vector<1x4096xi32>
    %rem3A_88 = vector.broadcast %jit3A_68 : i32 to vector<1x4096xi32>
    %rem3A_89 = arith.remsi %iota3A_50, %rem3A_88 : vector<1x4096xi32>
    %ne3A_90 = arith.constant 0 : i32
    %ne3A_91 = vector.broadcast %ne3A_90 : i32 to vector<1x4096xi32>
    %ne3A_92 = arith.cmpi ne, %rem3A_89, %ne3A_91 : vector<1x4096xi32>
    %and3A_93 = arith.andi %ne3A_87, %ne3A_92 : vector<1x4096xi1>
    %sub3A = arith.constant 1 : i32
    %sub3A_94 = vector.broadcast %sub3A : i32 to vector<1x4096xi32>
    %sub3A_95 = arith.subi %div3A_70, %sub3A_94 : vector<1x4096xi32>
    %select_n3A_96 = arith.select %and3A_93, %sub3A_95, %div3A_70 : vector<1x4096xi1>, vector<1x4096xi32>
    %convert_element_type3A_97 = arith.sitofp %select_n3A_96 : vector<1x4096xi32> to vector<1x4096xf32>
    %neg3A_98 = arith.constant 0.000000e+00 : f32
    %neg3A_99 = vector.broadcast %neg3A_98 : f32 to vector<1x4096xf32>
    %neg3A_100 = arith.subf %neg3A_99, %slice3A_46 : vector<1x4096xf32>
    %exp3A_101 = math.exp %neg3A_100 : vector<1x4096xf32>
    %add3A_102 = arith.constant 1.000000e+00 : f32
    %add3A_103 = vector.broadcast %add3A_102 : f32 to vector<1x4096xf32>
    %add3A_104 = arith.addf %add3A_103, %exp3A_101 : vector<1x4096xf32>
    %div3A_105 = arith.constant 1.000000e+00 : f32
    %div3A_106 = vector.broadcast %div3A_105 : f32 to vector<1x4096xf32>
    %div3A_107 = arith.divf %div3A_106, %add3A_104 : vector<1x4096xf32>
    %mul3A_108 = arith.constant 2.000000e+00 : f32
    %mul3A_109 = vector.broadcast %mul3A_108 : f32 to vector<1x4096xf32>
    %mul3A_110 = arith.mulf %div3A_107, %mul3A_109 : vector<1x4096xf32>
    %sub3A_111 = arith.constant 5.000000e-01 : f32
    %sub3A_112 = vector.broadcast %sub3A_111 : f32 to vector<1x4096xf32>
    %sub3A_113 = arith.subf %mul3A_110, %sub3A_112 : vector<1x4096xf32>
    %add3A_114 = arith.addf %sub3A_113, %convert_element_type3A_67 : vector<1x4096xf32>
    %mul3A_115 = arith.constant 8.000000e+00 : f32
    %mul3A_116 = vector.broadcast %mul3A_115 : f32 to vector<1x4096xf32>
    %mul3A_117 = arith.mulf %add3A_114, %mul3A_116 : vector<1x4096xf32>
    %neg3A_118 = arith.constant 0.000000e+00 : f32
    %neg3A_119 = vector.broadcast %neg3A_118 : f32 to vector<1x4096xf32>
    %neg3A_120 = arith.subf %neg3A_119, %slice3A_47 : vector<1x4096xf32>
    %exp3A_121 = math.exp %neg3A_120 : vector<1x4096xf32>
    %add3A_122 = arith.constant 1.000000e+00 : f32
    %add3A_123 = vector.broadcast %add3A_122 : f32 to vector<1x4096xf32>
    %add3A_124 = arith.addf %add3A_123, %exp3A_121 : vector<1x4096xf32>
    %div3A_125 = arith.constant 1.000000e+00 : f32
    %div3A_126 = vector.broadcast %div3A_125 : f32 to vector<1x4096xf32>
    %div3A_127 = arith.divf %div3A_126, %add3A_124 : vector<1x4096xf32>
    %mul3A_128 = arith.constant 2.000000e+00 : f32
    %mul3A_129 = vector.broadcast %mul3A_128 : f32 to vector<1x4096xf32>
    %mul3A_130 = arith.mulf %div3A_127, %mul3A_129 : vector<1x4096xf32>
    %sub3A_131 = arith.constant 5.000000e-01 : f32
    %sub3A_132 = vector.broadcast %sub3A_131 : f32 to vector<1x4096xf32>
    %sub3A_133 = arith.subf %mul3A_130, %sub3A_132 : vector<1x4096xf32>
    %add3A_134 = arith.addf %sub3A_133, %convert_element_type3A_97 : vector<1x4096xf32>
    %mul3A_135 = arith.constant 8.000000e+00 : f32
    %mul3A_136 = vector.broadcast %mul3A_135 : f32 to vector<1x4096xf32>
    %mul3A_137 = arith.mulf %add3A_134, %mul3A_136 : vector<1x4096xf32>
    %max3A_138 = arith.constant 0.000000e+00 : f32
    %max3A_139 = vector.broadcast %max3A_138 : f32 to vector<1x4096xf32>
    %max3A_140 = arith.maximumf %slice3A_48, %max3A_139 : vector<1x4096xf32>
    %abs3A_141 = math.absf %slice3A_48 : vector<1x4096xf32>
    %neg3A_142 = arith.constant 0.000000e+00 : f32
    %neg3A_143 = vector.broadcast %neg3A_142 : f32 to vector<1x4096xf32>
    %neg3A_144 = arith.subf %neg3A_143, %abs3A_141 : vector<1x4096xf32>
    %exp3A_145 = math.exp %neg3A_144 : vector<1x4096xf32>
    %add3A_146 = arith.constant 1.000000e+00 : f32
    %add3A_147 = vector.broadcast %add3A_146 : f32 to vector<1x4096xf32>
    %add3A_148 = arith.addf %add3A_147, %exp3A_145 : vector<1x4096xf32>
    %log3A_149 = math.log %add3A_148 : vector<1x4096xf32>
    %add3A_150 = arith.addf %max3A_140, %log3A_149 : vector<1x4096xf32>
    %mul3A_151 = arith.constant 8.000000e+00 : f32
    %mul3A_152 = vector.broadcast %mul3A_151 : f32 to vector<1x4096xf32>
    %mul3A_153 = arith.mulf %add3A_150, %mul3A_152 : vector<1x4096xf32>
    %max3A_154 = arith.constant 0.000000e+00 : f32
    %max3A_155 = vector.broadcast %max3A_154 : f32 to vector<1x4096xf32>
    %max3A_156 = arith.maximumf %slice3A_49, %max3A_155 : vector<1x4096xf32>
    %abs3A_157 = math.absf %slice3A_49 : vector<1x4096xf32>
    %neg3A_158 = arith.constant 0.000000e+00 : f32
    %neg3A_159 = vector.broadcast %neg3A_158 : f32 to vector<1x4096xf32>
    %neg3A_160 = arith.subf %neg3A_159, %abs3A_157 : vector<1x4096xf32>
    %exp3A_161 = math.exp %neg3A_160 : vector<1x4096xf32>
    %add3A_162 = arith.constant 1.000000e+00 : f32
    %add3A_163 = vector.broadcast %add3A_162 : f32 to vector<1x4096xf32>
    %add3A_164 = arith.addf %add3A_163, %exp3A_161 : vector<1x4096xf32>
    %log3A_165 = math.log %add3A_164 : vector<1x4096xf32>
    %add3A_166 = arith.addf %max3A_156, %log3A_165 : vector<1x4096xf32>
    %mul3A_167 = arith.constant 8.000000e+00 : f32
    %mul3A_168 = vector.broadcast %mul3A_167 : f32 to vector<1x4096xf32>
    %mul3A_169 = arith.mulf %add3A_166, %mul3A_168 : vector<1x4096xf32>
    %mul3A_170 = arith.constant 5.000000e-01 : f32
    %mul3A_171 = vector.broadcast %mul3A_170 : f32 to vector<1x4096xf32>
    %mul3A_172 = arith.mulf %mul3A_171, %mul3A_153 : vector<1x4096xf32>
    %sub3A_173 = arith.subf %mul3A_117, %mul3A_172 : vector<1x4096xf32>
    %mul3A_174 = arith.constant 5.000000e-01 : f32
    %mul3A_175 = vector.broadcast %mul3A_174 : f32 to vector<1x4096xf32>
    %mul3A_176 = arith.mulf %mul3A_175, %mul3A_153 : vector<1x4096xf32>
    %add3A_177 = arith.addf %mul3A_117, %mul3A_176 : vector<1x4096xf32>
    %mul3A_178 = arith.constant 5.000000e-01 : f32
    %mul3A_179 = vector.broadcast %mul3A_178 : f32 to vector<1x4096xf32>
    %mul3A_180 = arith.mulf %mul3A_179, %mul3A_169 : vector<1x4096xf32>
    %sub3A_181 = arith.subf %mul3A_137, %mul3A_180 : vector<1x4096xf32>
    %mul3A_182 = arith.constant 5.000000e-01 : f32
    %mul3A_183 = vector.broadcast %mul3A_182 : f32 to vector<1x4096xf32>
    %mul3A_184 = arith.mulf %mul3A_183, %mul3A_169 : vector<1x4096xf32>
    %add3A_185 = arith.addf %mul3A_137, %mul3A_184 : vector<1x4096xf32>
    %slice3A_186 = vector.extract_strided_slice %get3A_8 {offsets = [0, 0], sizes = [20, 1], strides = [1, 1]} : vector<20x4xf32> to vector<20x1xf32>
    %mul3A_187 = arith.constant 5.120000e+02 : f32
    %mul3A_188 = vector.broadcast %mul3A_187 : f32 to vector<20x1xf32>
    %mul3A_189 = arith.mulf %slice3A_186, %mul3A_188 : vector<20x1xf32>
    %slice3A_190 = vector.extract_strided_slice %get3A_8 {offsets = [0, 1], sizes = [20, 1], strides = [1, 1]} : vector<20x4xf32> to vector<20x1xf32>
    %mul3A_191 = arith.constant 5.120000e+02 : f32
    %mul3A_192 = vector.broadcast %mul3A_191 : f32 to vector<20x1xf32>
    %mul3A_193 = arith.mulf %slice3A_190, %mul3A_192 : vector<20x1xf32>
    %slice3A_194 = vector.extract_strided_slice %get3A_8 {offsets = [0, 2], sizes = [20, 1], strides = [1, 1]} : vector<20x4xf32> to vector<20x1xf32>
    %mul3A_195 = arith.constant 5.120000e+02 : f32
    %mul3A_196 = vector.broadcast %mul3A_195 : f32 to vector<20x1xf32>
    %mul3A_197 = arith.mulf %slice3A_194, %mul3A_196 : vector<20x1xf32>
    %slice3A_198 = vector.extract_strided_slice %get3A_8 {offsets = [0, 3], sizes = [20, 1], strides = [1, 1]} : vector<20x4xf32> to vector<20x1xf32>
    %mul3A_199 = arith.constant 5.120000e+02 : f32
    %mul3A_200 = vector.broadcast %mul3A_199 : f32 to vector<20x1xf32>
    %mul3A_201 = arith.mulf %slice3A_198, %mul3A_200 : vector<20x1xf32>
    %mul3A_202 = arith.constant 5.000000e-01 : f32
    %mul3A_203 = vector.broadcast %mul3A_202 : f32 to vector<20x1xf32>
    %mul3A_204 = arith.mulf %mul3A_203, %mul3A_197 : vector<20x1xf32>
    %sub3A_205 = arith.subf %mul3A_189, %mul3A_204 : vector<20x1xf32>
    %mul3A_206 = arith.constant 5.000000e-01 : f32
    %mul3A_207 = vector.broadcast %mul3A_206 : f32 to vector<20x1xf32>
    %mul3A_208 = arith.mulf %mul3A_207, %mul3A_197 : vector<20x1xf32>
    %add3A_209 = arith.addf %mul3A_189, %mul3A_208 : vector<20x1xf32>
    %mul3A_210 = arith.constant 5.000000e-01 : f32
    %mul3A_211 = vector.broadcast %mul3A_210 : f32 to vector<20x1xf32>
    %mul3A_212 = arith.mulf %mul3A_211, %mul3A_201 : vector<20x1xf32>
    %sub3A_213 = arith.subf %mul3A_193, %mul3A_212 : vector<20x1xf32>
    %mul3A_214 = arith.constant 5.000000e-01 : f32
    %mul3A_215 = vector.broadcast %mul3A_214 : f32 to vector<20x1xf32>
    %mul3A_216 = arith.mulf %mul3A_215, %mul3A_201 : vector<20x1xf32>
    %add3A_217 = arith.addf %mul3A_193, %mul3A_216 : vector<20x1xf32>
    %sub3A_218 = arith.subf %add3A_177, %sub3A_173 : vector<1x4096xf32>
    %max3A_219 = arith.constant 0.000000e+00 : f32
    %max3A_220 = vector.broadcast %max3A_219 : f32 to vector<1x4096xf32>
    %max3A_221 = arith.maximumf %sub3A_218, %max3A_220 : vector<1x4096xf32>
    %sub3A_222 = arith.subf %add3A_185, %sub3A_181 : vector<1x4096xf32>
    %max3A_223 = arith.constant 0.000000e+00 : f32
    %max3A_224 = vector.broadcast %max3A_223 : f32 to vector<1x4096xf32>
    %max3A_225 = arith.maximumf %sub3A_222, %max3A_224 : vector<1x4096xf32>
    %mul3A_226 = arith.mulf %max3A_221, %max3A_225 : vector<1x4096xf32>
    %sub3A_227 = arith.subf %add3A_209, %sub3A_205 : vector<20x1xf32>
    %max3A_228 = arith.constant 0.000000e+00 : f32
    %max3A_229 = vector.broadcast %max3A_228 : f32 to vector<20x1xf32>
    %max3A_230 = arith.maximumf %sub3A_227, %max3A_229 : vector<20x1xf32>
    %sub3A_231 = arith.subf %add3A_217, %sub3A_213 : vector<20x1xf32>
    %max3A_232 = arith.constant 0.000000e+00 : f32
    %max3A_233 = vector.broadcast %max3A_232 : f32 to vector<20x1xf32>
    %max3A_234 = arith.maximumf %sub3A_231, %max3A_233 : vector<20x1xf32>
    %mul3A_235 = arith.mulf %max3A_230, %max3A_234 : vector<20x1xf32>
    %max3A_236 = vector.broadcast %sub3A_173 : vector<1x4096xf32> to vector<20x4096xf32>
    %max3A_237 = vector.broadcast %sub3A_205 : vector<20x1xf32> to vector<20x4096xf32>
    %max3A_238 = arith.maximumf %max3A_236, %max3A_237 : vector<20x4096xf32>
    %max3A_239 = vector.broadcast %sub3A_181 : vector<1x4096xf32> to vector<20x4096xf32>
    %max3A_240 = vector.broadcast %sub3A_213 : vector<20x1xf32> to vector<20x4096xf32>
    %max3A_241 = arith.maximumf %max3A_239, %max3A_240 : vector<20x4096xf32>
    %min3A = vector.broadcast %add3A_177 : vector<1x4096xf32> to vector<20x4096xf32>
    %min3A_242 = vector.broadcast %add3A_209 : vector<20x1xf32> to vector<20x4096xf32>
    %min3A_243 = arith.minimumf %min3A, %min3A_242 : vector<20x4096xf32>
    %min3A_244 = vector.broadcast %add3A_185 : vector<1x4096xf32> to vector<20x4096xf32>
    %min3A_245 = vector.broadcast %add3A_217 : vector<20x1xf32> to vector<20x4096xf32>
    %min3A_246 = arith.minimumf %min3A_244, %min3A_245 : vector<20x4096xf32>
    %sub3A_247 = arith.subf %min3A_243, %max3A_238 : vector<20x4096xf32>
    %max3A_248 = arith.constant 0.000000e+00 : f32
    %max3A_249 = vector.broadcast %max3A_248 : f32 to vector<20x4096xf32>
    %max3A_250 = arith.maximumf %sub3A_247, %max3A_249 : vector<20x4096xf32>
    %sub3A_251 = arith.subf %min3A_246, %max3A_241 : vector<20x4096xf32>
    %max3A_252 = arith.constant 0.000000e+00 : f32
    %max3A_253 = vector.broadcast %max3A_252 : f32 to vector<20x4096xf32>
    %max3A_254 = arith.maximumf %sub3A_251, %max3A_253 : vector<20x4096xf32>
    %mul3A_255 = arith.mulf %max3A_250, %max3A_254 : vector<20x4096xf32>
    %add3A_256 = vector.broadcast %mul3A_226 : vector<1x4096xf32> to vector<20x4096xf32>
    %add3A_257 = vector.broadcast %mul3A_235 : vector<20x1xf32> to vector<20x4096xf32>
    %add3A_258 = arith.addf %add3A_256, %add3A_257 : vector<20x4096xf32>
    %sub3A_259 = arith.subf %add3A_258, %mul3A_255 : vector<20x4096xf32>
    %add3A_260 = arith.constant 1.000000e-07 : f32
    %add3A_261 = vector.broadcast %add3A_260 : f32 to vector<20x4096xf32>
    %add3A_262 = arith.addf %sub3A_259, %add3A_261 : vector<20x4096xf32>
    %div3A_263 = arith.divf %mul3A_255, %add3A_262 : vector<20x4096xf32>
    %jit3A_264 = arith.constant 0.000000e+00 : f32
    %jit3A_265 = arith.constant 1.000000e+00 : f32
    %max3A_266 = vector.broadcast %jit3A_264 : f32 to vector<20x4096xf32>
    %max3A_267 = arith.maximumf %max3A_266, %div3A_263 : vector<20x4096xf32>
    %min3A_268 = vector.broadcast %jit3A_265 : f32 to vector<20x4096xf32>
    %min3A_269 = arith.minimumf %min3A_268, %max3A_267 : vector<20x4096xf32>
    %iota3A_270 = tpu.iota {dimensions = array<i32: 1>} : vector<20x84xi32>
    %add3A_271 = arith.constant 4 : i32
    %add3A_272 = vector.broadcast %add3A_271 : i32 to vector<20x1xi32>
    %add3A_273 = arith.addi %get3A_13, %add3A_272 : vector<20x1xi32>
    %eq3A_274 = vector.broadcast %add3A_273 : vector<20x1xi32> to vector<20x84xi32>
    %eq3A_275 = arith.cmpi eq, %iota3A_270, %eq3A_274 : vector<20x84xi32>
    %convert_element_type3A_276 = arith.extui %eq3A_275 : vector<20x84xi1> to vector<20x84xi32>
    %convert_element_type3A_277 = arith.sitofp %convert_element_type3A_276 : vector<20x84xi32> to vector<20x84xf32>
    %dot_general3A_278 = arith.constant dense<0.000000e+00> : vector<20x4096xf32>
    %dot_general3A_279 = tpu.matmul %convert_element_type3A_277, %get3A_3, %dot_general3A_278 {dimension_numbers = #tpu.dot_dimension_numbers<[1], [1], [0], [0], [0, 0, 1, 0], [], []>, transpose_lhs_hint = false} : vector<20x84xf32>, vector<4096x84xf32>, vector<20x4096xf32> -> vector<20x4096xf32>
    %neg3A_280 = arith.constant 0.000000e+00 : f32
    %neg3A_281 = vector.broadcast %neg3A_280 : f32 to vector<20x4096xf32>
    %neg3A_282 = arith.subf %neg3A_281, %dot_general3A_279 : vector<20x4096xf32>
    %exp3A_283 = math.exp %neg3A_282 : vector<20x4096xf32>
    %add3A_284 = arith.constant 1.000000e+00 : f32
    %add3A_285 = vector.broadcast %add3A_284 : f32 to vector<20x4096xf32>
    %add3A_286 = arith.addf %add3A_285, %exp3A_283 : vector<20x4096xf32>
    %div3A_287 = arith.constant 1.000000e+00 : f32
    %div3A_288 = vector.broadcast %div3A_287 : f32 to vector<20x4096xf32>
    %div3A_289 = arith.divf %div3A_288, %add3A_286 : vector<20x4096xf32>
    %jit3A_290 = arith.constant 9.99999997E-7 : f32
    %jit3A_291 = arith.constant 0.999998986 : f32
    %max3A_292 = vector.broadcast %jit3A_290 : f32 to vector<20x4096xf32>
    %max3A_293 = arith.maximumf %max3A_292, %div3A_289 : vector<20x4096xf32>
    %min3A_294 = vector.broadcast %jit3A_291 : f32 to vector<20x4096xf32>
    %min3A_295 = arith.minimumf %min3A_294, %max3A_293 : vector<20x4096xf32>
    %log3A_296 = math.log %min3A_295 : vector<20x4096xf32>
    %neg3A_297 = arith.constant 0.000000e+00 : f32
    %neg3A_298 = vector.broadcast %neg3A_297 : f32 to vector<20x4096xf32>
    %neg3A_299 = arith.subf %neg3A_298, %log3A_296 : vector<20x4096xf32>
    %mul3A_300 = arith.constant 1.500000e+00 : f32
    %mul3A_301 = vector.broadcast %mul3A_300 : f32 to vector<20x4096xf32>
    %mul3A_302 = arith.mulf %mul3A_301, %neg3A_299 : vector<20x4096xf32>
    %add3A_303 = arith.constant 1.000000e-07 : f32
    %add3A_304 = vector.broadcast %add3A_303 : f32 to vector<20x4096xf32>
    %add3A_305 = arith.addf %min3A_269, %add3A_304 : vector<20x4096xf32>
    %log3A_306 = math.log %add3A_305 : vector<20x4096xf32>
    %neg3A_307 = arith.constant 0.000000e+00 : f32
    %neg3A_308 = vector.broadcast %neg3A_307 : f32 to vector<20x4096xf32>
    %neg3A_309 = arith.subf %neg3A_308, %log3A_306 : vector<20x4096xf32>
    %mul3A_310 = arith.constant 6.000000e+00 : f32
    %mul3A_311 = vector.broadcast %mul3A_310 : f32 to vector<20x4096xf32>
    %mul3A_312 = arith.mulf %mul3A_311, %neg3A_309 : vector<20x4096xf32>
    %add3A_313 = arith.addf %mul3A_302, %mul3A_312 : vector<20x4096xf32>
    %iota3A_314 = tpu.iota {dimensions = array<i32: 1>} : vector<20x4096xi32>
    %iota3A_315 = tpu.iota {dimensions = array<i32: 0>} : vector<20x1xi32>
    %broadcast_in_dim3A_316 = arith.constant 0.000000e+00 : f32
    %broadcast_in_dim3A_317 = vector.broadcast %broadcast_in_dim3A_316 : f32 to vector<20x4096xf32>
    %reduce_min3A = arith.constant dense<0x7F800000> : vector<20xf32>
    %reduce_min3A_318 = vector.multi_reduction <minimumf>, %add3A_313, %reduce_min3A [1] : vector<20x4096xf32> to vector<20xf32>
    %broadcast_in_dim3A_319 = vector.shape_cast %reduce_min3A_318 : vector<20xf32> to vector<20x1xf32>
    %eq3A_320 = vector.broadcast %broadcast_in_dim3A_319 : vector<20x1xf32> to vector<20x4096xf32>
    %eq3A_321 = arith.cmpf oeq, %add3A_313, %eq3A_320 : vector<20x4096xf32>
    %jit3A_322 = arith.constant 1073741824 : i32
    %broadcast_in_dim3A_323 = vector.broadcast %jit3A_322 : i32 to vector<20x4096xi32>
    %select_n3A_324 = arith.select %eq3A_321, %iota3A_314, %broadcast_in_dim3A_323 : vector<20x4096xi1>, vector<20x4096xi32>
    %reduce_min3A_325 = arith.constant dense<2147483647> : vector<20xi32>
    %reduce_min3A_326 = vector.multi_reduction <minsi>, %select_n3A_324, %reduce_min3A_325 [1] : vector<20x4096xi32> to vector<20xi32>
    %broadcast_in_dim3A_327 = vector.shape_cast %reduce_min3A_326 : vector<20xi32> to vector<20x1xi32>
    %swap3A_328 = arith.constant 0 : index
    %swap3A_329 = arith.constant 0 : index
    %swap3A_330 = arith.constant 0 : index
    %swap3A_331 = vector.load %arg4[%swap3A_328, %swap3A_329, %swap3A_330] : memref<1x20x20xf32, #tpu.memory_space<vmem>>, vector<1x20x1xf32>
    %swap3A_332 = vector.shape_cast %swap3A_331 : vector<1x20x1xf32> to vector<20x1xf32>
    %swap3A_333 = vector.shape_cast %broadcast_in_dim3A_319 : vector<20x1xf32> to vector<1x20x1xf32>
    tpu.vector_store %arg4[%swap3A_328, %swap3A_329, %swap3A_330], %swap3A_333 {strides = array<i32>} : memref<1x20x20xf32, #tpu.memory_space<vmem>>, vector<1x20x1xf32>,
    %swap3A_334 = arith.constant 0 : index
    %swap3A_335 = arith.constant 0 : index
    %swap3A_336 = arith.constant 0 : index
    %swap3A_337 = vector.load %arg5[%swap3A_334, %swap3A_335, %swap3A_336] : memref<1x20x20xi32, #tpu.memory_space<vmem>>, vector<1x20x1xi32>
    %swap3A_338 = vector.shape_cast %swap3A_337 : vector<1x20x1xi32> to vector<20x1xi32>
    %swap3A_339 = vector.shape_cast %broadcast_in_dim3A_327 : vector<20x1xi32> to vector<1x20x1xi32>
    tpu.vector_store %arg5[%swap3A_334, %swap3A_335, %swap3A_336], %swap3A_339 {strides = array<i32>} : memref<1x20x20xi32, #tpu.memory_space<vmem>>, vector<1x20x1xi32>,
    %eq3A_340 = vector.broadcast %broadcast_in_dim3A_327 : vector<20x1xi32> to vector<20x4096xi32>
    %eq3A_341 = arith.cmpi eq, %iota3A_314, %eq3A_340 : vector<20x4096xi32>
    %jit3A_342 = arith.constant 1.000000e+00 : f32
    %broadcast_in_dim3A_343 = vector.broadcast %jit3A_342 : f32 to vector<20x4096xf32>
    %select_n3A_344 = arith.select %eq3A_341, %broadcast_in_dim3A_343, %broadcast_in_dim3A_317 : vector<20x4096xi1>, vector<20x4096xf32>
    %jit3A_345 = arith.constant 0x7F800000 : f32
    %broadcast_in_dim3A_346 = vector.broadcast %jit3A_345 : f32 to vector<20x4096xf32>
    %select_n3A_347 = arith.select %eq3A_341, %broadcast_in_dim3A_346, %add3A_313 : vector<20x4096xi1>, vector<20x4096xf32>
    %reduce_min3A_348 = arith.constant dense<0x7F800000> : vector<20xf32>
    %reduce_min3A_349 = vector.multi_reduction <minimumf>, %select_n3A_347, %reduce_min3A_348 [1] : vector<20x4096xf32> to vector<20xf32>
    %broadcast_in_dim3A_350 = vector.shape_cast %reduce_min3A_349 : vector<20xf32> to vector<20x1xf32>
    %eq3A_351 = vector.broadcast %broadcast_in_dim3A_350 : vector<20x1xf32> to vector<20x4096xf32>
    %eq3A_352 = arith.cmpf oeq, %select_n3A_347, %eq3A_351 : vector<20x4096xf32>
    %jit3A_353 = arith.constant 1073741824 : i32
    %broadcast_in_dim3A_354 = vector.broadcast %jit3A_353 : i32 to vector<20x4096xi32>
    %select_n3A_355 = arith.select %eq3A_352, %iota3A_314, %broadcast_in_dim3A_354 : vector<20x4096xi1>, vector<20x4096xi32>
    %reduce_min3A_356 = arith.constant dense<2147483647> : vector<20xi32>
    %reduce_min3A_357 = vector.multi_reduction <minsi>, %select_n3A_355, %reduce_min3A_356 [1] : vector<20x4096xi32> to vector<20xi32>
    %broadcast_in_dim3A_358 = vector.shape_cast %reduce_min3A_357 : vector<20xi32> to vector<20x1xi32>
    %swap3A_359 = arith.constant 0 : index
    %swap3A_360 = arith.constant 0 : index
    %swap3A_361 = arith.constant 1 : index
    %swap3A_362 = vector.load %arg4[%swap3A_359, %swap3A_360, %swap3A_361] : memref<1x20x20xf32, #tpu.memory_space<vmem>>, vector<1x20x1xf32>
    %swap3A_363 = vector.shape_cast %swap3A_362 : vector<1x20x1xf32> to vector<20x1xf32>
    %swap3A_364 = vector.shape_cast %broadcast_in_dim3A_350 : vector<20x1xf32> to vector<1x20x1xf32>
    tpu.vector_store %arg4[%swap3A_359, %swap3A_360, %swap3A_361], %swap3A_364 {strides = array<i32>} : memref<1x20x20xf32, #tpu.memory_space<vmem>>, vector<1x20x1xf32>,
    %swap3A_365 = arith.constant 0 : index
    %swap3A_366 = arith.constant 0 : index
    %swap3A_367 = arith.constant 1 : index
    %swap3A_368 = vector.load %arg5[%swap3A_365, %swap3A_366, %swap3A_367] : memref<1x20x20xi32, #tpu.memory_space<vmem>>, vector<1x20x1xi32>
    %swap3A_369 = vector.shape_cast %swap3A_368 : vector<1x20x1xi32> to vector<20x1xi32>
    %swap3A_370 = vector.shape_cast %broadcast_in_dim3A_358 : vector<20x1xi32> to vector<1x20x1xi32>
    tpu.vector_store %arg5[%swap3A_365, %swap3A_366, %swap3A_367], %swap3A_370 {strides = array<i32>} : memref<1x20x20xi32, #tpu.memory_space<vmem>>, vector<1x20x1xi32>,
    %eq3A_371 = vector.broadcast %broadcast_in_dim3A_358 : vector<20x1xi32> to vector<20x4096xi32>
    %eq3A_372 = arith.cmpi eq, %iota3A_314, %eq3A_371 : vector<20x4096xi32>
    %jit3A_373 = arith.constant 1.000000e+00 : f32
    %broadcast_in_dim3A_374 = vector.broadcast %jit3A_373 : f32 to vector<20x4096xf32>
    %select_n3A_375 = arith.select %eq3A_372, %broadcast_in_dim3A_374, %select_n3A_344 : vector<20x4096xi1>, vector<20x4096xf32>
    %jit3A_376 = arith.constant 0x7F800000 : f32
    %broadcast_in_dim3A_377 = vector.broadcast %jit3A_376 : f32 to vector<20x4096xf32>
    %select_n3A_378 = arith.select %eq3A_372, %broadcast_in_dim3A_377, %select_n3A_347 : vector<20x4096xi1>, vector<20x4096xf32>
    %reduce_min3A_379 = arith.constant dense<0x7F800000> : vector<20xf32>
    %reduce_min3A_380 = vector.multi_reduction <minimumf>, %select_n3A_378, %reduce_min3A_379 [1] : vector<20x4096xf32> to vector<20xf32>
    %broadcast_in_dim3A_381 = vector.shape_cast %reduce_min3A_380 : vector<20xf32> to vector<20x1xf32>
    %eq3A_382 = vector.broadcast %broadcast_in_dim3A_381 : vector<20x1xf32> to vector<20x4096xf32>
    %eq3A_383 = arith.cmpf oeq, %select_n3A_378, %eq3A_382 : vector<20x4096xf32>
    %jit3A_384 = arith.constant 1073741824 : i32
    %broadcast_in_dim3A_385 = vector.broadcast %jit3A_384 : i32 to vector<20x4096xi32>
    %select_n3A_386 = arith.select %eq3A_383, %iota3A_314, %broadcast_in_dim3A_385 : vector<20x4096xi1>, vector<20x4096xi32>
    %reduce_min3A_387 = arith.constant dense<2147483647> : vector<20xi32>
    %reduce_min3A_388 = vector.multi_reduction <minsi>, %select_n3A_386, %reduce_min3A_387 [1] : vector<20x4096xi32> to vector<20xi32>
    %broadcast_in_dim3A_389 = vector.shape_cast %reduce_min3A_388 : vector<20xi32> to vector<20x1xi32>
    %swap3A_390 = arith.constant 0 : index
    %swap3A_391 = arith.constant 0 : index
    %swap3A_392 = arith.constant 2 : index
    %swap3A_393 = vector.load %arg4[%swap3A_390, %swap3A_391, %swap3A_392] : memref<1x20x20xf32, #tpu.memory_space<vmem>>, vector<1x20x1xf32>
    %swap3A_394 = vector.shape_cast %swap3A_393 : vector<1x20x1xf32> to vector<20x1xf32>
    %swap3A_395 = vector.shape_cast %broadcast_in_dim3A_381 : vector<20x1xf32> to vector<1x20x1xf32>
    tpu.vector_store %arg4[%swap3A_390, %swap3A_391, %swap3A_392], %swap3A_395 {strides = array<i32>} : memref<1x20x20xf32, #tpu.memory_space<vmem>>, vector<1x20x1xf32>,
    %swap3A_396 = arith.constant 0 : index
    %swap3A_397 = arith.constant 0 : index
    %swap3A_398 = arith.constant 2 : index
    %swap3A_399 = vector.load %arg5[%swap3A_396, %swap3A_397, %swap3A_398] : memref<1x20x20xi32, #tpu.memory_space<vmem>>, vector<1x20x1xi32>
    %swap3A_400 = vector.shape_cast %swap3A_399 : vector<1x20x1xi32> to vector<20x1xi32>
    %swap3A_401 = vector.shape_cast %broadcast_in_dim3A_389 : vector<20x1xi32> to vector<1x20x1xi32>
    tpu.vector_store %arg5[%swap3A_396, %swap3A_397, %swap3A_398], %swap3A_401 {strides = array<i32>} : memref<1x20x20xi32, #tpu.memory_space<vmem>>, vector<1x20x1xi32>,
    %eq3A_402 = vector.broadcast %broadcast_in_dim3A_389 : vector<20x1xi32> to vector<20x4096xi32>
    %eq3A_403 = arith.cmpi eq, %iota3A_314, %eq3A_402 : vector<20x4096xi32>
    %jit3A_404 = arith.constant 1.000000e+00 : f32
    %broadcast_in_dim3A_405 = vector.broadcast %jit3A_404 : f32 to vector<20x4096xf32>
    %select_n3A_406 = arith.select %eq3A_403, %broadcast_in_dim3A_405, %select_n3A_375 : vector<20x4096xi1>, vector<20x4096xf32>
    %jit3A_407 = arith.constant 0x7F800000 : f32
    %broadcast_in_dim3A_408 = vector.broadcast %jit3A_407 : f32 to vector<20x4096xf32>
    %select_n3A_409 = arith.select %eq3A_403, %broadcast_in_dim3A_408, %select_n3A_378 : vector<20x4096xi1>, vector<20x4096xf32>
    %reduce_min3A_410 = arith.constant dense<0x7F800000> : vector<20xf32>
    %reduce_min3A_411 = vector.multi_reduction <minimumf>, %select_n3A_409, %reduce_min3A_410 [1] : vector<20x4096xf32> to vector<20xf32>
    %broadcast_in_dim3A_412 = vector.shape_cast %reduce_min3A_411 : vector<20xf32> to vector<20x1xf32>
    %eq3A_413 = vector.broadcast %broadcast_in_dim3A_412 : vector<20x1xf32> to vector<20x4096xf32>
    %eq3A_414 = arith.cmpf oeq, %select_n3A_409, %eq3A_413 : vector<20x4096xf32>
    %jit3A_415 = arith.constant 1073741824 : i32
    %broadcast_in_dim3A_416 = vector.broadcast %jit3A_415 : i32 to vector<20x4096xi32>
    %select_n3A_417 = arith.select %eq3A_414, %iota3A_314, %broadcast_in_dim3A_416 : vector<20x4096xi1>, vector<20x4096xi32>
    %reduce_min3A_418 = arith.constant dense<2147483647> : vector<20xi32>
    %reduce_min3A_419 = vector.multi_reduction <minsi>, %select_n3A_417, %reduce_min3A_418 [1] : vector<20x4096xi32> to vector<20xi32>
    %broadcast_in_dim3A_420 = vector.shape_cast %reduce_min3A_419 : vector<20xi32> to vector<20x1xi32>
    %swap3A_421 = arith.constant 0 : index
    %swap3A_422 = arith.constant 0 : index
    %swap3A_423 = arith.constant 3 : index
    %swap3A_424 = vector.load %arg4[%swap3A_421, %swap3A_422, %swap3A_423] : memref<1x20x20xf32, #tpu.memory_space<vmem>>, vector<1x20x1xf32>
    %swap3A_425 = vector.shape_cast %swap3A_424 : vector<1x20x1xf32> to vector<20x1xf32>
    %swap3A_426 = vector.shape_cast %broadcast_in_dim3A_412 : vector<20x1xf32> to vector<1x20x1xf32>
    tpu.vector_store %arg4[%swap3A_421, %swap3A_422, %swap3A_423], %swap3A_426 {strides = array<i32>} : memref<1x20x20xf32, #tpu.memory_space<vmem>>, vector<1x20x1xf32>,
    %swap3A_427 = arith.constant 0 : index
    %swap3A_428 = arith.constant 0 : index
    %swap3A_429 = arith.constant 3 : index
    %swap3A_430 = vector.load %arg5[%swap3A_427, %swap3A_428, %swap3A_429] : memref<1x20x20xi32, #tpu.memory_space<vmem>>, vector<1x20x1xi32>
    %swap3A_431 = vector.shape_cast %swap3A_430 : vector<1x20x1xi32> to vector<20x1xi32>
    %swap3A_432 = vector.shape_cast %broadcast_in_dim3A_420 : vector<20x1xi32> to vector<1x20x1xi32>
    tpu.vector_store %arg5[%swap3A_427, %swap3A_428, %swap3A_429], %swap3A_432 {strides = array<i32>} : memref<1x20x20xi32, #tpu.memory_space<vmem>>, vector<1x20x1xi32>,
    %eq3A_433 = vector.broadcast %broadcast_in_dim3A_420 : vector<20x1xi32> to vector<20x4096xi32>
    %eq3A_434 = arith.cmpi eq, %iota3A_314, %eq3A_433 : vector<20x4096xi32>
    %jit3A_435 = arith.constant 1.000000e+00 : f32
    %broadcast_in_dim3A_436 = vector.broadcast %jit3A_435 : f32 to vector<20x4096xf32>
    %select_n3A_437 = arith.select %eq3A_434, %broadcast_in_dim3A_436, %select_n3A_406 : vector<20x4096xi1>, vector<20x4096xf32>
    %jit3A_438 = arith.constant 0x7F800000 : f32
    %broadcast_in_dim3A_439 = vector.broadcast %jit3A_438 : f32 to vector<20x4096xf32>
    %select_n3A_440 = arith.select %eq3A_434, %broadcast_in_dim3A_439, %select_n3A_409 : vector<20x4096xi1>, vector<20x4096xf32>
    %reduce_min3A_441 = arith.constant dense<0x7F800000> : vector<20xf32>
    %reduce_min3A_442 = vector.multi_reduction <minimumf>, %select_n3A_440, %reduce_min3A_441 [1] : vector<20x4096xf32> to vector<20xf32>
    %broadcast_in_dim3A_443 = vector.shape_cast %reduce_min3A_442 : vector<20xf32> to vector<20x1xf32>
    %eq3A_444 = vector.broadcast %broadcast_in_dim3A_443 : vector<20x1xf32> to vector<20x4096xf32>
    %eq3A_445 = arith.cmpf oeq, %select_n3A_440, %eq3A_444 : vector<20x4096xf32>
    %jit3A_446 = arith.constant 1073741824 : i32
    %broadcast_in_dim3A_447 = vector.broadcast %jit3A_446 : i32 to vector<20x4096xi32>
    %select_n3A_448 = arith.select %eq3A_445, %iota3A_314, %broadcast_in_dim3A_447 : vector<20x4096xi1>, vector<20x4096xi32>
    %reduce_min3A_449 = arith.constant dense<2147483647> : vector<20xi32>
    %reduce_min3A_450 = vector.multi_reduction <minsi>, %select_n3A_448, %reduce_min3A_449 [1] : vector<20x4096xi32> to vector<20xi32>
    %broadcast_in_dim3A_451 = vector.shape_cast %reduce_min3A_450 : vector<20xi32> to vector<20x1xi32>
    %swap3A_452 = arith.constant 0 : index
    %swap3A_453 = arith.constant 0 : index
    %swap3A_454 = arith.constant 4 : index
    %swap3A_455 = vector.load %arg4[%swap3A_452, %swap3A_453, %swap3A_454] : memref<1x20x20xf32, #tpu.memory_space<vmem>>, vector<1x20x1xf32>
    %swap3A_456 = vector.shape_cast %swap3A_455 : vector<1x20x1xf32> to vector<20x1xf32>
    %swap3A_457 = vector.shape_cast %broadcast_in_dim3A_443 : vector<20x1xf32> to vector<1x20x1xf32>
    tpu.vector_store %arg4[%swap3A_452, %swap3A_453, %swap3A_454], %swap3A_457 {strides = array<i32>} : memref<1x20x20xf32, #tpu.memory_space<vmem>>, vector<1x20x1xf32>,
    %swap3A_458 = arith.constant 0 : index
    %swap3A_459 = arith.constant 0 : index
    %swap3A_460 = arith.constant 4 : index
    %swap3A_461 = vector.load %arg5[%swap3A_458, %swap3A_459, %swap3A_460] : memref<1x20x20xi32, #tpu.memory_space<vmem>>, vector<1x20x1xi32>
    %swap3A_462 = vector.shape_cast %swap3A_461 : vector<1x20x1xi32> to vector<20x1xi32>
    %swap3A_463 = vector.shape_cast %broadcast_in_dim3A_451 : vector<20x1xi32> to vector<1x20x1xi32>
    tpu.vector_store %arg5[%swap3A_458, %swap3A_459, %swap3A_460], %swap3A_463 {strides = array<i32>} : memref<1x20x20xi32, #tpu.memory_space<vmem>>, vector<1x20x1xi32>,
    %eq3A_464 = vector.broadcast %broadcast_in_dim3A_451 : vector<20x1xi32> to vector<20x4096xi32>
    %eq3A_465 = arith.cmpi eq, %iota3A_314, %eq3A_464 : vector<20x4096xi32>
    %jit3A_466 = arith.constant 1.000000e+00 : f32
    %broadcast_in_dim3A_467 = vector.broadcast %jit3A_466 : f32 to vector<20x4096xf32>
    %select_n3A_468 = arith.select %eq3A_465, %broadcast_in_dim3A_467, %select_n3A_437 : vector<20x4096xi1>, vector<20x4096xf32>
    %jit3A_469 = arith.constant 0x7F800000 : f32
    %broadcast_in_dim3A_470 = vector.broadcast %jit3A_469 : f32 to vector<20x4096xf32>
    %select_n3A_471 = arith.select %eq3A_465, %broadcast_in_dim3A_470, %select_n3A_440 : vector<20x4096xi1>, vector<20x4096xf32>
    %reduce_min3A_472 = arith.constant dense<0x7F800000> : vector<20xf32>
    %reduce_min3A_473 = vector.multi_reduction <minimumf>, %select_n3A_471, %reduce_min3A_472 [1] : vector<20x4096xf32> to vector<20xf32>
    %broadcast_in_dim3A_474 = vector.shape_cast %reduce_min3A_473 : vector<20xf32> to vector<20x1xf32>
    %eq3A_475 = vector.broadcast %broadcast_in_dim3A_474 : vector<20x1xf32> to vector<20x4096xf32>
    %eq3A_476 = arith.cmpf oeq, %select_n3A_471, %eq3A_475 : vector<20x4096xf32>
    %jit3A_477 = arith.constant 1073741824 : i32
    %broadcast_in_dim3A_478 = vector.broadcast %jit3A_477 : i32 to vector<20x4096xi32>
    %select_n3A_479 = arith.select %eq3A_476, %iota3A_314, %broadcast_in_dim3A_478 : vector<20x4096xi1>, vector<20x4096xi32>
    %reduce_min3A_480 = arith.constant dense<2147483647> : vector<20xi32>
    %reduce_min3A_481 = vector.multi_reduction <minsi>, %select_n3A_479, %reduce_min3A_480 [1] : vector<20x4096xi32> to vector<20xi32>
    %broadcast_in_dim3A_482 = vector.shape_cast %reduce_min3A_481 : vector<20xi32> to vector<20x1xi32>
    %swap3A_483 = arith.constant 0 : index
    %swap3A_484 = arith.constant 0 : index
    %swap3A_485 = arith.constant 5 : index
    %swap3A_486 = vector.load %arg4[%swap3A_483, %swap3A_484, %swap3A_485] : memref<1x20x20xf32, #tpu.memory_space<vmem>>, vector<1x20x1xf32>
    %swap3A_487 = vector.shape_cast %swap3A_486 : vector<1x20x1xf32> to vector<20x1xf32>
    %swap3A_488 = vector.shape_cast %broadcast_in_dim3A_474 : vector<20x1xf32> to vector<1x20x1xf32>
    tpu.vector_store %arg4[%swap3A_483, %swap3A_484, %swap3A_485], %swap3A_488 {strides = array<i32>} : memref<1x20x20xf32, #tpu.memory_space<vmem>>, vector<1x20x1xf32>,
    %swap3A_489 = arith.constant 0 : index
    %swap3A_490 = arith.constant 0 : index
    %swap3A_491 = arith.constant 5 : index
    %swap3A_492 = vector.load %arg5[%swap3A_489, %swap3A_490, %swap3A_491] : memref<1x20x20xi32, #tpu.memory_space<vmem>>, vector<1x20x1xi32>
    %swap3A_493 = vector.shape_cast %swap3A_492 : vector<1x20x1xi32> to vector<20x1xi32>
    %swap3A_494 = vector.shape_cast %broadcast_in_dim3A_482 : vector<20x1xi32> to vector<1x20x1xi32>
    tpu.vector_store %arg5[%swap3A_489, %swap3A_490, %swap3A_491], %swap3A_494 {strides = array<i32>} : memref<1x20x20xi32, #tpu.memory_space<vmem>>, vector<1x20x1xi32>,
    %eq3A_495 = vector.broadcast %broadcast_in_dim3A_482 : vector<20x1xi32> to vector<20x4096xi32>
    %eq3A_496 = arith.cmpi eq, %iota3A_314, %eq3A_495 : vector<20x4096xi32>
    %jit3A_497 = arith.constant 1.000000e+00 : f32
    %broadcast_in_dim3A_498 = vector.broadcast %jit3A_497 : f32 to vector<20x4096xf32>
    %select_n3A_499 = arith.select %eq3A_496, %broadcast_in_dim3A_498, %select_n3A_468 : vector<20x4096xi1>, vector<20x4096xf32>
    %jit3A_500 = arith.constant 0x7F800000 : f32
    %broadcast_in_dim3A_501 = vector.broadcast %jit3A_500 : f32 to vector<20x4096xf32>
    %select_n3A_502 = arith.select %eq3A_496, %broadcast_in_dim3A_501, %select_n3A_471 : vector<20x4096xi1>, vector<20x4096xf32>
    %reduce_min3A_503 = arith.constant dense<0x7F800000> : vector<20xf32>
    %reduce_min3A_504 = vector.multi_reduction <minimumf>, %select_n3A_502, %reduce_min3A_503 [1] : vector<20x4096xf32> to vector<20xf32>
    %broadcast_in_dim3A_505 = vector.shape_cast %reduce_min3A_504 : vector<20xf32> to vector<20x1xf32>
    %eq3A_506 = vector.broadcast %broadcast_in_dim3A_505 : vector<20x1xf32> to vector<20x4096xf32>
    %eq3A_507 = arith.cmpf oeq, %select_n3A_502, %eq3A_506 : vector<20x4096xf32>
    %jit3A_508 = arith.constant 1073741824 : i32
    %broadcast_in_dim3A_509 = vector.broadcast %jit3A_508 : i32 to vector<20x4096xi32>
    %select_n3A_510 = arith.select %eq3A_507, %iota3A_314, %broadcast_in_dim3A_509 : vector<20x4096xi1>, vector<20x4096xi32>
    %reduce_min3A_511 = arith.constant dense<2147483647> : vector<20xi32>
    %reduce_min3A_512 = vector.multi_reduction <minsi>, %select_n3A_510, %reduce_min3A_511 [1] : vector<20x4096xi32> to vector<20xi32>
    %broadcast_in_dim3A_513 = vector.shape_cast %reduce_min3A_512 : vector<20xi32> to vector<20x1xi32>
    %swap3A_514 = arith.constant 0 : index
    %swap3A_515 = arith.constant 0 : index
    %swap3A_516 = arith.constant 6 : index
    %swap3A_517 = vector.load %arg4[%swap3A_514, %swap3A_515, %swap3A_516] : memref<1x20x20xf32, #tpu.memory_space<vmem>>, vector<1x20x1xf32>
    %swap3A_518 = vector.shape_cast %swap3A_517 : vector<1x20x1xf32> to vector<20x1xf32>
    %swap3A_519 = vector.shape_cast %broadcast_in_dim3A_505 : vector<20x1xf32> to vector<1x20x1xf32>
    tpu.vector_store %arg4[%swap3A_514, %swap3A_515, %swap3A_516], %swap3A_519 {strides = array<i32>} : memref<1x20x20xf32, #tpu.memory_space<vmem>>, vector<1x20x1xf32>,
    %swap3A_520 = arith.constant 0 : index
    %swap3A_521 = arith.constant 0 : index
    %swap3A_522 = arith.constant 6 : index
    %swap3A_523 = vector.load %arg5[%swap3A_520, %swap3A_521, %swap3A_522] : memref<1x20x20xi32, #tpu.memory_space<vmem>>, vector<1x20x1xi32>
    %swap3A_524 = vector.shape_cast %swap3A_523 : vector<1x20x1xi32> to vector<20x1xi32>
    %swap3A_525 = vector.shape_cast %broadcast_in_dim3A_513 : vector<20x1xi32> to vector<1x20x1xi32>
    tpu.vector_store %arg5[%swap3A_520, %swap3A_521, %swap3A_522], %swap3A_525 {strides = array<i32>} : memref<1x20x20xi32, #tpu.memory_space<vmem>>, vector<1x20x1xi32>,
    %eq3A_526 = vector.broadcast %broadcast_in_dim3A_513 : vector<20x1xi32> to vector<20x4096xi32>
    %eq3A_527 = arith.cmpi eq, %iota3A_314, %eq3A_526 : vector<20x4096xi32>
    %jit3A_528 = arith.constant 1.000000e+00 : f32
    %broadcast_in_dim3A_529 = vector.broadcast %jit3A_528 : f32 to vector<20x4096xf32>
    %select_n3A_530 = arith.select %eq3A_527, %broadcast_in_dim3A_529, %select_n3A_499 : vector<20x4096xi1>, vector<20x4096xf32>
    %jit3A_531 = arith.constant 0x7F800000 : f32
    %broadcast_in_dim3A_532 = vector.broadcast %jit3A_531 : f32 to vector<20x4096xf32>
    %select_n3A_533 = arith.select %eq3A_527, %broadcast_in_dim3A_532, %select_n3A_502 : vector<20x4096xi1>, vector<20x4096xf32>
    %reduce_min3A_534 = arith.constant dense<0x7F800000> : vector<20xf32>
    %reduce_min3A_535 = vector.multi_reduction <minimumf>, %select_n3A_533, %reduce_min3A_534 [1] : vector<20x4096xf32> to vector<20xf32>
    %broadcast_in_dim3A_536 = vector.shape_cast %reduce_min3A_535 : vector<20xf32> to vector<20x1xf32>
    %eq3A_537 = vector.broadcast %broadcast_in_dim3A_536 : vector<20x1xf32> to vector<20x4096xf32>
    %eq3A_538 = arith.cmpf oeq, %select_n3A_533, %eq3A_537 : vector<20x4096xf32>
    %jit3A_539 = arith.constant 1073741824 : i32
    %broadcast_in_dim3A_540 = vector.broadcast %jit3A_539 : i32 to vector<20x4096xi32>
    %select_n3A_541 = arith.select %eq3A_538, %iota3A_314, %broadcast_in_dim3A_540 : vector<20x4096xi1>, vector<20x4096xi32>
    %reduce_min3A_542 = arith.constant dense<2147483647> : vector<20xi32>
    %reduce_min3A_543 = vector.multi_reduction <minsi>, %select_n3A_541, %reduce_min3A_542 [1] : vector<20x4096xi32> to vector<20xi32>
    %broadcast_in_dim3A_544 = vector.shape_cast %reduce_min3A_543 : vector<20xi32> to vector<20x1xi32>
    %swap3A_545 = arith.constant 0 : index
    %swap3A_546 = arith.constant 0 : index
    %swap3A_547 = arith.constant 7 : index
    %swap3A_548 = vector.load %arg4[%swap3A_545, %swap3A_546, %swap3A_547] : memref<1x20x20xf32, #tpu.memory_space<vmem>>, vector<1x20x1xf32>
    %swap3A_549 = vector.shape_cast %swap3A_548 : vector<1x20x1xf32> to vector<20x1xf32>
    %swap3A_550 = vector.shape_cast %broadcast_in_dim3A_536 : vector<20x1xf32> to vector<1x20x1xf32>
    tpu.vector_store %arg4[%swap3A_545, %swap3A_546, %swap3A_547], %swap3A_550 {strides = array<i32>} : memref<1x20x20xf32, #tpu.memory_space<vmem>>, vector<1x20x1xf32>,
    %swap3A_551 = arith.constant 0 : index
    %swap3A_552 = arith.constant 0 : index
    %swap3A_553 = arith.constant 7 : index
    %swap3A_554 = vector.load %arg5[%swap3A_551, %swap3A_552, %swap3A_553] : memref<1x20x20xi32, #tpu.memory_space<vmem>>, vector<1x20x1xi32>
    %swap3A_555 = vector.shape_cast %swap3A_554 : vector<1x20x1xi32> to vector<20x1xi32>
    %swap3A_556 = vector.shape_cast %broadcast_in_dim3A_544 : vector<20x1xi32> to vector<1x20x1xi32>
    tpu.vector_store %arg5[%swap3A_551, %swap3A_552, %swap3A_553], %swap3A_556 {strides = array<i32>} : memref<1x20x20xi32, #tpu.memory_space<vmem>>, vector<1x20x1xi32>,
    %eq3A_557 = vector.broadcast %broadcast_in_dim3A_544 : vector<20x1xi32> to vector<20x4096xi32>
    %eq3A_558 = arith.cmpi eq, %iota3A_314, %eq3A_557 : vector<20x4096xi32>
    %jit3A_559 = arith.constant 1.000000e+00 : f32
    %broadcast_in_dim3A_560 = vector.broadcast %jit3A_559 : f32 to vector<20x4096xf32>
    %select_n3A_561 = arith.select %eq3A_558, %broadcast_in_dim3A_560, %select_n3A_530 : vector<20x4096xi1>, vector<20x4096xf32>
    %jit3A_562 = arith.constant 0x7F800000 : f32
    %broadcast_in_dim3A_563 = vector.broadcast %jit3A_562 : f32 to vector<20x4096xf32>
    %select_n3A_564 = arith.select %eq3A_558, %broadcast_in_dim3A_563, %select_n3A_533 : vector<20x4096xi1>, vector<20x4096xf32>
    %reduce_min3A_565 = arith.constant dense<0x7F800000> : vector<20xf32>
    %reduce_min3A_566 = vector.multi_reduction <minimumf>, %select_n3A_564, %reduce_min3A_565 [1] : vector<20x4096xf32> to vector<20xf32>
    %broadcast_in_dim3A_567 = vector.shape_cast %reduce_min3A_566 : vector<20xf32> to vector<20x1xf32>
    %eq3A_568 = vector.broadcast %broadcast_in_dim3A_567 : vector<20x1xf32> to vector<20x4096xf32>
    %eq3A_569 = arith.cmpf oeq, %select_n3A_564, %eq3A_568 : vector<20x4096xf32>
    %jit3A_570 = arith.constant 1073741824 : i32
    %broadcast_in_dim3A_571 = vector.broadcast %jit3A_570 : i32 to vector<20x4096xi32>
    %select_n3A_572 = arith.select %eq3A_569, %iota3A_314, %broadcast_in_dim3A_571 : vector<20x4096xi1>, vector<20x4096xi32>
    %reduce_min3A_573 = arith.constant dense<2147483647> : vector<20xi32>
    %reduce_min3A_574 = vector.multi_reduction <minsi>, %select_n3A_572, %reduce_min3A_573 [1] : vector<20x4096xi32> to vector<20xi32>
    %broadcast_in_dim3A_575 = vector.shape_cast %reduce_min3A_574 : vector<20xi32> to vector<20x1xi32>
    %swap3A_576 = arith.constant 0 : index
    %swap3A_577 = arith.constant 0 : index
    %swap3A_578 = arith.constant 8 : index
    %swap3A_579 = vector.load %arg4[%swap3A_576, %swap3A_577, %swap3A_578] : memref<1x20x20xf32, #tpu.memory_space<vmem>>, vector<1x20x1xf32>
    %swap3A_580 = vector.shape_cast %swap3A_579 : vector<1x20x1xf32> to vector<20x1xf32>
    %swap3A_581 = vector.shape_cast %broadcast_in_dim3A_567 : vector<20x1xf32> to vector<1x20x1xf32>
    tpu.vector_store %arg4[%swap3A_576, %swap3A_577, %swap3A_578], %swap3A_581 {strides = array<i32>} : memref<1x20x20xf32, #tpu.memory_space<vmem>>, vector<1x20x1xf32>,
    %swap3A_582 = arith.constant 0 : index
    %swap3A_583 = arith.constant 0 : index
    %swap3A_584 = arith.constant 8 : index
    %swap3A_585 = vector.load %arg5[%swap3A_582, %swap3A_583, %swap3A_584] : memref<1x20x20xi32, #tpu.memory_space<vmem>>, vector<1x20x1xi32>
    %swap3A_586 = vector.shape_cast %swap3A_585 : vector<1x20x1xi32> to vector<20x1xi32>
    %swap3A_587 = vector.shape_cast %broadcast_in_dim3A_575 : vector<20x1xi32> to vector<1x20x1xi32>
    tpu.vector_store %arg5[%swap3A_582, %swap3A_583, %swap3A_584], %swap3A_587 {strides = array<i32>} : memref<1x20x20xi32, #tpu.memory_space<vmem>>, vector<1x20x1xi32>,
    %eq3A_588 = vector.broadcast %broadcast_in_dim3A_575 : vector<20x1xi32> to vector<20x4096xi32>
    %eq3A_589 = arith.cmpi eq, %iota3A_314, %eq3A_588 : vector<20x4096xi32>
    %jit3A_590 = arith.constant 1.000000e+00 : f32
    %broadcast_in_dim3A_591 = vector.broadcast %jit3A_590 : f32 to vector<20x4096xf32>
    %select_n3A_592 = arith.select %eq3A_589, %broadcast_in_dim3A_591, %select_n3A_561 : vector<20x4096xi1>, vector<20x4096xf32>
    %jit3A_593 = arith.constant 0x7F800000 : f32
    %broadcast_in_dim3A_594 = vector.broadcast %jit3A_593 : f32 to vector<20x4096xf32>
    %select_n3A_595 = arith.select %eq3A_589, %broadcast_in_dim3A_594, %select_n3A_564 : vector<20x4096xi1>, vector<20x4096xf32>
    %reduce_min3A_596 = arith.constant dense<0x7F800000> : vector<20xf32>
    %reduce_min3A_597 = vector.multi_reduction <minimumf>, %select_n3A_595, %reduce_min3A_596 [1] : vector<20x4096xf32> to vector<20xf32>
    %broadcast_in_dim3A_598 = vector.shape_cast %reduce_min3A_597 : vector<20xf32> to vector<20x1xf32>
    %eq3A_599 = vector.broadcast %broadcast_in_dim3A_598 : vector<20x1xf32> to vector<20x4096xf32>
    %eq3A_600 = arith.cmpf oeq, %select_n3A_595, %eq3A_599 : vector<20x4096xf32>
    %jit3A_601 = arith.constant 1073741824 : i32
    %broadcast_in_dim3A_602 = vector.broadcast %jit3A_601 : i32 to vector<20x4096xi32>
    %select_n3A_603 = arith.select %eq3A_600, %iota3A_314, %broadcast_in_dim3A_602 : vector<20x4096xi1>, vector<20x4096xi32>
    %reduce_min3A_604 = arith.constant dense<2147483647> : vector<20xi32>
    %reduce_min3A_605 = vector.multi_reduction <minsi>, %select_n3A_603, %reduce_min3A_604 [1] : vector<20x4096xi32> to vector<20xi32>
    %broadcast_in_dim3A_606 = vector.shape_cast %reduce_min3A_605 : vector<20xi32> to vector<20x1xi32>
    %swap3A_607 = arith.constant 0 : index
    %swap3A_608 = arith.constant 0 : index
    %swap3A_609 = arith.constant 9 : index
    %swap3A_610 = vector.load %arg4[%swap3A_607, %swap3A_608, %swap3A_609] : memref<1x20x20xf32, #tpu.memory_space<vmem>>, vector<1x20x1xf32>
    %swap3A_611 = vector.shape_cast %swap3A_610 : vector<1x20x1xf32> to vector<20x1xf32>
    %swap3A_612 = vector.shape_cast %broadcast_in_dim3A_598 : vector<20x1xf32> to vector<1x20x1xf32>
    tpu.vector_store %arg4[%swap3A_607, %swap3A_608, %swap3A_609], %swap3A_612 {strides = array<i32>} : memref<1x20x20xf32, #tpu.memory_space<vmem>>, vector<1x20x1xf32>,
    %swap3A_613 = arith.constant 0 : index
    %swap3A_614 = arith.constant 0 : index
    %swap3A_615 = arith.constant 9 : index
    %swap3A_616 = vector.load %arg5[%swap3A_613, %swap3A_614, %swap3A_615] : memref<1x20x20xi32, #tpu.memory_space<vmem>>, vector<1x20x1xi32>
    %swap3A_617 = vector.shape_cast %swap3A_616 : vector<1x20x1xi32> to vector<20x1xi32>
    %swap3A_618 = vector.shape_cast %broadcast_in_dim3A_606 : vector<20x1xi32> to vector<1x20x1xi32>
    tpu.vector_store %arg5[%swap3A_613, %swap3A_614, %swap3A_615], %swap3A_618 {strides = array<i32>} : memref<1x20x20xi32, #tpu.memory_space<vmem>>, vector<1x20x1xi32>,
    %eq3A_619 = vector.broadcast %broadcast_in_dim3A_606 : vector<20x1xi32> to vector<20x4096xi32>
    %eq3A_620 = arith.cmpi eq, %iota3A_314, %eq3A_619 : vector<20x4096xi32>
    %jit3A_621 = arith.constant 1.000000e+00 : f32
    %broadcast_in_dim3A_622 = vector.broadcast %jit3A_621 : f32 to vector<20x4096xf32>
    %select_n3A_623 = arith.select %eq3A_620, %broadcast_in_dim3A_622, %select_n3A_592 : vector<20x4096xi1>, vector<20x4096xf32>
    %jit3A_624 = arith.constant 0x7F800000 : f32
    %broadcast_in_dim3A_625 = vector.broadcast %jit3A_624 : f32 to vector<20x4096xf32>
    %select_n3A_626 = arith.select %eq3A_620, %broadcast_in_dim3A_625, %select_n3A_595 : vector<20x4096xi1>, vector<20x4096xf32>
    %gt3A = arith.constant 0.000000e+00 : f32
    %gt3A_627 = vector.broadcast %gt3A : f32 to vector<20x4096xf32>
    %gt3A_628 = arith.cmpf ogt, %select_n3A_623, %gt3A_627 : vector<20x4096xf32>
    %reduce_or3A = arith.constant 1.000000e+00 : f32
    %reduce_or3A_629 = arith.constant 0.000000e+00 : f32
    %reduce_or3A_630 = vector.broadcast %reduce_or3A : f32 to vector<20x4096xf32>
    %reduce_or3A_631 = vector.broadcast %reduce_or3A_629 : f32 to vector<20x4096xf32>
    %reduce_or3A_632 = arith.select %gt3A_628, %reduce_or3A_630, %reduce_or3A_631 : vector<20x4096xi1>, vector<20x4096xf32>
    %reduce_or3A_633 = arith.constant dense<0xFF800000> : vector<4096xf32>
    %reduce_or3A_634 = vector.multi_reduction <maximumf>, %reduce_or3A_632, %reduce_or3A_633 [0] : vector<20x4096xf32> to vector<4096xf32>
    %reduce_or3A_635 = arith.constant 0.000000e+00 : f32
    %reduce_or3A_636 = vector.broadcast %reduce_or3A_635 : f32 to vector<4096xf32>
    %reduce_or3A_637 = arith.cmpf ogt, %reduce_or3A_634, %reduce_or3A_636 : vector<4096xf32>
    %broadcast_in_dim3A_638 = vector.shape_cast %reduce_or3A_637 : vector<4096xi1> to vector<1x4096xi1>
    %jit3A_639 = arith.constant 0x7F800000 : f32
    %broadcast_in_dim3A_640 = vector.shape_cast %broadcast_in_dim3A_638 : vector<1x4096xi1> to vector<1x4096xi1>
    %broadcast_in_dim3A_641 = vector.broadcast %broadcast_in_dim3A_640 : vector<1x4096xi1> to vector<20x4096xi1>
    %broadcast_in_dim3A_642 = vector.broadcast %jit3A_639 : f32 to vector<20x4096xf32>
    %select_n3A_643 = arith.select %broadcast_in_dim3A_641, %select_n3A_626, %broadcast_in_dim3A_642 : vector<20x4096xi1>, vector<20x4096xf32>
    %reduce_min3A_644 = arith.constant dense<0x7F800000> : vector<20xf32>
    %reduce_min3A_645 = vector.multi_reduction <minimumf>, %select_n3A_643, %reduce_min3A_644 [1] : vector<20x4096xf32> to vector<20xf32>
    %broadcast_in_dim3A_646 = vector.shape_cast %reduce_min3A_645 : vector<20xf32> to vector<20x1xf32>
    %lt3A_647 = arith.constant 1.000000e+30 : f32
    %lt3A_648 = vector.broadcast %lt3A_647 : f32 to vector<20x1xf32>
    %lt3A_649 = arith.cmpf olt, %broadcast_in_dim3A_646, %lt3A_648 : vector<20x1xf32>
    %eq3A_650 = vector.broadcast %broadcast_in_dim3A_646 : vector<20x1xf32> to vector<20x4096xf32>
    %eq3A_651 = arith.cmpf oeq, %select_n3A_643, %eq3A_650 : vector<20x4096xf32>
    %jit3A_652 = arith.constant 1073741824 : i32
    %broadcast_in_dim3A_653 = vector.broadcast %jit3A_652 : i32 to vector<20x4096xi32>
    %select_n3A_654 = arith.select %eq3A_651, %iota3A_314, %broadcast_in_dim3A_653 : vector<20x4096xi1>, vector<20x4096xi32>
    %reduce_min3A_655 = arith.constant dense<2147483647> : vector<20xi32>
    %reduce_min3A_656 = vector.multi_reduction <minsi>, %select_n3A_654, %reduce_min3A_655 [1] : vector<20x4096xi32> to vector<20xi32>
    %broadcast_in_dim3A_657 = vector.shape_cast %reduce_min3A_656 : vector<20xi32> to vector<20x1xi32>
    %jit3A_658 = arith.constant 0x7F800000 : f32
    %broadcast_in_dim3A_659 = vector.broadcast %jit3A_658 : f32 to vector<20x1xf32>
    %select_n3A_660 = arith.select %lt3A_649, %broadcast_in_dim3A_646, %broadcast_in_dim3A_659 : vector<20x1xi1>, vector<20x1xf32>
    %swap3A_661 = arith.constant 0 : index
    %swap3A_662 = arith.constant 0 : index
    %swap3A_663 = arith.constant 10 : index
    %swap3A_664 = vector.load %arg4[%swap3A_661, %swap3A_662, %swap3A_663] : memref<1x20x20xf32, #tpu.memory_space<vmem>>, vector<1x20x1xf32>
    %swap3A_665 = vector.shape_cast %swap3A_664 : vector<1x20x1xf32> to vector<20x1xf32>
    %swap3A_666 = vector.shape_cast %select_n3A_660 : vector<20x1xf32> to vector<1x20x1xf32>
    tpu.vector_store %arg4[%swap3A_661, %swap3A_662, %swap3A_663], %swap3A_666 {strides = array<i32>} : memref<1x20x20xf32, #tpu.memory_space<vmem>>, vector<1x20x1xf32>,
    %mul3A_667 = arith.constant 20 : i32
    %mul3A_668 = vector.broadcast %mul3A_667 : i32 to vector<20x1xi32>
    %mul3A_669 = arith.muli %iota3A_315, %mul3A_668 : vector<20x1xi32>
    %add3A_670 = arith.constant 10 : i32
    %add3A_671 = vector.broadcast %add3A_670 : i32 to vector<20x1xi32>
    %add3A_672 = arith.addi %mul3A_669, %add3A_671 : vector<20x1xi32>
    %sub3A_673 = arith.constant -2 : i32
    %sub3A_674 = vector.broadcast %sub3A_673 : i32 to vector<20x1xi32>
    %sub3A_675 = arith.subi %sub3A_674, %add3A_672 : vector<20x1xi32>
    %select_n3A_676 = arith.select %lt3A_649, %broadcast_in_dim3A_657, %sub3A_675 : vector<20x1xi1>, vector<20x1xi32>
    %swap3A_677 = arith.constant 0 : index
    %swap3A_678 = arith.constant 0 : index
    %swap3A_679 = arith.constant 10 : index
    %swap3A_680 = vector.load %arg5[%swap3A_677, %swap3A_678, %swap3A_679] : memref<1x20x20xi32, #tpu.memory_space<vmem>>, vector<1x20x1xi32>
    %swap3A_681 = vector.shape_cast %swap3A_680 : vector<1x20x1xi32> to vector<20x1xi32>
    %swap3A_682 = vector.shape_cast %select_n3A_676 : vector<20x1xi32> to vector<1x20x1xi32>
    tpu.vector_store %arg5[%swap3A_677, %swap3A_678, %swap3A_679], %swap3A_682 {strides = array<i32>} : memref<1x20x20xi32, #tpu.memory_space<vmem>>, vector<1x20x1xi32>,
    %eq3A_683 = vector.broadcast %broadcast_in_dim3A_657 : vector<20x1xi32> to vector<20x4096xi32>
    %eq3A_684 = arith.cmpi eq, %iota3A_314, %eq3A_683 : vector<20x4096xi32>
    %jit3A_685 = arith.constant 0x7F800000 : f32
    %broadcast_in_dim3A_686 = vector.broadcast %jit3A_685 : f32 to vector<20x4096xf32>
    %select_n3A_687 = arith.select %eq3A_684, %broadcast_in_dim3A_686, %select_n3A_643 : vector<20x4096xi1>, vector<20x4096xf32>
    %reduce_min3A_688 = arith.constant dense<0x7F800000> : vector<20xf32>
    %reduce_min3A_689 = vector.multi_reduction <minimumf>, %select_n3A_687, %reduce_min3A_688 [1] : vector<20x4096xf32> to vector<20xf32>
    %broadcast_in_dim3A_690 = vector.shape_cast %reduce_min3A_689 : vector<20xf32> to vector<20x1xf32>
    %lt3A_691 = arith.constant 1.000000e+30 : f32
    %lt3A_692 = vector.broadcast %lt3A_691 : f32 to vector<20x1xf32>
    %lt3A_693 = arith.cmpf olt, %broadcast_in_dim3A_690, %lt3A_692 : vector<20x1xf32>
    %eq3A_694 = vector.broadcast %broadcast_in_dim3A_690 : vector<20x1xf32> to vector<20x4096xf32>
    %eq3A_695 = arith.cmpf oeq, %select_n3A_687, %eq3A_694 : vector<20x4096xf32>
    %jit3A_696 = arith.constant 1073741824 : i32
    %broadcast_in_dim3A_697 = vector.broadcast %jit3A_696 : i32 to vector<20x4096xi32>
    %select_n3A_698 = arith.select %eq3A_695, %iota3A_314, %broadcast_in_dim3A_697 : vector<20x4096xi1>, vector<20x4096xi32>
    %reduce_min3A_699 = arith.constant dense<2147483647> : vector<20xi32>
    %reduce_min3A_700 = vector.multi_reduction <minsi>, %select_n3A_698, %reduce_min3A_699 [1] : vector<20x4096xi32> to vector<20xi32>
    %broadcast_in_dim3A_701 = vector.shape_cast %reduce_min3A_700 : vector<20xi32> to vector<20x1xi32>
    %jit3A_702 = arith.constant 0x7F800000 : f32
    %broadcast_in_dim3A_703 = vector.broadcast %jit3A_702 : f32 to vector<20x1xf32>
    %select_n3A_704 = arith.select %lt3A_693, %broadcast_in_dim3A_690, %broadcast_in_dim3A_703 : vector<20x1xi1>, vector<20x1xf32>
    %swap3A_705 = arith.constant 0 : index
    %swap3A_706 = arith.constant 0 : index
    %swap3A_707 = arith.constant 11 : index
    %swap3A_708 = vector.load %arg4[%swap3A_705, %swap3A_706, %swap3A_707] : memref<1x20x20xf32, #tpu.memory_space<vmem>>, vector<1x20x1xf32>
    %swap3A_709 = vector.shape_cast %swap3A_708 : vector<1x20x1xf32> to vector<20x1xf32>
    %swap3A_710 = vector.shape_cast %select_n3A_704 : vector<20x1xf32> to vector<1x20x1xf32>
    tpu.vector_store %arg4[%swap3A_705, %swap3A_706, %swap3A_707], %swap3A_710 {strides = array<i32>} : memref<1x20x20xf32, #tpu.memory_space<vmem>>, vector<1x20x1xf32>,
    %mul3A_711 = arith.constant 20 : i32
    %mul3A_712 = vector.broadcast %mul3A_711 : i32 to vector<20x1xi32>
    %mul3A_713 = arith.muli %iota3A_315, %mul3A_712 : vector<20x1xi32>
    %add3A_714 = arith.constant 11 : i32
    %add3A_715 = vector.broadcast %add3A_714 : i32 to vector<20x1xi32>
    %add3A_716 = arith.addi %mul3A_713, %add3A_715 : vector<20x1xi32>
    %sub3A_717 = arith.constant -2 : i32
    %sub3A_718 = vector.broadcast %sub3A_717 : i32 to vector<20x1xi32>
    %sub3A_719 = arith.subi %sub3A_718, %add3A_716 : vector<20x1xi32>
    %select_n3A_720 = arith.select %lt3A_693, %broadcast_in_dim3A_701, %sub3A_719 : vector<20x1xi1>, vector<20x1xi32>
    %swap3A_721 = arith.constant 0 : index
    %swap3A_722 = arith.constant 0 : index
    %swap3A_723 = arith.constant 11 : index
    %swap3A_724 = vector.load %arg5[%swap3A_721, %swap3A_722, %swap3A_723] : memref<1x20x20xi32, #tpu.memory_space<vmem>>, vector<1x20x1xi32>
    %swap3A_725 = vector.shape_cast %swap3A_724 : vector<1x20x1xi32> to vector<20x1xi32>
    %swap3A_726 = vector.shape_cast %select_n3A_720 : vector<20x1xi32> to vector<1x20x1xi32>
    tpu.vector_store %arg5[%swap3A_721, %swap3A_722, %swap3A_723], %swap3A_726 {strides = array<i32>} : memref<1x20x20xi32, #tpu.memory_space<vmem>>, vector<1x20x1xi32>,
    %eq3A_727 = vector.broadcast %broadcast_in_dim3A_701 : vector<20x1xi32> to vector<20x4096xi32>
    %eq3A_728 = arith.cmpi eq, %iota3A_314, %eq3A_727 : vector<20x4096xi32>
    %jit3A_729 = arith.constant 0x7F800000 : f32
    %broadcast_in_dim3A_730 = vector.broadcast %jit3A_729 : f32 to vector<20x4096xf32>
    %select_n3A_731 = arith.select %eq3A_728, %broadcast_in_dim3A_730, %select_n3A_687 : vector<20x4096xi1>, vector<20x4096xf32>
    %reduce_min3A_732 = arith.constant dense<0x7F800000> : vector<20xf32>
    %reduce_min3A_733 = vector.multi_reduction <minimumf>, %select_n3A_731, %reduce_min3A_732 [1] : vector<20x4096xf32> to vector<20xf32>
    %broadcast_in_dim3A_734 = vector.shape_cast %reduce_min3A_733 : vector<20xf32> to vector<20x1xf32>
    %lt3A_735 = arith.constant 1.000000e+30 : f32
    %lt3A_736 = vector.broadcast %lt3A_735 : f32 to vector<20x1xf32>
    %lt3A_737 = arith.cmpf olt, %broadcast_in_dim3A_734, %lt3A_736 : vector<20x1xf32>
    %eq3A_738 = vector.broadcast %broadcast_in_dim3A_734 : vector<20x1xf32> to vector<20x4096xf32>
    %eq3A_739 = arith.cmpf oeq, %select_n3A_731, %eq3A_738 : vector<20x4096xf32>
    %jit3A_740 = arith.constant 1073741824 : i32
    %broadcast_in_dim3A_741 = vector.broadcast %jit3A_740 : i32 to vector<20x4096xi32>
    %select_n3A_742 = arith.select %eq3A_739, %iota3A_314, %broadcast_in_dim3A_741 : vector<20x4096xi1>, vector<20x4096xi32>
    %reduce_min3A_743 = arith.constant dense<2147483647> : vector<20xi32>
    %reduce_min3A_744 = vector.multi_reduction <minsi>, %select_n3A_742, %reduce_min3A_743 [1] : vector<20x4096xi32> to vector<20xi32>
    %broadcast_in_dim3A_745 = vector.shape_cast %reduce_min3A_744 : vector<20xi32> to vector<20x1xi32>
    %jit3A_746 = arith.constant 0x7F800000 : f32
    %broadcast_in_dim3A_747 = vector.broadcast %jit3A_746 : f32 to vector<20x1xf32>
    %select_n3A_748 = arith.select %lt3A_737, %broadcast_in_dim3A_734, %broadcast_in_dim3A_747 : vector<20x1xi1>, vector<20x1xf32>
    %swap3A_749 = arith.constant 0 : index
    %swap3A_750 = arith.constant 0 : index
    %swap3A_751 = arith.constant 12 : index
    %swap3A_752 = vector.load %arg4[%swap3A_749, %swap3A_750, %swap3A_751] : memref<1x20x20xf32, #tpu.memory_space<vmem>>, vector<1x20x1xf32>
    %swap3A_753 = vector.shape_cast %swap3A_752 : vector<1x20x1xf32> to vector<20x1xf32>
    %swap3A_754 = vector.shape_cast %select_n3A_748 : vector<20x1xf32> to vector<1x20x1xf32>
    tpu.vector_store %arg4[%swap3A_749, %swap3A_750, %swap3A_751], %swap3A_754 {strides = array<i32>} : memref<1x20x20xf32, #tpu.memory_space<vmem>>, vector<1x20x1xf32>,
    %mul3A_755 = arith.constant 20 : i32
    %mul3A_756 = vector.broadcast %mul3A_755 : i32 to vector<20x1xi32>
    %mul3A_757 = arith.muli %iota3A_315, %mul3A_756 : vector<20x1xi32>
    %add3A_758 = arith.constant 12 : i32
    %add3A_759 = vector.broadcast %add3A_758 : i32 to vector<20x1xi32>
    %add3A_760 = arith.addi %mul3A_757, %add3A_759 : vector<20x1xi32>
    %sub3A_761 = arith.constant -2 : i32
    %sub3A_762 = vector.broadcast %sub3A_761 : i32 to vector<20x1xi32>
    %sub3A_763 = arith.subi %sub3A_762, %add3A_760 : vector<20x1xi32>
    %select_n3A_764 = arith.select %lt3A_737, %broadcast_in_dim3A_745, %sub3A_763 : vector<20x1xi1>, vector<20x1xi32>
    %swap3A_765 = arith.constant 0 : index
    %swap3A_766 = arith.constant 0 : index
    %swap3A_767 = arith.constant 12 : index
    %swap3A_768 = vector.load %arg5[%swap3A_765, %swap3A_766, %swap3A_767] : memref<1x20x20xi32, #tpu.memory_space<vmem>>, vector<1x20x1xi32>
    %swap3A_769 = vector.shape_cast %swap3A_768 : vector<1x20x1xi32> to vector<20x1xi32>
    %swap3A_770 = vector.shape_cast %select_n3A_764 : vector<20x1xi32> to vector<1x20x1xi32>
    tpu.vector_store %arg5[%swap3A_765, %swap3A_766, %swap3A_767], %swap3A_770 {strides = array<i32>} : memref<1x20x20xi32, #tpu.memory_space<vmem>>, vector<1x20x1xi32>,
    %eq3A_771 = vector.broadcast %broadcast_in_dim3A_745 : vector<20x1xi32> to vector<20x4096xi32>
    %eq3A_772 = arith.cmpi eq, %iota3A_314, %eq3A_771 : vector<20x4096xi32>
    %jit3A_773 = arith.constant 0x7F800000 : f32
    %broadcast_in_dim3A_774 = vector.broadcast %jit3A_773 : f32 to vector<20x4096xf32>
    %select_n3A_775 = arith.select %eq3A_772, %broadcast_in_dim3A_774, %select_n3A_731 : vector<20x4096xi1>, vector<20x4096xf32>
    %reduce_min3A_776 = arith.constant dense<0x7F800000> : vector<20xf32>
    %reduce_min3A_777 = vector.multi_reduction <minimumf>, %select_n3A_775, %reduce_min3A_776 [1] : vector<20x4096xf32> to vector<20xf32>
    %broadcast_in_dim3A_778 = vector.shape_cast %reduce_min3A_777 : vector<20xf32> to vector<20x1xf32>
    %lt3A_779 = arith.constant 1.000000e+30 : f32
    %lt3A_780 = vector.broadcast %lt3A_779 : f32 to vector<20x1xf32>
    %lt3A_781 = arith.cmpf olt, %broadcast_in_dim3A_778, %lt3A_780 : vector<20x1xf32>
    %eq3A_782 = vector.broadcast %broadcast_in_dim3A_778 : vector<20x1xf32> to vector<20x4096xf32>
    %eq3A_783 = arith.cmpf oeq, %select_n3A_775, %eq3A_782 : vector<20x4096xf32>
    %jit3A_784 = arith.constant 1073741824 : i32
    %broadcast_in_dim3A_785 = vector.broadcast %jit3A_784 : i32 to vector<20x4096xi32>
    %select_n3A_786 = arith.select %eq3A_783, %iota3A_314, %broadcast_in_dim3A_785 : vector<20x4096xi1>, vector<20x4096xi32>
    %reduce_min3A_787 = arith.constant dense<2147483647> : vector<20xi32>
    %reduce_min3A_788 = vector.multi_reduction <minsi>, %select_n3A_786, %reduce_min3A_787 [1] : vector<20x4096xi32> to vector<20xi32>
    %broadcast_in_dim3A_789 = vector.shape_cast %reduce_min3A_788 : vector<20xi32> to vector<20x1xi32>
    %jit3A_790 = arith.constant 0x7F800000 : f32
    %broadcast_in_dim3A_791 = vector.broadcast %jit3A_790 : f32 to vector<20x1xf32>
    %select_n3A_792 = arith.select %lt3A_781, %broadcast_in_dim3A_778, %broadcast_in_dim3A_791 : vector<20x1xi1>, vector<20x1xf32>
    %swap3A_793 = arith.constant 0 : index
    %swap3A_794 = arith.constant 0 : index
    %swap3A_795 = arith.constant 13 : index
    %swap3A_796 = vector.load %arg4[%swap3A_793, %swap3A_794, %swap3A_795] : memref<1x20x20xf32, #tpu.memory_space<vmem>>, vector<1x20x1xf32>
    %swap3A_797 = vector.shape_cast %swap3A_796 : vector<1x20x1xf32> to vector<20x1xf32>
    %swap3A_798 = vector.shape_cast %select_n3A_792 : vector<20x1xf32> to vector<1x20x1xf32>
    tpu.vector_store %arg4[%swap3A_793, %swap3A_794, %swap3A_795], %swap3A_798 {strides = array<i32>} : memref<1x20x20xf32, #tpu.memory_space<vmem>>, vector<1x20x1xf32>,
    %mul3A_799 = arith.constant 20 : i32
    %mul3A_800 = vector.broadcast %mul3A_799 : i32 to vector<20x1xi32>
    %mul3A_801 = arith.muli %iota3A_315, %mul3A_800 : vector<20x1xi32>
    %add3A_802 = arith.constant 13 : i32
    %add3A_803 = vector.broadcast %add3A_802 : i32 to vector<20x1xi32>
    %add3A_804 = arith.addi %mul3A_801, %add3A_803 : vector<20x1xi32>
    %sub3A_805 = arith.constant -2 : i32
    %sub3A_806 = vector.broadcast %sub3A_805 : i32 to vector<20x1xi32>
    %sub3A_807 = arith.subi %sub3A_806, %add3A_804 : vector<20x1xi32>
    %select_n3A_808 = arith.select %lt3A_781, %broadcast_in_dim3A_789, %sub3A_807 : vector<20x1xi1>, vector<20x1xi32>
    %swap3A_809 = arith.constant 0 : index
    %swap3A_810 = arith.constant 0 : index
    %swap3A_811 = arith.constant 13 : index
    %swap3A_812 = vector.load %arg5[%swap3A_809, %swap3A_810, %swap3A_811] : memref<1x20x20xi32, #tpu.memory_space<vmem>>, vector<1x20x1xi32>
    %swap3A_813 = vector.shape_cast %swap3A_812 : vector<1x20x1xi32> to vector<20x1xi32>
    %swap3A_814 = vector.shape_cast %select_n3A_808 : vector<20x1xi32> to vector<1x20x1xi32>
    tpu.vector_store %arg5[%swap3A_809, %swap3A_810, %swap3A_811], %swap3A_814 {strides = array<i32>} : memref<1x20x20xi32, #tpu.memory_space<vmem>>, vector<1x20x1xi32>,
    %eq3A_815 = vector.broadcast %broadcast_in_dim3A_789 : vector<20x1xi32> to vector<20x4096xi32>
    %eq3A_816 = arith.cmpi eq, %iota3A_314, %eq3A_815 : vector<20x4096xi32>
    %jit3A_817 = arith.constant 0x7F800000 : f32
    %broadcast_in_dim3A_818 = vector.broadcast %jit3A_817 : f32 to vector<20x4096xf32>
    %select_n3A_819 = arith.select %eq3A_816, %broadcast_in_dim3A_818, %select_n3A_775 : vector<20x4096xi1>, vector<20x4096xf32>
    %reduce_min3A_820 = arith.constant dense<0x7F800000> : vector<20xf32>
    %reduce_min3A_821 = vector.multi_reduction <minimumf>, %select_n3A_819, %reduce_min3A_820 [1] : vector<20x4096xf32> to vector<20xf32>
    %broadcast_in_dim3A_822 = vector.shape_cast %reduce_min3A_821 : vector<20xf32> to vector<20x1xf32>
    %lt3A_823 = arith.constant 1.000000e+30 : f32
    %lt3A_824 = vector.broadcast %lt3A_823 : f32 to vector<20x1xf32>
    %lt3A_825 = arith.cmpf olt, %broadcast_in_dim3A_822, %lt3A_824 : vector<20x1xf32>
    %eq3A_826 = vector.broadcast %broadcast_in_dim3A_822 : vector<20x1xf32> to vector<20x4096xf32>
    %eq3A_827 = arith.cmpf oeq, %select_n3A_819, %eq3A_826 : vector<20x4096xf32>
    %jit3A_828 = arith.constant 1073741824 : i32
    %broadcast_in_dim3A_829 = vector.broadcast %jit3A_828 : i32 to vector<20x4096xi32>
    %select_n3A_830 = arith.select %eq3A_827, %iota3A_314, %broadcast_in_dim3A_829 : vector<20x4096xi1>, vector<20x4096xi32>
    %reduce_min3A_831 = arith.constant dense<2147483647> : vector<20xi32>
    %reduce_min3A_832 = vector.multi_reduction <minsi>, %select_n3A_830, %reduce_min3A_831 [1] : vector<20x4096xi32> to vector<20xi32>
    %broadcast_in_dim3A_833 = vector.shape_cast %reduce_min3A_832 : vector<20xi32> to vector<20x1xi32>
    %jit3A_834 = arith.constant 0x7F800000 : f32
    %broadcast_in_dim3A_835 = vector.broadcast %jit3A_834 : f32 to vector<20x1xf32>
    %select_n3A_836 = arith.select %lt3A_825, %broadcast_in_dim3A_822, %broadcast_in_dim3A_835 : vector<20x1xi1>, vector<20x1xf32>
    %swap3A_837 = arith.constant 0 : index
    %swap3A_838 = arith.constant 0 : index
    %swap3A_839 = arith.constant 14 : index
    %swap3A_840 = vector.load %arg4[%swap3A_837, %swap3A_838, %swap3A_839] : memref<1x20x20xf32, #tpu.memory_space<vmem>>, vector<1x20x1xf32>
    %swap3A_841 = vector.shape_cast %swap3A_840 : vector<1x20x1xf32> to vector<20x1xf32>
    %swap3A_842 = vector.shape_cast %select_n3A_836 : vector<20x1xf32> to vector<1x20x1xf32>
    tpu.vector_store %arg4[%swap3A_837, %swap3A_838, %swap3A_839], %swap3A_842 {strides = array<i32>} : memref<1x20x20xf32, #tpu.memory_space<vmem>>, vector<1x20x1xf32>,
    %mul3A_843 = arith.constant 20 : i32
    %mul3A_844 = vector.broadcast %mul3A_843 : i32 to vector<20x1xi32>
    %mul3A_845 = arith.muli %iota3A_315, %mul3A_844 : vector<20x1xi32>
    %add3A_846 = arith.constant 14 : i32
    %add3A_847 = vector.broadcast %add3A_846 : i32 to vector<20x1xi32>
    %add3A_848 = arith.addi %mul3A_845, %add3A_847 : vector<20x1xi32>
    %sub3A_849 = arith.constant -2 : i32
    %sub3A_850 = vector.broadcast %sub3A_849 : i32 to vector<20x1xi32>
    %sub3A_851 = arith.subi %sub3A_850, %add3A_848 : vector<20x1xi32>
    %select_n3A_852 = arith.select %lt3A_825, %broadcast_in_dim3A_833, %sub3A_851 : vector<20x1xi1>, vector<20x1xi32>
    %swap3A_853 = arith.constant 0 : index
    %swap3A_854 = arith.constant 0 : index
    %swap3A_855 = arith.constant 14 : index
    %swap3A_856 = vector.load %arg5[%swap3A_853, %swap3A_854, %swap3A_855] : memref<1x20x20xi32, #tpu.memory_space<vmem>>, vector<1x20x1xi32>
    %swap3A_857 = vector.shape_cast %swap3A_856 : vector<1x20x1xi32> to vector<20x1xi32>
    %swap3A_858 = vector.shape_cast %select_n3A_852 : vector<20x1xi32> to vector<1x20x1xi32>
    tpu.vector_store %arg5[%swap3A_853, %swap3A_854, %swap3A_855], %swap3A_858 {strides = array<i32>} : memref<1x20x20xi32, #tpu.memory_space<vmem>>, vector<1x20x1xi32>,
    %eq3A_859 = vector.broadcast %broadcast_in_dim3A_833 : vector<20x1xi32> to vector<20x4096xi32>
    %eq3A_860 = arith.cmpi eq, %iota3A_314, %eq3A_859 : vector<20x4096xi32>
    %jit3A_861 = arith.constant 0x7F800000 : f32
    %broadcast_in_dim3A_862 = vector.broadcast %jit3A_861 : f32 to vector<20x4096xf32>
    %select_n3A_863 = arith.select %eq3A_860, %broadcast_in_dim3A_862, %select_n3A_819 : vector<20x4096xi1>, vector<20x4096xf32>
    %reduce_min3A_864 = arith.constant dense<0x7F800000> : vector<20xf32>
    %reduce_min3A_865 = vector.multi_reduction <minimumf>, %select_n3A_863, %reduce_min3A_864 [1] : vector<20x4096xf32> to vector<20xf32>
    %broadcast_in_dim3A_866 = vector.shape_cast %reduce_min3A_865 : vector<20xf32> to vector<20x1xf32>
    %lt3A_867 = arith.constant 1.000000e+30 : f32
    %lt3A_868 = vector.broadcast %lt3A_867 : f32 to vector<20x1xf32>
    %lt3A_869 = arith.cmpf olt, %broadcast_in_dim3A_866, %lt3A_868 : vector<20x1xf32>
    %eq3A_870 = vector.broadcast %broadcast_in_dim3A_866 : vector<20x1xf32> to vector<20x4096xf32>
    %eq3A_871 = arith.cmpf oeq, %select_n3A_863, %eq3A_870 : vector<20x4096xf32>
    %jit3A_872 = arith.constant 1073741824 : i32
    %broadcast_in_dim3A_873 = vector.broadcast %jit3A_872 : i32 to vector<20x4096xi32>
    %select_n3A_874 = arith.select %eq3A_871, %iota3A_314, %broadcast_in_dim3A_873 : vector<20x4096xi1>, vector<20x4096xi32>
    %reduce_min3A_875 = arith.constant dense<2147483647> : vector<20xi32>
    %reduce_min3A_876 = vector.multi_reduction <minsi>, %select_n3A_874, %reduce_min3A_875 [1] : vector<20x4096xi32> to vector<20xi32>
    %broadcast_in_dim3A_877 = vector.shape_cast %reduce_min3A_876 : vector<20xi32> to vector<20x1xi32>
    %jit3A_878 = arith.constant 0x7F800000 : f32
    %broadcast_in_dim3A_879 = vector.broadcast %jit3A_878 : f32 to vector<20x1xf32>
    %select_n3A_880 = arith.select %lt3A_869, %broadcast_in_dim3A_866, %broadcast_in_dim3A_879 : vector<20x1xi1>, vector<20x1xf32>
    %swap3A_881 = arith.constant 0 : index
    %swap3A_882 = arith.constant 0 : index
    %swap3A_883 = arith.constant 15 : index
    %swap3A_884 = vector.load %arg4[%swap3A_881, %swap3A_882, %swap3A_883] : memref<1x20x20xf32, #tpu.memory_space<vmem>>, vector<1x20x1xf32>
    %swap3A_885 = vector.shape_cast %swap3A_884 : vector<1x20x1xf32> to vector<20x1xf32>
    %swap3A_886 = vector.shape_cast %select_n3A_880 : vector<20x1xf32> to vector<1x20x1xf32>
    tpu.vector_store %arg4[%swap3A_881, %swap3A_882, %swap3A_883], %swap3A_886 {strides = array<i32>} : memref<1x20x20xf32, #tpu.memory_space<vmem>>, vector<1x20x1xf32>,
    %mul3A_887 = arith.constant 20 : i32
    %mul3A_888 = vector.broadcast %mul3A_887 : i32 to vector<20x1xi32>
    %mul3A_889 = arith.muli %iota3A_315, %mul3A_888 : vector<20x1xi32>
    %add3A_890 = arith.constant 15 : i32
    %add3A_891 = vector.broadcast %add3A_890 : i32 to vector<20x1xi32>
    %add3A_892 = arith.addi %mul3A_889, %add3A_891 : vector<20x1xi32>
    %sub3A_893 = arith.constant -2 : i32
    %sub3A_894 = vector.broadcast %sub3A_893 : i32 to vector<20x1xi32>
    %sub3A_895 = arith.subi %sub3A_894, %add3A_892 : vector<20x1xi32>
    %select_n3A_896 = arith.select %lt3A_869, %broadcast_in_dim3A_877, %sub3A_895 : vector<20x1xi1>, vector<20x1xi32>
    %swap3A_897 = arith.constant 0 : index
    %swap3A_898 = arith.constant 0 : index
    %swap3A_899 = arith.constant 15 : index
    %swap3A_900 = vector.load %arg5[%swap3A_897, %swap3A_898, %swap3A_899] : memref<1x20x20xi32, #tpu.memory_space<vmem>>, vector<1x20x1xi32>
    %swap3A_901 = vector.shape_cast %swap3A_900 : vector<1x20x1xi32> to vector<20x1xi32>
    %swap3A_902 = vector.shape_cast %select_n3A_896 : vector<20x1xi32> to vector<1x20x1xi32>
    tpu.vector_store %arg5[%swap3A_897, %swap3A_898, %swap3A_899], %swap3A_902 {strides = array<i32>} : memref<1x20x20xi32, #tpu.memory_space<vmem>>, vector<1x20x1xi32>,
    %eq3A_903 = vector.broadcast %broadcast_in_dim3A_877 : vector<20x1xi32> to vector<20x4096xi32>
    %eq3A_904 = arith.cmpi eq, %iota3A_314, %eq3A_903 : vector<20x4096xi32>
    %jit3A_905 = arith.constant 0x7F800000 : f32
    %broadcast_in_dim3A_906 = vector.broadcast %jit3A_905 : f32 to vector<20x4096xf32>
    %select_n3A_907 = arith.select %eq3A_904, %broadcast_in_dim3A_906, %select_n3A_863 : vector<20x4096xi1>, vector<20x4096xf32>
    %reduce_min3A_908 = arith.constant dense<0x7F800000> : vector<20xf32>
    %reduce_min3A_909 = vector.multi_reduction <minimumf>, %select_n3A_907, %reduce_min3A_908 [1] : vector<20x4096xf32> to vector<20xf32>
    %broadcast_in_dim3A_910 = vector.shape_cast %reduce_min3A_909 : vector<20xf32> to vector<20x1xf32>
    %lt3A_911 = arith.constant 1.000000e+30 : f32
    %lt3A_912 = vector.broadcast %lt3A_911 : f32 to vector<20x1xf32>
    %lt3A_913 = arith.cmpf olt, %broadcast_in_dim3A_910, %lt3A_912 : vector<20x1xf32>
    %eq3A_914 = vector.broadcast %broadcast_in_dim3A_910 : vector<20x1xf32> to vector<20x4096xf32>
    %eq3A_915 = arith.cmpf oeq, %select_n3A_907, %eq3A_914 : vector<20x4096xf32>
    %jit3A_916 = arith.constant 1073741824 : i32
    %broadcast_in_dim3A_917 = vector.broadcast %jit3A_916 : i32 to vector<20x4096xi32>
    %select_n3A_918 = arith.select %eq3A_915, %iota3A_314, %broadcast_in_dim3A_917 : vector<20x4096xi1>, vector<20x4096xi32>
    %reduce_min3A_919 = arith.constant dense<2147483647> : vector<20xi32>
    %reduce_min3A_920 = vector.multi_reduction <minsi>, %select_n3A_918, %reduce_min3A_919 [1] : vector<20x4096xi32> to vector<20xi32>
    %broadcast_in_dim3A_921 = vector.shape_cast %reduce_min3A_920 : vector<20xi32> to vector<20x1xi32>
    %jit3A_922 = arith.constant 0x7F800000 : f32
    %broadcast_in_dim3A_923 = vector.broadcast %jit3A_922 : f32 to vector<20x1xf32>
    %select_n3A_924 = arith.select %lt3A_913, %broadcast_in_dim3A_910, %broadcast_in_dim3A_923 : vector<20x1xi1>, vector<20x1xf32>
    %swap3A_925 = arith.constant 0 : index
    %swap3A_926 = arith.constant 0 : index
    %swap3A_927 = arith.constant 16 : index
    %swap3A_928 = vector.load %arg4[%swap3A_925, %swap3A_926, %swap3A_927] : memref<1x20x20xf32, #tpu.memory_space<vmem>>, vector<1x20x1xf32>
    %swap3A_929 = vector.shape_cast %swap3A_928 : vector<1x20x1xf32> to vector<20x1xf32>
    %swap3A_930 = vector.shape_cast %select_n3A_924 : vector<20x1xf32> to vector<1x20x1xf32>
    tpu.vector_store %arg4[%swap3A_925, %swap3A_926, %swap3A_927], %swap3A_930 {strides = array<i32>} : memref<1x20x20xf32, #tpu.memory_space<vmem>>, vector<1x20x1xf32>,
    %mul3A_931 = arith.constant 20 : i32
    %mul3A_932 = vector.broadcast %mul3A_931 : i32 to vector<20x1xi32>
    %mul3A_933 = arith.muli %iota3A_315, %mul3A_932 : vector<20x1xi32>
    %add3A_934 = arith.constant 16 : i32
    %add3A_935 = vector.broadcast %add3A_934 : i32 to vector<20x1xi32>
    %add3A_936 = arith.addi %mul3A_933, %add3A_935 : vector<20x1xi32>
    %sub3A_937 = arith.constant -2 : i32
    %sub3A_938 = vector.broadcast %sub3A_937 : i32 to vector<20x1xi32>
    %sub3A_939 = arith.subi %sub3A_938, %add3A_936 : vector<20x1xi32>
    %select_n3A_940 = arith.select %lt3A_913, %broadcast_in_dim3A_921, %sub3A_939 : vector<20x1xi1>, vector<20x1xi32>
    %swap3A_941 = arith.constant 0 : index
    %swap3A_942 = arith.constant 0 : index
    %swap3A_943 = arith.constant 16 : index
    %swap3A_944 = vector.load %arg5[%swap3A_941, %swap3A_942, %swap3A_943] : memref<1x20x20xi32, #tpu.memory_space<vmem>>, vector<1x20x1xi32>
    %swap3A_945 = vector.shape_cast %swap3A_944 : vector<1x20x1xi32> to vector<20x1xi32>
    %swap3A_946 = vector.shape_cast %select_n3A_940 : vector<20x1xi32> to vector<1x20x1xi32>
    tpu.vector_store %arg5[%swap3A_941, %swap3A_942, %swap3A_943], %swap3A_946 {strides = array<i32>} : memref<1x20x20xi32, #tpu.memory_space<vmem>>, vector<1x20x1xi32>,
    %eq3A_947 = vector.broadcast %broadcast_in_dim3A_921 : vector<20x1xi32> to vector<20x4096xi32>
    %eq3A_948 = arith.cmpi eq, %iota3A_314, %eq3A_947 : vector<20x4096xi32>
    %jit3A_949 = arith.constant 0x7F800000 : f32
    %broadcast_in_dim3A_950 = vector.broadcast %jit3A_949 : f32 to vector<20x4096xf32>
    %select_n3A_951 = arith.select %eq3A_948, %broadcast_in_dim3A_950, %select_n3A_907 : vector<20x4096xi1>, vector<20x4096xf32>
    %reduce_min3A_952 = arith.constant dense<0x7F800000> : vector<20xf32>
    %reduce_min3A_953 = vector.multi_reduction <minimumf>, %select_n3A_951, %reduce_min3A_952 [1] : vector<20x4096xf32> to vector<20xf32>
    %broadcast_in_dim3A_954 = vector.shape_cast %reduce_min3A_953 : vector<20xf32> to vector<20x1xf32>
    %lt3A_955 = arith.constant 1.000000e+30 : f32
    %lt3A_956 = vector.broadcast %lt3A_955 : f32 to vector<20x1xf32>
    %lt3A_957 = arith.cmpf olt, %broadcast_in_dim3A_954, %lt3A_956 : vector<20x1xf32>
    %eq3A_958 = vector.broadcast %broadcast_in_dim3A_954 : vector<20x1xf32> to vector<20x4096xf32>
    %eq3A_959 = arith.cmpf oeq, %select_n3A_951, %eq3A_958 : vector<20x4096xf32>
    %jit3A_960 = arith.constant 1073741824 : i32
    %broadcast_in_dim3A_961 = vector.broadcast %jit3A_960 : i32 to vector<20x4096xi32>
    %select_n3A_962 = arith.select %eq3A_959, %iota3A_314, %broadcast_in_dim3A_961 : vector<20x4096xi1>, vector<20x4096xi32>
    %reduce_min3A_963 = arith.constant dense<2147483647> : vector<20xi32>
    %reduce_min3A_964 = vector.multi_reduction <minsi>, %select_n3A_962, %reduce_min3A_963 [1] : vector<20x4096xi32> to vector<20xi32>
    %broadcast_in_dim3A_965 = vector.shape_cast %reduce_min3A_964 : vector<20xi32> to vector<20x1xi32>
    %jit3A_966 = arith.constant 0x7F800000 : f32
    %broadcast_in_dim3A_967 = vector.broadcast %jit3A_966 : f32 to vector<20x1xf32>
    %select_n3A_968 = arith.select %lt3A_957, %broadcast_in_dim3A_954, %broadcast_in_dim3A_967 : vector<20x1xi1>, vector<20x1xf32>
    %swap3A_969 = arith.constant 0 : index
    %swap3A_970 = arith.constant 0 : index
    %swap3A_971 = arith.constant 17 : index
    %swap3A_972 = vector.load %arg4[%swap3A_969, %swap3A_970, %swap3A_971] : memref<1x20x20xf32, #tpu.memory_space<vmem>>, vector<1x20x1xf32>
    %swap3A_973 = vector.shape_cast %swap3A_972 : vector<1x20x1xf32> to vector<20x1xf32>
    %swap3A_974 = vector.shape_cast %select_n3A_968 : vector<20x1xf32> to vector<1x20x1xf32>
    tpu.vector_store %arg4[%swap3A_969, %swap3A_970, %swap3A_971], %swap3A_974 {strides = array<i32>} : memref<1x20x20xf32, #tpu.memory_space<vmem>>, vector<1x20x1xf32>,
    %mul3A_975 = arith.constant 20 : i32
    %mul3A_976 = vector.broadcast %mul3A_975 : i32 to vector<20x1xi32>
    %mul3A_977 = arith.muli %iota3A_315, %mul3A_976 : vector<20x1xi32>
    %add3A_978 = arith.constant 17 : i32
    %add3A_979 = vector.broadcast %add3A_978 : i32 to vector<20x1xi32>
    %add3A_980 = arith.addi %mul3A_977, %add3A_979 : vector<20x1xi32>
    %sub3A_981 = arith.constant -2 : i32
    %sub3A_982 = vector.broadcast %sub3A_981 : i32 to vector<20x1xi32>
    %sub3A_983 = arith.subi %sub3A_982, %add3A_980 : vector<20x1xi32>
    %select_n3A_984 = arith.select %lt3A_957, %broadcast_in_dim3A_965, %sub3A_983 : vector<20x1xi1>, vector<20x1xi32>
    %swap3A_985 = arith.constant 0 : index
    %swap3A_986 = arith.constant 0 : index
    %swap3A_987 = arith.constant 17 : index
    %swap3A_988 = vector.load %arg5[%swap3A_985, %swap3A_986, %swap3A_987] : memref<1x20x20xi32, #tpu.memory_space<vmem>>, vector<1x20x1xi32>
    %swap3A_989 = vector.shape_cast %swap3A_988 : vector<1x20x1xi32> to vector<20x1xi32>
    %swap3A_990 = vector.shape_cast %select_n3A_984 : vector<20x1xi32> to vector<1x20x1xi32>
    tpu.vector_store %arg5[%swap3A_985, %swap3A_986, %swap3A_987], %swap3A_990 {strides = array<i32>} : memref<1x20x20xi32, #tpu.memory_space<vmem>>, vector<1x20x1xi32>,
    %eq3A_991 = vector.broadcast %broadcast_in_dim3A_965 : vector<20x1xi32> to vector<20x4096xi32>
    %eq3A_992 = arith.cmpi eq, %iota3A_314, %eq3A_991 : vector<20x4096xi32>
    %jit3A_993 = arith.constant 0x7F800000 : f32
    %broadcast_in_dim3A_994 = vector.broadcast %jit3A_993 : f32 to vector<20x4096xf32>
    %select_n3A_995 = arith.select %eq3A_992, %broadcast_in_dim3A_994, %select_n3A_951 : vector<20x4096xi1>, vector<20x4096xf32>
    %reduce_min3A_996 = arith.constant dense<0x7F800000> : vector<20xf32>
    %reduce_min3A_997 = vector.multi_reduction <minimumf>, %select_n3A_995, %reduce_min3A_996 [1] : vector<20x4096xf32> to vector<20xf32>
    %broadcast_in_dim3A_998 = vector.shape_cast %reduce_min3A_997 : vector<20xf32> to vector<20x1xf32>
    %lt3A_999 = arith.constant 1.000000e+30 : f32
    %lt3A_1000 = vector.broadcast %lt3A_999 : f32 to vector<20x1xf32>
    %lt3A_1001 = arith.cmpf olt, %broadcast_in_dim3A_998, %lt3A_1000 : vector<20x1xf32>
    %eq3A_1002 = vector.broadcast %broadcast_in_dim3A_998 : vector<20x1xf32> to vector<20x4096xf32>
    %eq3A_1003 = arith.cmpf oeq, %select_n3A_995, %eq3A_1002 : vector<20x4096xf32>
    %jit3A_1004 = arith.constant 1073741824 : i32
    %broadcast_in_dim3A_1005 = vector.broadcast %jit3A_1004 : i32 to vector<20x4096xi32>
    %select_n3A_1006 = arith.select %eq3A_1003, %iota3A_314, %broadcast_in_dim3A_1005 : vector<20x4096xi1>, vector<20x4096xi32>
    %reduce_min3A_1007 = arith.constant dense<2147483647> : vector<20xi32>
    %reduce_min3A_1008 = vector.multi_reduction <minsi>, %select_n3A_1006, %reduce_min3A_1007 [1] : vector<20x4096xi32> to vector<20xi32>
    %broadcast_in_dim3A_1009 = vector.shape_cast %reduce_min3A_1008 : vector<20xi32> to vector<20x1xi32>
    %jit3A_1010 = arith.constant 0x7F800000 : f32
    %broadcast_in_dim3A_1011 = vector.broadcast %jit3A_1010 : f32 to vector<20x1xf32>
    %select_n3A_1012 = arith.select %lt3A_1001, %broadcast_in_dim3A_998, %broadcast_in_dim3A_1011 : vector<20x1xi1>, vector<20x1xf32>
    %swap3A_1013 = arith.constant 0 : index
    %swap3A_1014 = arith.constant 0 : index
    %swap3A_1015 = arith.constant 18 : index
    %swap3A_1016 = vector.load %arg4[%swap3A_1013, %swap3A_1014, %swap3A_1015] : memref<1x20x20xf32, #tpu.memory_space<vmem>>, vector<1x20x1xf32>
    %swap3A_1017 = vector.shape_cast %swap3A_1016 : vector<1x20x1xf32> to vector<20x1xf32>
    %swap3A_1018 = vector.shape_cast %select_n3A_1012 : vector<20x1xf32> to vector<1x20x1xf32>
    tpu.vector_store %arg4[%swap3A_1013, %swap3A_1014, %swap3A_1015], %swap3A_1018 {strides = array<i32>} : memref<1x20x20xf32, #tpu.memory_space<vmem>>, vector<1x20x1xf32>,
    %mul3A_1019 = arith.constant 20 : i32
    %mul3A_1020 = vector.broadcast %mul3A_1019 : i32 to vector<20x1xi32>
    %mul3A_1021 = arith.muli %iota3A_315, %mul3A_1020 : vector<20x1xi32>
    %add3A_1022 = arith.constant 18 : i32
    %add3A_1023 = vector.broadcast %add3A_1022 : i32 to vector<20x1xi32>
    %add3A_1024 = arith.addi %mul3A_1021, %add3A_1023 : vector<20x1xi32>
    %sub3A_1025 = arith.constant -2 : i32
    %sub3A_1026 = vector.broadcast %sub3A_1025 : i32 to vector<20x1xi32>
    %sub3A_1027 = arith.subi %sub3A_1026, %add3A_1024 : vector<20x1xi32>
    %select_n3A_1028 = arith.select %lt3A_1001, %broadcast_in_dim3A_1009, %sub3A_1027 : vector<20x1xi1>, vector<20x1xi32>
    %swap3A_1029 = arith.constant 0 : index
    %swap3A_1030 = arith.constant 0 : index
    %swap3A_1031 = arith.constant 18 : index
    %swap3A_1032 = vector.load %arg5[%swap3A_1029, %swap3A_1030, %swap3A_1031] : memref<1x20x20xi32, #tpu.memory_space<vmem>>, vector<1x20x1xi32>
    %swap3A_1033 = vector.shape_cast %swap3A_1032 : vector<1x20x1xi32> to vector<20x1xi32>
    %swap3A_1034 = vector.shape_cast %select_n3A_1028 : vector<20x1xi32> to vector<1x20x1xi32>
    tpu.vector_store %arg5[%swap3A_1029, %swap3A_1030, %swap3A_1031], %swap3A_1034 {strides = array<i32>} : memref<1x20x20xi32, #tpu.memory_space<vmem>>, vector<1x20x1xi32>,
    %eq3A_1035 = vector.broadcast %broadcast_in_dim3A_1009 : vector<20x1xi32> to vector<20x4096xi32>
    %eq3A_1036 = arith.cmpi eq, %iota3A_314, %eq3A_1035 : vector<20x4096xi32>
    %jit3A_1037 = arith.constant 0x7F800000 : f32
    %broadcast_in_dim3A_1038 = vector.broadcast %jit3A_1037 : f32 to vector<20x4096xf32>
    %select_n3A_1039 = arith.select %eq3A_1036, %broadcast_in_dim3A_1038, %select_n3A_995 : vector<20x4096xi1>, vector<20x4096xf32>
    %reduce_min3A_1040 = arith.constant dense<0x7F800000> : vector<20xf32>
    %reduce_min3A_1041 = vector.multi_reduction <minimumf>, %select_n3A_1039, %reduce_min3A_1040 [1] : vector<20x4096xf32> to vector<20xf32>
    %broadcast_in_dim3A_1042 = vector.shape_cast %reduce_min3A_1041 : vector<20xf32> to vector<20x1xf32>
    %lt3A_1043 = arith.constant 1.000000e+30 : f32
    %lt3A_1044 = vector.broadcast %lt3A_1043 : f32 to vector<20x1xf32>
    %lt3A_1045 = arith.cmpf olt, %broadcast_in_dim3A_1042, %lt3A_1044 : vector<20x1xf32>
    %eq3A_1046 = vector.broadcast %broadcast_in_dim3A_1042 : vector<20x1xf32> to vector<20x4096xf32>
    %eq3A_1047 = arith.cmpf oeq, %select_n3A_1039, %eq3A_1046 : vector<20x4096xf32>
    %jit3A_1048 = arith.constant 1073741824 : i32
    %broadcast_in_dim3A_1049 = vector.broadcast %jit3A_1048 : i32 to vector<20x4096xi32>
    %select_n3A_1050 = arith.select %eq3A_1047, %iota3A_314, %broadcast_in_dim3A_1049 : vector<20x4096xi1>, vector<20x4096xi32>
    %reduce_min3A_1051 = arith.constant dense<2147483647> : vector<20xi32>
    %reduce_min3A_1052 = vector.multi_reduction <minsi>, %select_n3A_1050, %reduce_min3A_1051 [1] : vector<20x4096xi32> to vector<20xi32>
    %broadcast_in_dim3A_1053 = vector.shape_cast %reduce_min3A_1052 : vector<20xi32> to vector<20x1xi32>
    %jit3A_1054 = arith.constant 0x7F800000 : f32
    %broadcast_in_dim3A_1055 = vector.broadcast %jit3A_1054 : f32 to vector<20x1xf32>
    %select_n3A_1056 = arith.select %lt3A_1045, %broadcast_in_dim3A_1042, %broadcast_in_dim3A_1055 : vector<20x1xi1>, vector<20x1xf32>
    %swap3A_1057 = arith.constant 0 : index
    %swap3A_1058 = arith.constant 0 : index
    %swap3A_1059 = arith.constant 19 : index
    %swap3A_1060 = vector.load %arg4[%swap3A_1057, %swap3A_1058, %swap3A_1059] : memref<1x20x20xf32, #tpu.memory_space<vmem>>, vector<1x20x1xf32>
    %swap3A_1061 = vector.shape_cast %swap3A_1060 : vector<1x20x1xf32> to vector<20x1xf32>
    %swap3A_1062 = vector.shape_cast %select_n3A_1056 : vector<20x1xf32> to vector<1x20x1xf32>
    tpu.vector_store %arg4[%swap3A_1057, %swap3A_1058, %swap3A_1059], %swap3A_1062 {strides = array<i32>} : memref<1x20x20xf32, #tpu.memory_space<vmem>>, vector<1x20x1xf32>,
    %mul3A_1063 = arith.constant 20 : i32
    %mul3A_1064 = vector.broadcast %mul3A_1063 : i32 to vector<20x1xi32>
    %mul3A_1065 = arith.muli %iota3A_315, %mul3A_1064 : vector<20x1xi32>
    %add3A_1066 = arith.constant 19 : i32
    %add3A_1067 = vector.broadcast %add3A_1066 : i32 to vector<20x1xi32>
    %add3A_1068 = arith.addi %mul3A_1065, %add3A_1067 : vector<20x1xi32>
    %sub3A_1069 = arith.constant -2 : i32
    %sub3A_1070 = vector.broadcast %sub3A_1069 : i32 to vector<20x1xi32>
    %sub3A_1071 = arith.subi %sub3A_1070, %add3A_1068 : vector<20x1xi32>
    %select_n3A_1072 = arith.select %lt3A_1045, %broadcast_in_dim3A_1053, %sub3A_1071 : vector<20x1xi1>, vector<20x1xi32>
    %swap3A_1073 = arith.constant 0 : index
    %swap3A_1074 = arith.constant 0 : index
    %swap3A_1075 = arith.constant 19 : index
    %swap3A_1076 = vector.load %arg5[%swap3A_1073, %swap3A_1074, %swap3A_1075] : memref<1x20x20xi32, #tpu.memory_space<vmem>>, vector<1x20x1xi32>
    %swap3A_1077 = vector.shape_cast %swap3A_1076 : vector<1x20x1xi32> to vector<20x1xi32>
    %swap3A_1078 = vector.shape_cast %select_n3A_1072 : vector<20x1xi32> to vector<1x20x1xi32>
    tpu.vector_store %arg5[%swap3A_1073, %swap3A_1074, %swap3A_1075], %swap3A_1078 {strides = array<i32>} : memref<1x20x20xi32, #tpu.memory_space<vmem>>, vector<1x20x1xi32>,
    return
  }
  func.func @transform_0(%arg0: i32) -> (i32, i32, i32) {
    %c0_i32 = arith.constant 0 : i32
    %c0_i32_0 = arith.constant 0 : i32
    %c0_i32_1 = arith.constant 0 : i32
    return %arg0, %c0_i32, %c0_i32_0 : i32, i32, i32
  }
  func.func @transform_1(%arg0: i32) -> (i32, i32, i32) {
    %c0_i32 = arith.constant 0 : i32
    %c0_i32_0 = arith.constant 0 : i32
    %c0_i32_1 = arith.constant 0 : i32
    return %arg0, %c0_i32, %c0_i32_0 : i32, i32, i32
  }
  func.func @transform_2(%arg0: i32) -> (i32, i32, i32) {
    %c0_i32 = arith.constant 0 : i32
    %c0_i32_0 = arith.constant 0 : i32
    %c0_i32_1 = arith.constant 0 : i32
    return %arg0, %c0_i32, %c0_i32_0 : i32, i32, i32
  }
  func.func @transform_3(%arg0: i32) -> (i32, i32, i32) {
    %c0_i32 = arith.constant 0 : i32
    %c0_i32_0 = arith.constant 0 : i32
    %c0_i32_1 = arith.constant 0 : i32
    return %arg0, %c0_i32, %c0_i32_0 : i32, i32, i32
  }
  func.func @transform_4(%arg0: i32) -> (i32, i32, i32) {
    %c0_i32 = arith.constant 0 : i32
    %c0_i32_0 = arith.constant 0 : i32
    %c0_i32_1 = arith.constant 0 : i32
    return %arg0, %c0_i32, %c0_i32_0 : i32, i32, i32
  }
  func.func @transform_5(%arg0: i32) -> (i32, i32, i32) {
    %c0_i32 = arith.constant 0 : i32
    %c0_i32_0 = arith.constant 0 : i32
    %c0_i32_1 = arith.constant 0 : i32
    return %arg0, %c0_i32, %c0_i32_0 : i32, i32, i32
  }
}

module attributes {stable_mosaic.version = 14 : i64} {
  func.func @_final_body(%arg0: i32, %arg1: memref<1x64x1xi32, #tpu.memory_space<vmem>>, %arg2: memref<1x4096x84xf32, #tpu.memory_space<vmem>>, %arg3: memref<1x20x4xf32, #tpu.memory_space<vmem>>, %arg4: memref<1x20x1xi32, #tpu.memory_space<vmem>>, %arg5: memref<1x1x128xf32, #tpu.memory_space<vmem>>, %arg6: memref<1x128xf32, #tpu.memory_space<vmem>>, %arg7: memref<8xf32, #tpu.memory_space<smem>>) attributes {dimension_semantics = [#tpu.dimension_semantics<arbitrary>], iteration_bounds = array<i64: 16>, scalar_prefetch = 0 : i64, scratch_operands = 1 : i64, tpu.core_type = #tpu.core_type<tc>, window_params = [{transform_indices = @transform_0, window_bounds = array<i64: 1, 64, 1>}, {transform_indices = @transform_1, window_bounds = array<i64: 1, 4096, 84>}, {transform_indices = @transform_2, window_bounds = array<i64: 1, 20, 4>}, {transform_indices = @transform_3, window_bounds = array<i64: 1, 20, 1>}, {transform_indices = @transform_4, window_bounds = array<i64: 1, 1, 128>}, {pipeline_mode = #tpu.pipeline_mode<synchronous>, transform_indices = @transform_5, window_bounds = array<i64: 1, 128>}]} {
    %get3A = arith.constant 0 : index
    %get3A_0 = arith.constant 0 : index
    %get3A_1 = arith.constant 0 : index
    %get3A_2 = vector.load %arg2[%get3A, %get3A_0, %get3A_1] : memref<1x4096x84xf32, #tpu.memory_space<vmem>>, vector<1x4096x84xf32>
    %get3A_3 = vector.shape_cast %get3A_2 : vector<1x4096x84xf32> to vector<4096x84xf32>
    %get3A_4 = arith.constant 0 : index
    %get3A_5 = arith.constant 0 : index
    %get3A_6 = arith.constant 0 : index
    %get3A_7 = vector.load %arg1[%get3A_4, %get3A_5, %get3A_6] : memref<1x64x1xi32, #tpu.memory_space<vmem>>, vector<1x64x1xi32>
    %get3A_8 = vector.shape_cast %get3A_7 : vector<1x64x1xi32> to vector<64x1xi32>
    %slice3A = vector.extract_strided_slice %get3A_8 {offsets = [0, 0], sizes = [20, 1], strides = [1, 1]} : vector<64x1xi32> to vector<20x1xi32>
    %slice3A_9 = vector.extract_strided_slice %get3A_8 {offsets = [32, 0], sizes = [20, 1], strides = [1, 1]} : vector<64x1xi32> to vector<20x1xi32>
    %ge3A = arith.constant 0 : i32
    %ge3A_10 = vector.broadcast %ge3A : i32 to vector<20x1xi32>
    %ge3A_11 = arith.cmpi sge, %slice3A, %ge3A_10 : vector<20x1xi32>
    %get3A_12 = arith.constant 0 : index
    %get3A_13 = arith.constant 0 : index
    %get3A_14 = arith.constant 0 : index
    %get3A_15 = vector.load %arg4[%get3A_12, %get3A_13, %get3A_14] : memref<1x20x1xi32, #tpu.memory_space<vmem>>, vector<1x20x1xi32>
    %get3A_16 = vector.shape_cast %get3A_15 : vector<1x20x1xi32> to vector<20x1xi32>
    %iota3A = tpu.iota {dimensions = array<i32: 1>} : vector<20x4096xi32>
    %eq3A = vector.broadcast %slice3A_9 : vector<20x1xi32> to vector<20x4096xi32>
    %eq3A_17 = arith.cmpi eq, %iota3A, %eq3A : vector<20x4096xi32>
    %convert_element_type3A = arith.extui %eq3A_17 : vector<20x4096xi1> to vector<20x4096xi32>
    %convert_element_type3A_18 = arith.sitofp %convert_element_type3A : vector<20x4096xi32> to vector<20x4096xf32>
    %dot_general3A = arith.constant dense<0.000000e+00> : vector<20x84xf32>
    %dot_general3A_19 = tpu.matmul %convert_element_type3A_18, %get3A_3, %dot_general3A {dimension_numbers = #tpu.dot_dimension_numbers<[1], [0], [0], [1], [0, 0, 1, 1], [], []>, transpose_lhs_hint = false} : vector<20x4096xf32>, vector<4096x84xf32>, vector<20x84xf32> -> vector<20x84xf32>
    %slice3A_20 = vector.extract_strided_slice %dot_general3A_19 {offsets = [0, 0], sizes = [20, 1], strides = [1, 1]} : vector<20x84xf32> to vector<20x1xf32>
    %slice3A_21 = vector.extract_strided_slice %dot_general3A_19 {offsets = [0, 1], sizes = [20, 1], strides = [1, 1]} : vector<20x84xf32> to vector<20x1xf32>
    %slice3A_22 = vector.extract_strided_slice %dot_general3A_19 {offsets = [0, 2], sizes = [20, 1], strides = [1, 1]} : vector<20x84xf32> to vector<20x1xf32>
    %slice3A_23 = vector.extract_strided_slice %dot_general3A_19 {offsets = [0, 3], sizes = [20, 1], strides = [1, 1]} : vector<20x84xf32> to vector<20x1xf32>
    %iota3A_24 = tpu.iota {dimensions = array<i32: 1>} : vector<20x84xi32>
    %add3A = arith.constant 4 : i32
    %add3A_25 = vector.broadcast %add3A : i32 to vector<20x1xi32>
    %add3A_26 = arith.addi %get3A_16, %add3A_25 : vector<20x1xi32>
    %eq3A_27 = vector.broadcast %add3A_26 : vector<20x1xi32> to vector<20x84xi32>
    %eq3A_28 = arith.cmpi eq, %iota3A_24, %eq3A_27 : vector<20x84xi32>
    %convert_element_type3A_29 = arith.extui %eq3A_28 : vector<20x84xi1> to vector<20x84xi32>
    %convert_element_type3A_30 = arith.sitofp %convert_element_type3A_29 : vector<20x84xi32> to vector<20x84xf32>
    %mul3A = arith.mulf %dot_general3A_19, %convert_element_type3A_30 : vector<20x84xf32>
    %reduce_sum3A = arith.constant dense<0.000000e+00> : vector<20xf32>
    %reduce_sum3A_31 = vector.multi_reduction <add>, %mul3A, %reduce_sum3A [1] : vector<20x84xf32> to vector<20xf32>
    %broadcast_in_dim3A = vector.shape_cast %reduce_sum3A_31 : vector<20xf32> to vector<20x1xf32>
    %jit3A = arith.constant 64 : i32
    %eq3A_32 = arith.constant 0 : i32
    %eq3A_33 = arith.cmpi eq, %jit3A, %eq3A_32 : i32
    %jit3A_34 = arith.constant 1 : i32
    %select_n3A = arith.select %eq3A_33, %jit3A_34, %jit3A : i32
    %rem3A = vector.broadcast %select_n3A : i32 to vector<20x1xi32>
    %rem3A_35 = arith.remsi %slice3A_9, %rem3A : vector<20x1xi32>
    %ne3A = arith.constant 0 : i32
    %ne3A_36 = vector.broadcast %ne3A : i32 to vector<20x1xi32>
    %ne3A_37 = arith.cmpi ne, %rem3A_35, %ne3A_36 : vector<20x1xi32>
    %lt3A = arith.constant 0 : i32
    %lt3A_38 = vector.broadcast %lt3A : i32 to vector<20x1xi32>
    %lt3A_39 = arith.cmpi slt, %rem3A_35, %lt3A_38 : vector<20x1xi32>
    %lt3A_40 = arith.constant 0 : i32
    %lt3A_41 = arith.cmpi slt, %select_n3A, %lt3A_40 : i32
    %ne3A_42 = vector.broadcast %lt3A_41 : i1 to vector<20x1xi1>
    %ne3A_43 = vector.broadcast %ne3A_42 : vector<20x1xi1> to vector<20x1xi1>
    %ne3A_44 = arith.xori %lt3A_39, %ne3A_43 : vector<20x1xi1>
    %and3A = arith.andi %ne3A_44, %ne3A_37 : vector<20x1xi1>
    %add3A_45 = vector.broadcast %select_n3A : i32 to vector<20x1xi32>
    %add3A_46 = arith.addi %rem3A_35, %add3A_45 : vector<20x1xi32>
    %select_n3A_47 = arith.select %and3A, %add3A_46, %rem3A_35 : vector<20x1xi1>, vector<20x1xi32>
    %convert_element_type3A_48 = arith.sitofp %select_n3A_47 : vector<20x1xi32> to vector<20x1xf32>
    %jit3A_49 = arith.constant 64 : i32
    %div3A = vector.broadcast %jit3A_49 : i32 to vector<20x1xi32>
    %div3A_50 = arith.divsi %slice3A_9, %div3A : vector<20x1xi32>
    %sign3A = arith.constant 0 : i32
    %sign3A_51 = vector.broadcast %sign3A : i32 to vector<20x1xi32>
    %sign3A_52 = arith.cmpi sgt, %slice3A_9, %sign3A_51 : vector<20x1xi32>
    %sign3A_53 = arith.extui %sign3A_52 : vector<20x1xi1> to vector<20x1xi32>
    %sign3A_54 = arith.constant 0 : i32
    %sign3A_55 = vector.broadcast %sign3A_54 : i32 to vector<20x1xi32>
    %sign3A_56 = arith.cmpi slt, %slice3A_9, %sign3A_55 : vector<20x1xi32>
    %sign3A_57 = arith.extui %sign3A_56 : vector<20x1xi1> to vector<20x1xi32>
    %sign3A_58 = arith.subi %sign3A_53, %sign3A_57 : vector<20x1xi32>
    %sign3A_59 = arith.constant 0 : i32
    %sign3A_60 = arith.cmpi sgt, %jit3A_49, %sign3A_59 : i32
    %sign3A_61 = arith.extui %sign3A_60 : i1 to i32
    %sign3A_62 = arith.constant 0 : i32
    %sign3A_63 = arith.cmpi slt, %jit3A_49, %sign3A_62 : i32
    %sign3A_64 = arith.extui %sign3A_63 : i1 to i32
    %sign3A_65 = arith.subi %sign3A_61, %sign3A_64 : i32
    %ne3A_66 = vector.broadcast %sign3A_65 : i32 to vector<20x1xi32>
    %ne3A_67 = arith.cmpi ne, %sign3A_58, %ne3A_66 : vector<20x1xi32>
    %rem3A_68 = vector.broadcast %jit3A_49 : i32 to vector<20x1xi32>
    %rem3A_69 = arith.remsi %slice3A_9, %rem3A_68 : vector<20x1xi32>
    %ne3A_70 = arith.constant 0 : i32
    %ne3A_71 = vector.broadcast %ne3A_70 : i32 to vector<20x1xi32>
    %ne3A_72 = arith.cmpi ne, %rem3A_69, %ne3A_71 : vector<20x1xi32>
    %and3A_73 = arith.andi %ne3A_67, %ne3A_72 : vector<20x1xi1>
    %sub3A = arith.constant 1 : i32
    %sub3A_74 = vector.broadcast %sub3A : i32 to vector<20x1xi32>
    %sub3A_75 = arith.subi %div3A_50, %sub3A_74 : vector<20x1xi32>
    %select_n3A_76 = arith.select %and3A_73, %sub3A_75, %div3A_50 : vector<20x1xi1>, vector<20x1xi32>
    %convert_element_type3A_77 = arith.sitofp %select_n3A_76 : vector<20x1xi32> to vector<20x1xf32>
    %neg3A = arith.constant 0.000000e+00 : f32
    %neg3A_78 = vector.broadcast %neg3A : f32 to vector<20x1xf32>
    %neg3A_79 = arith.subf %neg3A_78, %slice3A_20 : vector<20x1xf32>
    %exp3A = math.exp %neg3A_79 : vector<20x1xf32>
    %add3A_80 = arith.constant 1.000000e+00 : f32
    %add3A_81 = vector.broadcast %add3A_80 : f32 to vector<20x1xf32>
    %add3A_82 = arith.addf %add3A_81, %exp3A : vector<20x1xf32>
    %div3A_83 = arith.constant 1.000000e+00 : f32
    %div3A_84 = vector.broadcast %div3A_83 : f32 to vector<20x1xf32>
    %div3A_85 = arith.divf %div3A_84, %add3A_82 : vector<20x1xf32>
    %mul3A_86 = arith.constant 2.000000e+00 : f32
    %mul3A_87 = vector.broadcast %mul3A_86 : f32 to vector<20x1xf32>
    %mul3A_88 = arith.mulf %div3A_85, %mul3A_87 : vector<20x1xf32>
    %sub3A_89 = arith.constant 5.000000e-01 : f32
    %sub3A_90 = vector.broadcast %sub3A_89 : f32 to vector<20x1xf32>
    %sub3A_91 = arith.subf %mul3A_88, %sub3A_90 : vector<20x1xf32>
    %add3A_92 = arith.addf %sub3A_91, %convert_element_type3A_48 : vector<20x1xf32>
    %mul3A_93 = arith.constant 8.000000e+00 : f32
    %mul3A_94 = vector.broadcast %mul3A_93 : f32 to vector<20x1xf32>
    %mul3A_95 = arith.mulf %add3A_92, %mul3A_94 : vector<20x1xf32>
    %neg3A_96 = arith.constant 0.000000e+00 : f32
    %neg3A_97 = vector.broadcast %neg3A_96 : f32 to vector<20x1xf32>
    %neg3A_98 = arith.subf %neg3A_97, %slice3A_21 : vector<20x1xf32>
    %exp3A_99 = math.exp %neg3A_98 : vector<20x1xf32>
    %add3A_100 = arith.constant 1.000000e+00 : f32
    %add3A_101 = vector.broadcast %add3A_100 : f32 to vector<20x1xf32>
    %add3A_102 = arith.addf %add3A_101, %exp3A_99 : vector<20x1xf32>
    %div3A_103 = arith.constant 1.000000e+00 : f32
    %div3A_104 = vector.broadcast %div3A_103 : f32 to vector<20x1xf32>
    %div3A_105 = arith.divf %div3A_104, %add3A_102 : vector<20x1xf32>
    %mul3A_106 = arith.constant 2.000000e+00 : f32
    %mul3A_107 = vector.broadcast %mul3A_106 : f32 to vector<20x1xf32>
    %mul3A_108 = arith.mulf %div3A_105, %mul3A_107 : vector<20x1xf32>
    %sub3A_109 = arith.constant 5.000000e-01 : f32
    %sub3A_110 = vector.broadcast %sub3A_109 : f32 to vector<20x1xf32>
    %sub3A_111 = arith.subf %mul3A_108, %sub3A_110 : vector<20x1xf32>
    %add3A_112 = arith.addf %sub3A_111, %convert_element_type3A_77 : vector<20x1xf32>
    %mul3A_113 = arith.constant 8.000000e+00 : f32
    %mul3A_114 = vector.broadcast %mul3A_113 : f32 to vector<20x1xf32>
    %mul3A_115 = arith.mulf %add3A_112, %mul3A_114 : vector<20x1xf32>
    %max3A = arith.constant 0.000000e+00 : f32
    %max3A_116 = vector.broadcast %max3A : f32 to vector<20x1xf32>
    %max3A_117 = arith.maximumf %slice3A_22, %max3A_116 : vector<20x1xf32>
    %abs3A = math.absf %slice3A_22 : vector<20x1xf32>
    %neg3A_118 = arith.constant 0.000000e+00 : f32
    %neg3A_119 = vector.broadcast %neg3A_118 : f32 to vector<20x1xf32>
    %neg3A_120 = arith.subf %neg3A_119, %abs3A : vector<20x1xf32>
    %exp3A_121 = math.exp %neg3A_120 : vector<20x1xf32>
    %add3A_122 = arith.constant 1.000000e+00 : f32
    %add3A_123 = vector.broadcast %add3A_122 : f32 to vector<20x1xf32>
    %add3A_124 = arith.addf %add3A_123, %exp3A_121 : vector<20x1xf32>
    %log3A = math.log %add3A_124 : vector<20x1xf32>
    %add3A_125 = arith.addf %max3A_117, %log3A : vector<20x1xf32>
    %mul3A_126 = arith.constant 8.000000e+00 : f32
    %mul3A_127 = vector.broadcast %mul3A_126 : f32 to vector<20x1xf32>
    %mul3A_128 = arith.mulf %add3A_125, %mul3A_127 : vector<20x1xf32>
    %max3A_129 = arith.constant 0.000000e+00 : f32
    %max3A_130 = vector.broadcast %max3A_129 : f32 to vector<20x1xf32>
    %max3A_131 = arith.maximumf %slice3A_23, %max3A_130 : vector<20x1xf32>
    %abs3A_132 = math.absf %slice3A_23 : vector<20x1xf32>
    %neg3A_133 = arith.constant 0.000000e+00 : f32
    %neg3A_134 = vector.broadcast %neg3A_133 : f32 to vector<20x1xf32>
    %neg3A_135 = arith.subf %neg3A_134, %abs3A_132 : vector<20x1xf32>
    %exp3A_136 = math.exp %neg3A_135 : vector<20x1xf32>
    %add3A_137 = arith.constant 1.000000e+00 : f32
    %add3A_138 = vector.broadcast %add3A_137 : f32 to vector<20x1xf32>
    %add3A_139 = arith.addf %add3A_138, %exp3A_136 : vector<20x1xf32>
    %log3A_140 = math.log %add3A_139 : vector<20x1xf32>
    %add3A_141 = arith.addf %max3A_131, %log3A_140 : vector<20x1xf32>
    %mul3A_142 = arith.constant 8.000000e+00 : f32
    %mul3A_143 = vector.broadcast %mul3A_142 : f32 to vector<20x1xf32>
    %mul3A_144 = arith.mulf %add3A_141, %mul3A_143 : vector<20x1xf32>
    %mul3A_145 = arith.constant 5.000000e-01 : f32
    %mul3A_146 = vector.broadcast %mul3A_145 : f32 to vector<20x1xf32>
    %mul3A_147 = arith.mulf %mul3A_146, %mul3A_128 : vector<20x1xf32>
    %sub3A_148 = arith.subf %mul3A_95, %mul3A_147 : vector<20x1xf32>
    %mul3A_149 = arith.constant 5.000000e-01 : f32
    %mul3A_150 = vector.broadcast %mul3A_149 : f32 to vector<20x1xf32>
    %mul3A_151 = arith.mulf %mul3A_150, %mul3A_128 : vector<20x1xf32>
    %add3A_152 = arith.addf %mul3A_95, %mul3A_151 : vector<20x1xf32>
    %mul3A_153 = arith.constant 5.000000e-01 : f32
    %mul3A_154 = vector.broadcast %mul3A_153 : f32 to vector<20x1xf32>
    %mul3A_155 = arith.mulf %mul3A_154, %mul3A_144 : vector<20x1xf32>
    %sub3A_156 = arith.subf %mul3A_115, %mul3A_155 : vector<20x1xf32>
    %mul3A_157 = arith.constant 5.000000e-01 : f32
    %mul3A_158 = vector.broadcast %mul3A_157 : f32 to vector<20x1xf32>
    %mul3A_159 = arith.mulf %mul3A_158, %mul3A_144 : vector<20x1xf32>
    %add3A_160 = arith.addf %mul3A_115, %mul3A_159 : vector<20x1xf32>
    %get3A_161 = arith.constant 0 : index
    %get3A_162 = arith.constant 0 : index
    %get3A_163 = arith.constant 0 : index
    %get3A_164 = vector.load %arg3[%get3A_161, %get3A_162, %get3A_163] : memref<1x20x4xf32, #tpu.memory_space<vmem>>, vector<1x20x4xf32>
    %get3A_165 = vector.shape_cast %get3A_164 : vector<1x20x4xf32> to vector<20x4xf32>
    %slice3A_166 = vector.extract_strided_slice %get3A_165 {offsets = [0, 0], sizes = [20, 1], strides = [1, 1]} : vector<20x4xf32> to vector<20x1xf32>
    %mul3A_167 = arith.constant 5.120000e+02 : f32
    %mul3A_168 = vector.broadcast %mul3A_167 : f32 to vector<20x1xf32>
    %mul3A_169 = arith.mulf %slice3A_166, %mul3A_168 : vector<20x1xf32>
    %slice3A_170 = vector.extract_strided_slice %get3A_165 {offsets = [0, 1], sizes = [20, 1], strides = [1, 1]} : vector<20x4xf32> to vector<20x1xf32>
    %mul3A_171 = arith.constant 5.120000e+02 : f32
    %mul3A_172 = vector.broadcast %mul3A_171 : f32 to vector<20x1xf32>
    %mul3A_173 = arith.mulf %slice3A_170, %mul3A_172 : vector<20x1xf32>
    %slice3A_174 = vector.extract_strided_slice %get3A_165 {offsets = [0, 2], sizes = [20, 1], strides = [1, 1]} : vector<20x4xf32> to vector<20x1xf32>
    %mul3A_175 = arith.constant 5.120000e+02 : f32
    %mul3A_176 = vector.broadcast %mul3A_175 : f32 to vector<20x1xf32>
    %mul3A_177 = arith.mulf %slice3A_174, %mul3A_176 : vector<20x1xf32>
    %slice3A_178 = vector.extract_strided_slice %get3A_165 {offsets = [0, 3], sizes = [20, 1], strides = [1, 1]} : vector<20x4xf32> to vector<20x1xf32>
    %mul3A_179 = arith.constant 5.120000e+02 : f32
    %mul3A_180 = vector.broadcast %mul3A_179 : f32 to vector<20x1xf32>
    %mul3A_181 = arith.mulf %slice3A_178, %mul3A_180 : vector<20x1xf32>
    %mul3A_182 = arith.constant 5.000000e-01 : f32
    %mul3A_183 = vector.broadcast %mul3A_182 : f32 to vector<20x1xf32>
    %mul3A_184 = arith.mulf %mul3A_183, %mul3A_177 : vector<20x1xf32>
    %sub3A_185 = arith.subf %mul3A_169, %mul3A_184 : vector<20x1xf32>
    %mul3A_186 = arith.constant 5.000000e-01 : f32
    %mul3A_187 = vector.broadcast %mul3A_186 : f32 to vector<20x1xf32>
    %mul3A_188 = arith.mulf %mul3A_187, %mul3A_177 : vector<20x1xf32>
    %add3A_189 = arith.addf %mul3A_169, %mul3A_188 : vector<20x1xf32>
    %mul3A_190 = arith.constant 5.000000e-01 : f32
    %mul3A_191 = vector.broadcast %mul3A_190 : f32 to vector<20x1xf32>
    %mul3A_192 = arith.mulf %mul3A_191, %mul3A_181 : vector<20x1xf32>
    %sub3A_193 = arith.subf %mul3A_173, %mul3A_192 : vector<20x1xf32>
    %mul3A_194 = arith.constant 5.000000e-01 : f32
    %mul3A_195 = vector.broadcast %mul3A_194 : f32 to vector<20x1xf32>
    %mul3A_196 = arith.mulf %mul3A_195, %mul3A_181 : vector<20x1xf32>
    %add3A_197 = arith.addf %mul3A_173, %mul3A_196 : vector<20x1xf32>
    %sub3A_198 = arith.subf %add3A_152, %sub3A_148 : vector<20x1xf32>
    %max3A_199 = arith.constant 1.000000e-07 : f32
    %max3A_200 = vector.broadcast %max3A_199 : f32 to vector<20x1xf32>
    %max3A_201 = arith.maximumf %sub3A_198, %max3A_200 : vector<20x1xf32>
    %sub3A_202 = arith.subf %add3A_160, %sub3A_156 : vector<20x1xf32>
    %max3A_203 = arith.constant 1.000000e-07 : f32
    %max3A_204 = vector.broadcast %max3A_203 : f32 to vector<20x1xf32>
    %max3A_205 = arith.maximumf %sub3A_202, %max3A_204 : vector<20x1xf32>
    %sub3A_206 = arith.subf %add3A_189, %sub3A_185 : vector<20x1xf32>
    %max3A_207 = arith.constant 1.000000e-07 : f32
    %max3A_208 = vector.broadcast %max3A_207 : f32 to vector<20x1xf32>
    %max3A_209 = arith.maximumf %sub3A_206, %max3A_208 : vector<20x1xf32>
    %sub3A_210 = arith.subf %add3A_197, %sub3A_193 : vector<20x1xf32>
    %max3A_211 = arith.constant 1.000000e-07 : f32
    %max3A_212 = vector.broadcast %max3A_211 : f32 to vector<20x1xf32>
    %max3A_213 = arith.maximumf %sub3A_210, %max3A_212 : vector<20x1xf32>
    %min3A = arith.minimumf %add3A_152, %add3A_189 : vector<20x1xf32>
    %max3A_214 = arith.maximumf %sub3A_148, %sub3A_185 : vector<20x1xf32>
    %sub3A_215 = arith.subf %min3A, %max3A_214 : vector<20x1xf32>
    %max3A_216 = arith.constant 0.000000e+00 : f32
    %max3A_217 = vector.broadcast %max3A_216 : f32 to vector<20x1xf32>
    %max3A_218 = arith.maximumf %sub3A_215, %max3A_217 : vector<20x1xf32>
    %min3A_219 = arith.minimumf %add3A_160, %add3A_197 : vector<20x1xf32>
    %max3A_220 = arith.maximumf %sub3A_156, %sub3A_193 : vector<20x1xf32>
    %sub3A_221 = arith.subf %min3A_219, %max3A_220 : vector<20x1xf32>
    %max3A_222 = arith.constant 0.000000e+00 : f32
    %max3A_223 = vector.broadcast %max3A_222 : f32 to vector<20x1xf32>
    %max3A_224 = arith.maximumf %sub3A_221, %max3A_223 : vector<20x1xf32>
    %mul3A_225 = arith.mulf %max3A_218, %max3A_224 : vector<20x1xf32>
    %mul3A_226 = arith.mulf %max3A_201, %max3A_205 : vector<20x1xf32>
    %mul3A_227 = arith.mulf %max3A_209, %max3A_213 : vector<20x1xf32>
    %add3A_228 = arith.addf %mul3A_226, %mul3A_227 : vector<20x1xf32>
    %sub3A_229 = arith.subf %add3A_228, %mul3A_225 : vector<20x1xf32>
    %add3A_230 = arith.constant 1.000000e-07 : f32
    %add3A_231 = vector.broadcast %add3A_230 : f32 to vector<20x1xf32>
    %add3A_232 = arith.addf %sub3A_229, %add3A_231 : vector<20x1xf32>
    %div3A_233 = arith.divf %mul3A_225, %add3A_232 : vector<20x1xf32>
    %add3A_234 = arith.addf %sub3A_148, %add3A_152 : vector<20x1xf32>
    %mul3A_235 = arith.constant 5.000000e-01 : f32
    %mul3A_236 = vector.broadcast %mul3A_235 : f32 to vector<20x1xf32>
    %mul3A_237 = arith.mulf %add3A_234, %mul3A_236 : vector<20x1xf32>
    %add3A_238 = arith.addf %sub3A_156, %add3A_160 : vector<20x1xf32>
    %mul3A_239 = arith.constant 5.000000e-01 : f32
    %mul3A_240 = vector.broadcast %mul3A_239 : f32 to vector<20x1xf32>
    %mul3A_241 = arith.mulf %add3A_238, %mul3A_240 : vector<20x1xf32>
    %add3A_242 = arith.addf %sub3A_185, %add3A_189 : vector<20x1xf32>
    %mul3A_243 = arith.constant 5.000000e-01 : f32
    %mul3A_244 = vector.broadcast %mul3A_243 : f32 to vector<20x1xf32>
    %mul3A_245 = arith.mulf %add3A_242, %mul3A_244 : vector<20x1xf32>
    %add3A_246 = arith.addf %sub3A_193, %add3A_197 : vector<20x1xf32>
    %mul3A_247 = arith.constant 5.000000e-01 : f32
    %mul3A_248 = vector.broadcast %mul3A_247 : f32 to vector<20x1xf32>
    %mul3A_249 = arith.mulf %add3A_246, %mul3A_248 : vector<20x1xf32>
    %sub3A_250 = arith.subf %mul3A_237, %mul3A_245 : vector<20x1xf32>
    %integer_pow3A = arith.mulf %sub3A_250, %sub3A_250 : vector<20x1xf32>
    %sub3A_251 = arith.subf %mul3A_241, %mul3A_249 : vector<20x1xf32>
    %integer_pow3A_252 = arith.mulf %sub3A_251, %sub3A_251 : vector<20x1xf32>
    %add3A_253 = arith.addf %integer_pow3A, %integer_pow3A_252 : vector<20x1xf32>
    %max3A_254 = arith.maximumf %add3A_152, %add3A_189 : vector<20x1xf32>
    %min3A_255 = arith.minimumf %sub3A_148, %sub3A_185 : vector<20x1xf32>
    %sub3A_256 = arith.subf %max3A_254, %min3A_255 : vector<20x1xf32>
    %max3A_257 = arith.maximumf %add3A_160, %add3A_197 : vector<20x1xf32>
    %min3A_258 = arith.minimumf %sub3A_156, %sub3A_193 : vector<20x1xf32>
    %sub3A_259 = arith.subf %max3A_257, %min3A_258 : vector<20x1xf32>
    %integer_pow3A_260 = arith.mulf %sub3A_256, %sub3A_256 : vector<20x1xf32>
    %integer_pow3A_261 = arith.mulf %sub3A_259, %sub3A_259 : vector<20x1xf32>
    %add3A_262 = arith.addf %integer_pow3A_260, %integer_pow3A_261 : vector<20x1xf32>
    %add3A_263 = arith.constant 1.000000e-07 : f32
    %add3A_264 = vector.broadcast %add3A_263 : f32 to vector<20x1xf32>
    %add3A_265 = arith.addf %add3A_262, %add3A_264 : vector<20x1xf32>
    %div3A_266 = arith.divf %max3A_209, %max3A_213 : vector<20x1xf32>
    %gt3A = arith.constant 2.41421366 : f32
    %gt3A_267 = vector.broadcast %gt3A : f32 to vector<20x1xf32>
    %gt3A_268 = arith.cmpf ogt, %div3A_266, %gt3A_267 : vector<20x1xf32>
    %gt3A_269 = arith.constant 0.414213568 : f32
    %gt3A_270 = vector.broadcast %gt3A_269 : f32 to vector<20x1xf32>
    %gt3A_271 = arith.cmpf ogt, %div3A_266, %gt3A_270 : vector<20x1xf32>
    %div3A_272 = arith.constant -1.000000e+00 : f32
    %div3A_273 = vector.broadcast %div3A_272 : f32 to vector<20x1xf32>
    %div3A_274 = arith.divf %div3A_273, %div3A_266 : vector<20x1xf32>
    %sub3A_275 = arith.constant 1.000000e+00 : f32
    %sub3A_276 = vector.broadcast %sub3A_275 : f32 to vector<20x1xf32>
    %sub3A_277 = arith.subf %div3A_266, %sub3A_276 : vector<20x1xf32>
    %add3A_278 = arith.constant 1.000000e+00 : f32
    %add3A_279 = vector.broadcast %add3A_278 : f32 to vector<20x1xf32>
    %add3A_280 = arith.addf %div3A_266, %add3A_279 : vector<20x1xf32>
    %div3A_281 = arith.divf %sub3A_277, %add3A_280 : vector<20x1xf32>
    %select_n3A_282 = arith.select %gt3A_271, %div3A_281, %div3A_266 : vector<20x1xi1>, vector<20x1xf32>
    %select_n3A_283 = arith.select %gt3A_268, %div3A_274, %select_n3A_282 : vector<20x1xi1>, vector<20x1xf32>
    %jit3A_284 = arith.constant 0.785398185 : f32
    %jit3A_285 = arith.constant 0.000000e+00 : f32
    %broadcast_in_dim3A_286 = vector.broadcast %jit3A_284 : f32 to vector<20x1xf32>
    %broadcast_in_dim3A_287 = vector.broadcast %jit3A_285 : f32 to vector<20x1xf32>
    %select_n3A_288 = arith.select %gt3A_271, %broadcast_in_dim3A_286, %broadcast_in_dim3A_287 : vector<20x1xi1>, vector<20x1xf32>
    %jit3A_289 = arith.constant 1.57079637 : f32
    %broadcast_in_dim3A_290 = vector.broadcast %jit3A_289 : f32 to vector<20x1xf32>
    %select_n3A_291 = arith.select %gt3A_268, %broadcast_in_dim3A_290, %select_n3A_288 : vector<20x1xi1>, vector<20x1xf32>
    %mul3A_292 = arith.mulf %select_n3A_283, %select_n3A_283 : vector<20x1xf32>
    %mul3A_293 = arith.constant 0.0805374458 : f32
    %mul3A_294 = vector.broadcast %mul3A_293 : f32 to vector<20x1xf32>
    %mul3A_295 = arith.mulf %mul3A_294, %mul3A_292 : vector<20x1xf32>
    %sub3A_296 = arith.constant 0.138776854 : f32
    %sub3A_297 = vector.broadcast %sub3A_296 : f32 to vector<20x1xf32>
    %sub3A_298 = arith.subf %mul3A_295, %sub3A_297 : vector<20x1xf32>
    %mul3A_299 = arith.mulf %sub3A_298, %mul3A_292 : vector<20x1xf32>
    %add3A_300 = arith.constant 0.199777111 : f32
    %add3A_301 = vector.broadcast %add3A_300 : f32 to vector<20x1xf32>
    %add3A_302 = arith.addf %mul3A_299, %add3A_301 : vector<20x1xf32>
    %mul3A_303 = arith.mulf %add3A_302, %mul3A_292 : vector<20x1xf32>
    %sub3A_304 = arith.constant 0.333329499 : f32
    %sub3A_305 = vector.broadcast %sub3A_304 : f32 to vector<20x1xf32>
    %sub3A_306 = arith.subf %mul3A_303, %sub3A_305 : vector<20x1xf32>
    %add3A_307 = arith.addf %select_n3A_291, %select_n3A_283 : vector<20x1xf32>
    %mul3A_308 = arith.mulf %select_n3A_283, %mul3A_292 : vector<20x1xf32>
    %mul3A_309 = arith.mulf %mul3A_308, %sub3A_306 : vector<20x1xf32>
    %add3A_310 = arith.addf %add3A_307, %mul3A_309 : vector<20x1xf32>
    %div3A_311 = arith.divf %max3A_201, %max3A_205 : vector<20x1xf32>
    %gt3A_312 = arith.constant 2.41421366 : f32
    %gt3A_313 = vector.broadcast %gt3A_312 : f32 to vector<20x1xf32>
    %gt3A_314 = arith.cmpf ogt, %div3A_311, %gt3A_313 : vector<20x1xf32>
    %gt3A_315 = arith.constant 0.414213568 : f32
    %gt3A_316 = vector.broadcast %gt3A_315 : f32 to vector<20x1xf32>
    %gt3A_317 = arith.cmpf ogt, %div3A_311, %gt3A_316 : vector<20x1xf32>
    %div3A_318 = arith.constant -1.000000e+00 : f32
    %div3A_319 = vector.broadcast %div3A_318 : f32 to vector<20x1xf32>
    %div3A_320 = arith.divf %div3A_319, %div3A_311 : vector<20x1xf32>
    %sub3A_321 = arith.constant 1.000000e+00 : f32
    %sub3A_322 = vector.broadcast %sub3A_321 : f32 to vector<20x1xf32>
    %sub3A_323 = arith.subf %div3A_311, %sub3A_322 : vector<20x1xf32>
    %add3A_324 = arith.constant 1.000000e+00 : f32
    %add3A_325 = vector.broadcast %add3A_324 : f32 to vector<20x1xf32>
    %add3A_326 = arith.addf %div3A_311, %add3A_325 : vector<20x1xf32>
    %div3A_327 = arith.divf %sub3A_323, %add3A_326 : vector<20x1xf32>
    %select_n3A_328 = arith.select %gt3A_317, %div3A_327, %div3A_311 : vector<20x1xi1>, vector<20x1xf32>
    %select_n3A_329 = arith.select %gt3A_314, %div3A_320, %select_n3A_328 : vector<20x1xi1>, vector<20x1xf32>
    %jit3A_330 = arith.constant 0.785398185 : f32
    %jit3A_331 = arith.constant 0.000000e+00 : f32
    %broadcast_in_dim3A_332 = vector.broadcast %jit3A_330 : f32 to vector<20x1xf32>
    %broadcast_in_dim3A_333 = vector.broadcast %jit3A_331 : f32 to vector<20x1xf32>
    %select_n3A_334 = arith.select %gt3A_317, %broadcast_in_dim3A_332, %broadcast_in_dim3A_333 : vector<20x1xi1>, vector<20x1xf32>
    %jit3A_335 = arith.constant 1.57079637 : f32
    %broadcast_in_dim3A_336 = vector.broadcast %jit3A_335 : f32 to vector<20x1xf32>
    %select_n3A_337 = arith.select %gt3A_314, %broadcast_in_dim3A_336, %select_n3A_334 : vector<20x1xi1>, vector<20x1xf32>
    %mul3A_338 = arith.mulf %select_n3A_329, %select_n3A_329 : vector<20x1xf32>
    %mul3A_339 = arith.constant 0.0805374458 : f32
    %mul3A_340 = vector.broadcast %mul3A_339 : f32 to vector<20x1xf32>
    %mul3A_341 = arith.mulf %mul3A_340, %mul3A_338 : vector<20x1xf32>
    %sub3A_342 = arith.constant 0.138776854 : f32
    %sub3A_343 = vector.broadcast %sub3A_342 : f32 to vector<20x1xf32>
    %sub3A_344 = arith.subf %mul3A_341, %sub3A_343 : vector<20x1xf32>
    %mul3A_345 = arith.mulf %sub3A_344, %mul3A_338 : vector<20x1xf32>
    %add3A_346 = arith.constant 0.199777111 : f32
    %add3A_347 = vector.broadcast %add3A_346 : f32 to vector<20x1xf32>
    %add3A_348 = arith.addf %mul3A_345, %add3A_347 : vector<20x1xf32>
    %mul3A_349 = arith.mulf %add3A_348, %mul3A_338 : vector<20x1xf32>
    %sub3A_350 = arith.constant 0.333329499 : f32
    %sub3A_351 = vector.broadcast %sub3A_350 : f32 to vector<20x1xf32>
    %sub3A_352 = arith.subf %mul3A_349, %sub3A_351 : vector<20x1xf32>
    %add3A_353 = arith.addf %select_n3A_337, %select_n3A_329 : vector<20x1xf32>
    %mul3A_354 = arith.mulf %select_n3A_329, %mul3A_338 : vector<20x1xf32>
    %mul3A_355 = arith.mulf %mul3A_354, %sub3A_352 : vector<20x1xf32>
    %add3A_356 = arith.addf %add3A_353, %mul3A_355 : vector<20x1xf32>
    %sub3A_357 = arith.subf %add3A_310, %add3A_356 : vector<20x1xf32>
    %integer_pow3A_358 = arith.mulf %sub3A_357, %sub3A_357 : vector<20x1xf32>
    %mul3A_359 = arith.constant 0.405284733 : f32
    %mul3A_360 = vector.broadcast %mul3A_359 : f32 to vector<20x1xf32>
    %mul3A_361 = arith.mulf %mul3A_360, %integer_pow3A_358 : vector<20x1xf32>
    %sub3A_362 = arith.subf %mul3A_361, %div3A_233 : vector<20x1xf32>
    %add3A_363 = arith.constant 1.000000e+00 : f32
    %add3A_364 = vector.broadcast %add3A_363 : f32 to vector<20x1xf32>
    %add3A_365 = arith.addf %sub3A_362, %add3A_364 : vector<20x1xf32>
    %add3A_366 = arith.constant 1.000000e-07 : f32
    %add3A_367 = vector.broadcast %add3A_366 : f32 to vector<20x1xf32>
    %add3A_368 = arith.addf %add3A_365, %add3A_367 : vector<20x1xf32>
    %div3A_369 = arith.divf %mul3A_361, %add3A_368 : vector<20x1xf32>
    %div3A_370 = arith.divf %add3A_253, %add3A_265 : vector<20x1xf32>
    %sub3A_371 = arith.subf %div3A_233, %div3A_370 : vector<20x1xf32>
    %mul3A_372 = arith.mulf %div3A_369, %mul3A_361 : vector<20x1xf32>
    %sub3A_373 = arith.subf %sub3A_371, %mul3A_372 : vector<20x1xf32>
    %sub3A_374 = arith.constant 1.000000e+00 : f32
    %sub3A_375 = vector.broadcast %sub3A_374 : f32 to vector<20x1xf32>
    %sub3A_376 = arith.subf %sub3A_375, %sub3A_373 : vector<20x1xf32>
    %jit3A_377 = arith.constant 0.000000e+00 : f32
    %broadcast_in_dim3A_378 = vector.broadcast %jit3A_377 : f32 to vector<20x1xf32>
    %select_n3A_379 = arith.select %ge3A_11, %sub3A_376, %broadcast_in_dim3A_378 : vector<20x1xi1>, vector<20x1xf32>
    %reduce_sum3A_380 = vector.shape_cast %select_n3A_379 : vector<20x1xf32> to vector<1x20x1xf32>
    %reduce_sum3A_381 = arith.constant dense<0.000000e+00> : vector<1xf32>
    %reduce_sum3A_382 = vector.multi_reduction <add>, %reduce_sum3A_380, %reduce_sum3A_381 [1, 2] : vector<1x20x1xf32> to vector<1xf32>
    %reduce_sum3A_383 = vector.shape_cast %reduce_sum3A_382 : vector<1xf32> to vector<1x1x1xf32>
    %reduce_sum3A_384 = vector.extract %reduce_sum3A_383[0, 0, 0] : f32 from vector<1x1x1xf32>
    %neg3A_385 = arith.constant 0.000000e+00 : f32
    %neg3A_386 = vector.broadcast %neg3A_385 : f32 to vector<20x1xf32>
    %neg3A_387 = arith.subf %neg3A_386, %broadcast_in_dim3A : vector<20x1xf32>
    %exp3A_388 = math.exp %neg3A_387 : vector<20x1xf32>
    %add3A_389 = arith.constant 1.000000e+00 : f32
    %add3A_390 = vector.broadcast %add3A_389 : f32 to vector<20x1xf32>
    %add3A_391 = arith.addf %add3A_390, %exp3A_388 : vector<20x1xf32>
    %div3A_392 = arith.constant 1.000000e+00 : f32
    %div3A_393 = vector.broadcast %div3A_392 : f32 to vector<20x1xf32>
    %div3A_394 = arith.divf %div3A_393, %add3A_391 : vector<20x1xf32>
    %max3A_395 = arith.constant 0.000000e+00 : f32
    %max3A_396 = vector.broadcast %max3A_395 : f32 to vector<20x1xf32>
    %max3A_397 = arith.maximumf %broadcast_in_dim3A, %max3A_396 : vector<20x1xf32>
    %abs3A_398 = math.absf %broadcast_in_dim3A : vector<20x1xf32>
    %neg3A_399 = arith.constant 0.000000e+00 : f32
    %neg3A_400 = vector.broadcast %neg3A_399 : f32 to vector<20x1xf32>
    %neg3A_401 = arith.subf %neg3A_400, %abs3A_398 : vector<20x1xf32>
    %exp3A_402 = math.exp %neg3A_401 : vector<20x1xf32>
    %add3A_403 = arith.constant 1.000000e+00 : f32
    %add3A_404 = vector.broadcast %add3A_403 : f32 to vector<20x1xf32>
    %add3A_405 = arith.addf %add3A_404, %exp3A_402 : vector<20x1xf32>
    %log3A_406 = math.log %add3A_405 : vector<20x1xf32>
    %add3A_407 = arith.addf %max3A_397, %log3A_406 : vector<20x1xf32>
    %sub3A_408 = arith.subf %add3A_407, %broadcast_in_dim3A : vector<20x1xf32>
    %mul3A_409 = arith.constant 2.500000e-01 : f32
    %mul3A_410 = vector.broadcast %mul3A_409 : f32 to vector<20x1xf32>
    %mul3A_411 = arith.mulf %mul3A_410, %sub3A_408 : vector<20x1xf32>
    %sub3A_412 = arith.constant 1.000000e+00 : f32
    %sub3A_413 = vector.broadcast %sub3A_412 : f32 to vector<20x1xf32>
    %sub3A_414 = arith.subf %sub3A_413, %div3A_394 : vector<20x1xf32>
    %integer_pow3A_415 = arith.mulf %sub3A_414, %sub3A_414 : vector<20x1xf32>
    %mul3A_416 = arith.mulf %mul3A_411, %integer_pow3A_415 : vector<20x1xf32>
    %mul3A_417 = arith.constant 7.500000e-01 : f32
    %mul3A_418 = vector.broadcast %mul3A_417 : f32 to vector<20x1xf32>
    %mul3A_419 = arith.mulf %mul3A_418, %add3A_407 : vector<20x1xf32>
    %integer_pow3A_420 = arith.mulf %div3A_394, %div3A_394 : vector<20x1xf32>
    %mul3A_421 = arith.mulf %mul3A_419, %integer_pow3A_420 : vector<20x1xf32>
    %sub3A_422 = arith.subf %mul3A_416, %mul3A_421 : vector<20x1xf32>
    %get3A_423 = arith.constant 0 : index
    %get3A_424 = arith.constant 0 : index
    %get3A_425 = arith.constant 0 : index
    %get3A_426 = vector.load %arg5[%get3A_423, %get3A_424, %get3A_425] : memref<1x1x128xf32, #tpu.memory_space<vmem>>, vector<1x1x128xf32>
    %get3A_427 = vector.shape_cast %get3A_426 : vector<1x1x128xf32> to vector<1x128xf32>
    %slice3A_428 = vector.extract_strided_slice %get3A_427 {offsets = [0, 0], sizes = [1, 1], strides = [1, 1]} : vector<1x128xf32> to vector<1x1xf32>
    %squeeze3A = vector.extract %slice3A_428[0, 0] : f32 from vector<1x1xf32>
    %jit3A_429 = arith.constant 0.000000e+00 : f32
    %broadcast_in_dim3A_430 = vector.broadcast %jit3A_429 : f32 to vector<20x1xf32>
    %select_n3A_431 = arith.select %ge3A_11, %sub3A_422, %broadcast_in_dim3A_430 : vector<20x1xi1>, vector<20x1xf32>
    %reduce_sum3A_432 = vector.shape_cast %select_n3A_431 : vector<20x1xf32> to vector<1x20x1xf32>
    %reduce_sum3A_433 = arith.constant dense<0.000000e+00> : vector<1xf32>
    %reduce_sum3A_434 = vector.multi_reduction <add>, %reduce_sum3A_432, %reduce_sum3A_433 [1, 2] : vector<1x20x1xf32> to vector<1xf32>
    %reduce_sum3A_435 = vector.shape_cast %reduce_sum3A_434 : vector<1xf32> to vector<1x1x1xf32>
    %reduce_sum3A_436 = vector.extract %reduce_sum3A_435[0, 0, 0] : f32 from vector<1x1x1xf32>
    %add3A_437 = arith.addf %squeeze3A, %reduce_sum3A_436 : f32
    %jit3A_438 = arith.constant 1.000000e+00 : f32
    %jit3A_439 = arith.constant 0.000000e+00 : f32
    %broadcast_in_dim3A_440 = vector.broadcast %jit3A_438 : f32 to vector<20x1xf32>
    %broadcast_in_dim3A_441 = vector.broadcast %jit3A_439 : f32 to vector<20x1xf32>
    %select_n3A_442 = arith.select %ge3A_11, %broadcast_in_dim3A_440, %broadcast_in_dim3A_441 : vector<20x1xi1>, vector<20x1xf32>
    %reduce_sum3A_443 = vector.shape_cast %select_n3A_442 : vector<20x1xf32> to vector<1x20x1xf32>
    %reduce_sum3A_444 = arith.constant dense<0.000000e+00> : vector<1xf32>
    %reduce_sum3A_445 = vector.multi_reduction <add>, %reduce_sum3A_443, %reduce_sum3A_444 [1, 2] : vector<1x20x1xf32> to vector<1xf32>
    %reduce_sum3A_446 = vector.shape_cast %reduce_sum3A_445 : vector<1xf32> to vector<1x1x1xf32>
    %reduce_sum3A_447 = vector.extract %reduce_sum3A_446[0, 0, 0] : f32 from vector<1x1x1xf32>
    %eq3A_448 = arith.constant 0 : i32
    %eq3A_449 = arith.cmpi eq, %arg0, %eq3A_448 : i32
    %convert_element_type3A_450 = arith.extui %eq3A_449 : i1 to i32
    %cond3A = arith.constant 0 : i32
    %cond3A_451 = arith.cmpi ne, %convert_element_type3A_450, %cond3A : i32
    scf.if %cond3A_451 {
      %swap3A_471 = arith.constant 0.000000e+00 : f32
      %swap3A_472 = arith.constant 0 : index
      %swap3A_473 = memref.load %arg7[%swap3A_472] : memref<8xf32, #tpu.memory_space<smem>>
      memref.store %swap3A_471, %arg7[%swap3A_472] : memref<8xf32, #tpu.memory_space<smem>>
      %swap3A_474 = arith.constant 0.000000e+00 : f32
      %swap3A_475 = arith.constant 1 : index
      %swap3A_476 = memref.load %arg7[%swap3A_475] : memref<8xf32, #tpu.memory_space<smem>>
      memref.store %swap3A_474, %arg7[%swap3A_475] : memref<8xf32, #tpu.memory_space<smem>>
      %swap3A_477 = arith.constant 0.000000e+00 : f32
      %swap3A_478 = arith.constant 2 : index
      %swap3A_479 = memref.load %arg7[%swap3A_478] : memref<8xf32, #tpu.memory_space<smem>>
      memref.store %swap3A_477, %arg7[%swap3A_478] : memref<8xf32, #tpu.memory_space<smem>>
    } else {
    }
    %get3A_452 = arith.constant 0 : index
    %get3A_453 = memref.load %arg7[%get3A_452] : memref<8xf32, #tpu.memory_space<smem>>
    %add3A_454 = arith.addf %get3A_453, %reduce_sum3A_384 : f32
    %swap3A = arith.constant 0 : index
    %swap3A_455 = memref.load %arg7[%swap3A] : memref<8xf32, #tpu.memory_space<smem>>
    memref.store %add3A_454, %arg7[%swap3A] : memref<8xf32, #tpu.memory_space<smem>>
    %get3A_456 = arith.constant 1 : index
    %get3A_457 = memref.load %arg7[%get3A_456] : memref<8xf32, #tpu.memory_space<smem>>
    %add3A_458 = arith.addf %get3A_457, %add3A_437 : f32
    %swap3A_459 = arith.constant 1 : index
    %swap3A_460 = memref.load %arg7[%swap3A_459] : memref<8xf32, #tpu.memory_space<smem>>
    memref.store %add3A_458, %arg7[%swap3A_459] : memref<8xf32, #tpu.memory_space<smem>>
    %get3A_461 = arith.constant 2 : index
    %get3A_462 = memref.load %arg7[%get3A_461] : memref<8xf32, #tpu.memory_space<smem>>
    %add3A_463 = arith.addf %get3A_462, %reduce_sum3A_447 : f32
    %swap3A_464 = arith.constant 2 : index
    %swap3A_465 = memref.load %arg7[%swap3A_464] : memref<8xf32, #tpu.memory_space<smem>>
    memref.store %add3A_463, %arg7[%swap3A_464] : memref<8xf32, #tpu.memory_space<smem>>
    %eq3A_466 = arith.constant 15 : i32
    %eq3A_467 = arith.cmpi eq, %arg0, %eq3A_466 : i32
    %convert_element_type3A_468 = arith.extui %eq3A_467 : i1 to i32
    %cond3A_469 = arith.constant 0 : i32
    %cond3A_470 = arith.cmpi ne, %convert_element_type3A_468, %cond3A_469 : i32
    scf.if %cond3A_470 {
      %get3A_471 = arith.constant 2 : index
      %get3A_472 = memref.load %arg7[%get3A_471] : memref<8xf32, #tpu.memory_space<smem>>
      %max3A_473 = arith.constant 1.000000e+00 : f32
      %max3A_474 = arith.maximumf %get3A_472, %max3A_473 : f32
      %get3A_475 = arith.constant 0 : index
      %get3A_476 = memref.load %arg7[%get3A_475] : memref<8xf32, #tpu.memory_space<smem>>
      %mul3A_477 = arith.constant 7.500000e+00 : f32
      %mul3A_478 = arith.mulf %mul3A_477, %get3A_476 : f32
      %get3A_479 = arith.constant 1 : index
      %get3A_480 = memref.load %arg7[%get3A_479] : memref<8xf32, #tpu.memory_space<smem>>
      %mul3A_481 = arith.constant 5.000000e-01 : f32
      %mul3A_482 = arith.mulf %mul3A_481, %get3A_480 : f32
      %add3A_483 = arith.addf %mul3A_478, %mul3A_482 : f32
      %div3A_484 = arith.divf %add3A_483, %max3A_474 : f32
      %broadcast_in_dim3A_485 = vector.broadcast %div3A_484 : f32 to vector<1x128xf32>
      %swap3A_486 = arith.constant 0 : index
      %swap3A_487 = arith.constant 0 : index
      %swap3A_488 = vector.load %arg6[%swap3A_486, %swap3A_487] : memref<1x128xf32, #tpu.memory_space<vmem>>, vector<1x128xf32>
      tpu.vector_store %arg6[%swap3A_486, %swap3A_487], %broadcast_in_dim3A_485 {strides = array<i32>} : memref<1x128xf32, #tpu.memory_space<vmem>>, vector<1x128xf32>,
    } else {
    }
    return
  }
  func.func @transform_0(%arg0: i32) -> (i32, i32, i32) {
    %c0_i32 = arith.constant 0 : i32
    %c0_i32_0 = arith.constant 0 : i32
    %c0_i32_1 = arith.constant 0 : i32
    return %arg0, %c0_i32, %c0_i32_0 : i32, i32, i32
  }
  func.func @transform_1(%arg0: i32) -> (i32, i32, i32) {
    %c0_i32 = arith.constant 0 : i32
    %c0_i32_0 = arith.constant 0 : i32
    %c0_i32_1 = arith.constant 0 : i32
    return %arg0, %c0_i32, %c0_i32_0 : i32, i32, i32
  }
  func.func @transform_2(%arg0: i32) -> (i32, i32, i32) {
    %c0_i32 = arith.constant 0 : i32
    %c0_i32_0 = arith.constant 0 : i32
    %c0_i32_1 = arith.constant 0 : i32
    return %arg0, %c0_i32, %c0_i32_0 : i32, i32, i32
  }
  func.func @transform_3(%arg0: i32) -> (i32, i32, i32) {
    %c0_i32 = arith.constant 0 : i32
    %c0_i32_0 = arith.constant 0 : i32
    %c0_i32_1 = arith.constant 0 : i32
    return %arg0, %c0_i32, %c0_i32_0 : i32, i32, i32
  }
  func.func @transform_4(%arg0: i32) -> (i32, i32, i32) {
    %c0_i32 = arith.constant 0 : i32
    %c0_i32_0 = arith.constant 0 : i32
    %c0_i32_1 = arith.constant 0 : i32
    return %arg0, %c0_i32, %c0_i32_0 : i32, i32, i32
  }
  func.func @transform_5(%arg0: i32) -> (i32, i32) {
    %c0_i32 = arith.constant 0 : i32
    %c0_i32_0 = arith.constant 0 : i32
    %c0_i32_1 = arith.constant 0 : i32
    return %c0_i32, %c0_i32_0 : i32, i32
  }
}

</mosaic_0001>

<sc_bundles>
// kernel: kernel.5.cloned.1.call-start
scs
__scs_entry_jumppad:
0x0: {  	(pc) =	sbr.rel $0x88, $3  }
0x1: {  	(tag) =	ssettag $0x0;
	lr =	simm.s32 $0x1  }
0x2: {  	[smem:$0x3F9E] =	sst lr;
	_ =	strace $0xD0000000  }
0x3: {  	_ = 	snop  }
0x4: {  	_ = 	snop  }
0x5: {  	_ = 	snop  }
0x6: {  	_ = 	snop  }
0x7: {  	_ = 	snop  }
__scs_overlays_trampoline_lowered:
0x8: {  	[smem:$0x3FAD] =	sst s0  }
0x9: {  	[smem:$0x3FAE] =	sst s1  }
0xa: {  	[smem:$0x3FAF] =	sst s2  }
0xb: {  	[smem:$0x3FB0] =	sst s3  }
0xc: {  	[smem:$0x3FB1] =	sst s4  }
0xd: {  	[smem:$0x3FB2] =	sst s5  }
0xe: {  	[smem:$0x3FB3] =	sst s6  }
0xf: {  	[smem:$0x3FB4] =	sst s7  }
0x10: {  	[smem:$0x3FB5] =	sst s8  }
0x11: {  	[smem:$0x3FB6] =	sst s9;
	s0 =	simm.s32 @!p0 $0x0  }
0x12: {  	s1 =	sld [smem:$0x3F9C];
	s0 =	simm.s32 @p0 $0x1  }
0x13: {  	[smem:$0x3FB7] =	sst s0;
	s0 =	simm.s32 @!p1 $0x0  }
0x14: {  	s2 =	sld [smem:$0x3F9B];
	s0 =	simm.s32 @p1 $0x1  }
0x15: {  	[smem:$0x3FB8] =	sst s0;
	s0 =	simm.s32 @!p2 $0x0  }
0x16: {  	s3 =	sld [smem:$0x3FDB];
	s0 =	simm.s32 @p2 $0x1  }
0x17: {  	s4 =	simm.s32 $0x1BF5;
	[smem:$0x3FBA] =	sst s0  }
0x18: {  	s0 =	sld [smem:$0x3F9D];
	_ =	swait.ge [sflag:s4], $0x0  }
0x19: {  	s7 =	sld [smem:$0x3F9E]  }
0x1a: {  	s8 =	sadd.s32 $0xFFFFE003, lr  }
0x1b: {  	s9 =	sadd.s32 $0xFFFFFEF7, lr;
	s5 =	simm.s32 $0xFFFFFFFF;
	p2 =	slt.u32 s8, $0xFFFFF086  }
0x1c: {  	p1 =	slt.u32 s9, $0xF7A;
	s5 =	simm.s32 @!p2 $0x0  }
0x1d: {  	s5 =	simm.s32 @p1 $0x1;
	p0 =	seq.s32 s7, s2  }
0x1e: {  	s7 =	smul.u32 @!p0 $0xF7A, s2;
	p2 =	seq.s32 @!p0 s5, $0x0  }
0x1f: {  	s9 =	smul.u32 $0xF7A, s1;
	s8 =	simm.s32 @!p0 $0x1BF5;
	p2 =	por !p2, p0  }
0x20: {  	[sflag:s8] =	ssyncset.s32 @!p0 $0xFFFFF086;
	s6 =	sadd.s32 @!p0 s3, s7;
	s7 =	simm.s32 @!p0 $0x108  }
0x21: {  	s3 =	sadd.s32 s3, s9;
	s6 =	sadd.s32 @!p0 $0x88, s6;
	s7 =	simm.s32 @p2 $0x1082  }
0x22: {  	[simem:s7], [sflag:s8] =	dma.local @!p0 [hbm:s6], $0xF7A  }
0x23: {  	s9 =	sor.u32 $0xD0000000, s2;
	s6 =	simm.s32 $0x108;
	_ =	swait.ge @!p0 [sflag:s8], $0x0  }
0x24: {  	s3 =	sadd.s32 $0x88, s3;
	s6 =	simm.s32 @!p1 $0x1082;
	[sflag:s4] =	ssyncset.s32 $0xFFFFF086  }
0x25: {  	[simem:s6], [sflag:s4] =	dma.local [hbm:s3], $0xF7A  }
0x26: {  	[smem:$0x3F9E] =	sst s1;
	(tag) =	ssettag s2;
	_ =	strace s9  }
0x27: {  	s1 =	sld [smem:$0x3FAE]  }
0x28: {  	s2 =	sld [smem:$0x3FAF]  }
0x29: {  	s4 =	sld [smem:$0x3FB1]  }
0x2a: {  	p0 =	seq.s32 s5, $0x0;
	s5 =	sld [smem:$0x3FB2]  }
0x2b: {  	s6 =	sld [smem:$0x3FB3]  }
0x2c: {  	s7 =	sld [smem:$0x3FB4]  }
0x2d: {  	s3 =	simm.s32 $0x108;
	s8 =	sld [smem:$0x3FB5]  }
0x2e: {  	s3 =	simm.s32 @!p0 $0x1082;
	s9 =	sld [smem:$0x3FB6]  }
0x2f: {  	lr =	sadd.s32 s0, s3;
	s0 =	sld [smem:$0x3FAD]  }
0x30: {  	s3 =	sld [smem:$0x3FB0]  }
0x31: {  	[smem:$0x3FB9] =	sst s10  }
0x32: {  	s10 =	sld [smem:$0x3FB7];
	_ =	sdelay $0x3  }
0x33: {  	p0 =	seq.s32 s10, $0x1;
	s10 =	sld [smem:$0x3FB9];
	_ =	sdelay $0x3  }
0x34: {  	[smem:$0x3FB9] =	sst s10  }
0x35: {  	s10 =	sld [smem:$0x3FB8];
	_ =	sdelay $0x3  }
0x36: {  	p1 =	seq.s32 s10, $0x1;
	s10 =	sld [smem:$0x3FB9];
	_ =	sdelay $0x3  }
0x37: {  	[smem:$0x3FB9] =	sst s10  }
0x38: {  	s10 =	sld [smem:$0x3FBA]  }
0x39: {  	_ = 	snop;
	(pc) =	sbr.ind lr, $3  }
0x3a: {  	_ = 	snop  }
0x3b: {  	_ = 	snop  }
0x3c: {  	p2 =	seq.s32 s10, $0x1;
	s10 =	sld [smem:$0x3FB9]  }
0x3d: {  	_ =	shalt  }
0x3e: {  	_ =	shalt  }
0x3f: {  	_ =	shalt  }
0x40: {  	_ =	shalt  }
0x41: {  	_ =	shalt  }
0x42: {  	_ =	shalt  }
0x43: {  	_ =	shalt  }
0x44: {  	_ =	shalt  }
0x45: {  	_ =	shalt  }
0x46: {  	_ =	shalt  }
0x47: {  	_ =	shalt  }
0x48: {  	_ =	shalt  }
0x49: {  	_ =	shalt  }
0x4a: {  	_ =	shalt  }
0x4b: {  	_ =	shalt  }
0x4c: {  	_ =	shalt  }
0x4d: {  	_ =	shalt  }
0x4e: {  	_ =	shalt  }
0x4f: {  	_ =	shalt  }
0x50: {  	_ =	shalt  }
0x51: {  	_ =	shalt  }
0x52: {  	_ =	shalt  }
0x53: {  	_ =	shalt  }
0x54: {  	_ =	shalt  }
0x55: {  	_ =	shalt  }
0x56: {  	_ =	shalt  }
0x57: {  	_ =	shalt  }
0x58: {  	_ =	shalt  }
0x59: {  	_ =	shalt  }
0x5a: {  	_ =	shalt  }
0x5b: {  	_ =	shalt  }
0x5c: {  	_ =	shalt  }
0x5d: {  	_ =	shalt  }
0x5e: {  	_ =	shalt  }
0x5f: {  	_ =	shalt  }
0x60: {  	_ =	shalt  }
0x61: {  	_ =	shalt  }
0x62: {  	_ =	shalt  }
0x63: {  	_ =	shalt  }
0x64: {  	_ =	shalt  }
0x65: {  	_ =	shalt  }
0x66: {  	_ =	shalt  }
0x67: {  	_ =	shalt  }
0x68: {  	_ =	shalt  }
0x69: {  	_ =	shalt  }
0x6a: {  	_ =	shalt  }
0x6b: {  	_ =	shalt  }
0x6c: {  	_ =	shalt  }
0x6d: {  	_ =	shalt  }
0x6e: {  	_ =	shalt  }
0x6f: {  	_ =	shalt  }
0x70: {  	_ =	shalt  }
0x71: {  	_ =	shalt  }
0x72: {  	_ =	shalt  }
0x73: {  	_ =	shalt  }
0x74: {  	_ =	shalt  }
0x75: {  	_ =	shalt  }
0x76: {  	_ =	shalt  }
0x77: {  	_ =	shalt  }
0x78: {  	_ =	shalt  }
0x79: {  	_ =	shalt  }
0x7a: {  	_ =	shalt  }
0x7b: {  	_ =	shalt  }
0x7c: {  	_ =	shalt  }
0x7d: {  	_ =	shalt  }
0x7e: {  	_ =	shalt  }
0x7f: {  	_ =	shalt  }
0x80: {  	_ =	shalt  }
0x81: {  	_ =	shalt  }
0x82: {  	_ =	shalt  }
0x83: {  	_ =	shalt  }
0x84: {  	_ =	shalt  }
0x85: {  	_ =	shalt  }
0x86: {  	_ =	shalt  }
0x87: {  	_ =	shalt  }
.Lfunc_end0:
.L_simem_size_0:
called_computation_lowered:
.L_overlay_start_0:
0x88: {  	s2 =	sld [smem:$0x3FD9]  }
0x89: {  	s3 =	sld [smem:$0x3FFE];
	_ =	sdelay $0x1  }
0x8a: {  	s1 =	srdreg.scid  }
0x8b: {  	s0 =	sand.u32 $0x1, s1  }
0x8c: {  	s16 =	sshll.u32 s0, $0xA;
	s2 =	sadd.s32 s3, s2  }
0x8d: {  	s2 =	sadd.s32 s2, s16  }
0x8e: {  	[smem:$0x3FC5] =	sst s2  }
0x8f: {  	_ = 	snop  }
0x90: {  	(tm) =	ssettm $0x1  }
0x91: {  	s17 =	sld [smem:$0x3FFB];
	_ =	sdelay $0x3  }
0x92: {  	_ =	strace s17  }
0x93: {  	s2 =	sld [smem:$0x3FFC];
	_ =	sdelay $0x3  }
0x94: {  	_ =	strace s2  }
0x95: {  	s2 =	sld [smem:$0x3FFD];
	_ =	sdelay $0x3  }
0x96: {  	_ =	strace s2  }
0x97: {  	_ =	strace $0x8FFFFFFF  }
0x98: {  	s18 =	sld [smem:$0x3FDB];
	_ =	sdelay $0x1  }
0x99: {  	s19 =	simm.s32 $_scs_section_size  }
0x9a: {  	s4 =	simm.s32 $_size__tile_overlayer_lowered;
	s5 =	simm.s32 $_tile_overlayer_lowered  }
0x9b: {  	s22 =	simm.s32 $0x1BFF;
	s21 =	sshll.u32 s5, $0x1;
	s2 =	sadd.s32 s19, s18  }
0x9c: {  	s6 =	simm.s32 $0x0;
	s20 =	sshll.u32 s4, $0x1;
	s4 =	sadd.s32 s21, s2  }
0x9d: {  	[timem:s6], [sflag:s22] =	dma.local [hbm:s4], s20  }
0x9e: {  	_ =	swait.ge [sflag:s22], s20  }
0x9f: {  	s3 =	ssub.s32 $0x0, s20;
	[sflag:s22] =	ssyncset.done $0x0  }
0xa0: {  	[sflag:s22] =	ssyncadd.s32 s3;
	_ =	sdelay $0x1  }
0xa1: {  	s23 =	simm.s32 $0x1B8B  }
0xa2: {  	_ =	swait.ge [sflag:s23], $0x1  }
0xa3: {  	[sflag:s23] =	ssyncset.done $0x0  }
0xa4: {  	s25 =	simm.s32 $0x1B8E;
	s24 =	sld [smem:$0x3FFE];
	[sflag:s23] =	ssyncadd.s32 $0xFFFFFFFF  }
0xa5: {  	s26 =	simm.s32 $execute0_lowered;
	[smem:$0x3FD2] =	sst s25  }
0xa6: {  	s4 =	sshll.u32 s26, $0x1;
	_ =	strace $0x80000046;
	[dreg:$0x1] =	wrdreg $0xFFFFFFFF  }
0xa7: {  	s28 =	simm.s32 $_size_execute0_lowered;
	s2 =	sadd.s32 s2, s4;
	[dreg:$0x0] =	wrdreg $0x0  }
0xa8: {  	s4 =	sshll.u32 s28, $0x1;
	[dreg:$0x2] =	wrdreg s2  }
0xa9: {  	[dreg:$0x3] =	wrdreg s4  }
0xaa: {  	[dreg:$0x4] =	wrdreg $0xC0  }
0xab: {  	_ =	task [dreg:s6], $0x5FFFF  }
0xac: {  	[dreg:$0x1] =	wrdreg $0xFFFFFFFF  }
0xad: {  	[dreg:$0x0] =	wrdreg $0x60  }
0xae: {  	[dreg:$0x2] =	wrdreg s24  }
0xaf: {  	[dreg:$0x3] =	wrdreg $0x9  }
0xb0: {  	_ =	task.clear_ibuf [dreg:s6], $0x4FFFF;
	_ =	strace $0x90000046  }
0xb1: {  	s29 =	simm.s32 $0x9;
	_ =	strace $0x80000048  }
0xb2: {  	_ =	swait.ge [sflag:s29], $0x1  }
0xb3: {  	[sflag:s29] =	ssyncadd.s32 $0xFFFFFFFF  }
0xb4: {  	_ =	strace $0x90000048  }
0xb5: {  	_ =	sfence  }
0xb6: {  	s30 =	sld [smem:$0x0];
	_ =	sdelay $0x2  }
0xb7: {  	s31 =	sshll.u32 s1, $0xD;
	s1 =	sshrl.u32 s1, $0x2  }
0xb8: {  	s3 =	sand.u32 $0x4000, s31;
	s1 =	sadd.s32 s1, s30  }
0xb9: {  	s0 =	sor.u32 s3, s0;
	s1 =	sshll.u32 s1, $0x11  }
0xba: {  	s0 =	sor.u32 s1, s0  }
0xbb: {  	s0 =	sadd.s32 $0x8F2B, s0  }
0xbc: {  	[sflag:s0] =	ssyncadd.remote.s32 $0x1  }
0xbd: {  	_ =	sfence.sel $0xFFFF  }
0xbe: {  	[dreg:$0x0] =	wrdreg $0xFFFFFFFF;
	(pc) =	sbr.abs _section_cstart, $3  }
0xbf: {  	[dreg:$0x1] =	wrdreg $0xFFFFFFFF  }
0xc0: {  	_ =	task.clear_ibuf [dreg:s6], $0x2FFFF;
	_ =	strace $0x9FFFFFFF  }
0xc1: {  	(tm) =	ssettm $0x7FFFFFFF  }
tec
execute0_lowered:
.L_overlay_start_1:
0x0: {  	(tag) =	ssettag $0x1  }
0x1: {  	s1 =	stileid.u32  }
0x2: {  	p0 =	sgt.u32 s1, $0x7  }
.Ltmp0:
0x3: {  	_ = 	snop;
	(pc) =	sbr.rel @p0 .LBB2_5-.Ltmp0, $4  }
0x4: {  	_ = 	snop  }
0x5: {  	s3 =	rddreg [dreg:$0x0];
	s2 =	simm.s32 $0x0  }
0x6: {  	[smem:$0x7FF] =	sst s2  }
0x7: {  	s0 =	rddreg [dreg:$0x1];
	_ =	strace $0x80000047  }
0x8: {  	v0 =	vlaneseq.u32  }
0x9: {  	v42 =	vadd.s32 $0x61, v0  }
0xa: {  	v3 =	vor.u32 $0x10, v0;
	v4 =	vor.u32 $0x20, v0;
	v52 =	vadd.s32 $0xA1, v0;
	[tilespmem:$0x1FF00] =	vst v42  }
0xb: {  	v5 =	vor.u32 $0x30, v0;
	v6 =	vor.u32 $0x40, v0;
	v41 =	vadd.s32 $0xB1, v0;
	[tilespmem:$0x1FF10] =	vst v52  }
0xc: {  	v7 =	vor.u32 $0x50, v0;
	v8 =	vor.u32 $0x60, v0;
	v53 =	vadd.s32 $0xC1, v0;
	[tilespmem:$0x1FF20] =	vst v41  }
0xd: {  	v9 =	vor.u32 $0x70, v0;
	v10 =	vor.u32 $0x80, v0;
	v37 =	vadd.s32 $0xD1, v0;
	[tilespmem:$0x1FF30] =	vst v53  }
0xe: {  	v11 =	vor.u32 $0x90, v0;
	v12 =	vor.u32 $0xA0, v0;
	v34 =	vadd.s32 $0xE1, v0;
	[tilespmem:$0x1FF40] =	vst v37  }
0xf: {  	v13 =	vor.u32 $0xB0, v0;
	v14 =	vor.u32 $0xC0, v0;
	v35 =	vadd.s32 $0xF1, v0;
	[tilespmem:$0x1FF50] =	vst v34  }
0x10: {  	v15 =	vor.u32 $0xD0, v0;
	v16 =	vor.u32 $0xE0, v0;
	v40 =	vadd.s32 $0x101, v0;
	[tilespmem:$0x1FF60] =	vst v35  }
0x11: {  	v17 =	vor.u32 $0xF0, v0;
	v18 =	vor.u32 $0x100, v0;
	v36 =	vadd.s32 $0x111, v0;
	[tilespmem:$0x1FF70] =	vst v40  }
0x12: {  	s4 =	srdreg.scid;
	v19 =	vor.u32 $0x110, v0;
	v20 =	vor.u32 $0x120, v0;
	v54 =	vadd.s32 $0x121, v0;
	[tilespmem:$0x1FF80] =	vst v36  }
0x13: {  	s5 =	sshll.u32 s1, $0x1;
	v21 =	vor.u32 $0x130, v0;
	v22 =	vor.u32 $0x140, v0;
	s4 =	sand.u32 $0x1, s4;
	v55 =	vadd.s32 $0x131, v0;
	[tilespmem:$0x1FF90] =	vst v54  }
0x14: {  	s7 =	sadd.s32 $0x600, s3;
	v23 =	vor.u32 $0x150, v0;
	v24 =	vor.u32 $0x160, v0;
	v31 =	vadd.s32 $0x141, v0;
	s5 =	sor.u32 s4, s5;
	[tilespmem:$0x1FFA0] =	vst v55  }
0x15: {  	v25 =	vor.u32 $0x170, v0;
	v26 =	vor.u32 $0x180, v0;
	v32 =	vadd.s32 $0x151, v0;
	s8 =	ssub.s32 $0x2, s4;
	[tilespmem:$0x1FFB0] =	vst v31;
	s6 =	smul.u32 $0x32, s5;
	s5 =	sshll.u32 s5, $0x3  }
0x16: {  	s10 =	simm.s32 $0x0;
	v43 =	vadd.s32 $0x1, v0;
	v44 =	vadd.s32 $0x11, v0;
	v33 =	vadd.s32 $0x161, v0;
	[tilespmem:$0x1FFC0] =	vst v32;
	s9 =	sshrl.u32 s8, $0x1;
	s5 =	sadd.s32 s5, s3  }
0x17: {  	v45 =	vadd.s32 $0x21, v0;
	v46 =	vadd.s32 $0x31, v0;
	v56 =	vadd.s32 $0x171, v0;
	[tilespmem:$0x1FFD0] =	vst v33;
	s8 =	ssub.s32 s8, s9;
	s9 =	simm.s32 $0x400;
	s31 =	sadd.s32 s6, s3  }
0x18: {  	v47 =	vadd.s32 $0x41, v0;
	v48 =	vadd.s32 $0x51, v0;
	v39 =	vadd.s32 $0x181, v0;
	[tilespmem:$0x1FFE0] =	vst v56;
	s4 =	sadd.s32 $0xE00, s5;
	s5 =	sadd.s32 s7, s6;
	s6 =	smax.u32 s8, $0x1  }
0x19: {  	v49 =	vadd.s32 $0x71, v0;
	v50 =	vadd.s32 $0x81, v0;
	v51 =	vadd.s32 $0x91, v0;
	[tilespmem:$0x1FFF0] =	vst v39;
	s7 =	simm.s32 $0x1;
	s8 =	simm.s32 $0x200;
	s3 =	sadd.s32 $0xA00, s31  }
.LBB2_2:
0x1a: {  	[tilespmem:s2], [sflag:$0x1] =	stream.linear.gather [hbm4b:s5+s2], $0x190, $0x38;
	[tilespmem:$0x480] =	vst v63  }
0x1b: {  	_ =	swait.ge [sflag:s7], $0x190  }
0x1c: {  	[sflag:s7] =	ssyncset.done $0x0  }
0x1d: {  	[sflag:s7] =	ssyncadd.s32 $0xFFFFFE70  }
0x1e: {  	[tilespmem:s8], [sflag:$0x1] =	stream.linear.gather [hbm4b:s3+s2], $0x190, $0x38;
	[tilespmem:$0x480] =	vst v63  }
0x1f: {  	_ =	swait.ge [sflag:s7], $0x190  }
0x20: {  	[sflag:s7] =	ssyncset.done $0x0  }
0x21: {  	v1 =	vimm.s32 $0xFFFFFFFF;
	[sflag:s7] =	ssyncadd.s32 $0xFFFFFE70  }
0x22: {  	[tilespmem:$0x400] =	vst v1  }
0x23: {  	[tilespmem:$0x410] =	vst v1;
	v1 =	vimm.s32 $0x0  }
0x24: {  	[tilespmem:$0x420] =	vst v1  }
0x25: {  	s11 =	simm.s32 $0x14;
	[tilespmem:$0x430] =	vst v1  }
.LBB2_3:
0x26: {  	v37 =	vld [tilespmem:$0x0];
	_ =	sdelay $0x3  }
0x27: {  	v36 =	vld [tilespmem:$0x10]  }
0x28: {  	vm0 =	vlt.f32 v37, $+Inf;
	vm1 =	vgt.f32 v37, $+Inf  }
0x29: {  	v34 =	vld [tilespmem:$0x20];
	v1 =	vimm.s32 $0x0;
	vm0 =	vmor vm1, vm0  }
0x2a: {  	v1 =	vsel vm0, $0xFFFFFFFF, v1  }
0x2b: {  	v35 =	vld [tilespmem:$0x30];
	[tilespmem:$0x1FE10] =	vst v1;
	v1 =	vnsel vm0, $0x7F800000, v37  }
0x2c: {  	vm0 =	vlt.f32 v36, v1  }
0x2d: {  	v2 =	vimm.s32 $0x0;
	v31 =	vld [tilespmem:$0x40];
	v1 =	vsel vm0, v36, v1  }
0x2e: {  	v2 =	vsel vm0, $0xFFFFFFFF, v2;
	vm0 =	vlt.f32 v34, v1  }
0x2f: {  	v32 =	vld [tilespmem:$0x50];
	[tilespmem:$0x1FE20] =	vst v2;
	v2 =	vimm.s32 $0x0;
	v1 =	vsel vm0, v34, v1  }
0x30: {  	v2 =	vsel vm0, $0xFFFFFFFF, v2;
	vm0 =	vlt.f32 v35, v1  }
0x31: {  	v33 =	vld [tilespmem:$0x60];
	[tilespmem:$0x1FE30] =	vst v2;
	v2 =	vimm.s32 $0x0;
	v1 =	vsel vm0, v35, v1  }
0x32: {  	v2 =	vsel vm0, $0xFFFFFFFF, v2;
	vm0 =	vlt.f32 v31, v1  }
0x33: {  	v53 =	vld [tilespmem:$0x70];
	[tilespmem:$0x1FE40] =	vst v2;
	v2 =	vimm.s32 $0x0;
	v1 =	vsel vm0, v31, v1  }
0x34: {  	v2 =	vsel vm0, $0xFFFFFFFF, v2;
	vm0 =	vlt.f32 v32, v1  }
0x35: {  	v52 =	vld [tilespmem:$0x80];
	[tilespmem:$0x1FE50] =	vst v2;
	v2 =	vimm.s32 $0x0;
	v1 =	vsel vm0, v32, v1  }
0x36: {  	v2 =	vsel vm0, $0xFFFFFFFF, v2;
	vm0 =	vlt.f32 v33, v1  }
0x37: {  	v30 =	vld [tilespmem:$0x90];
	[tilespmem:$0x1FE60] =	vst v2;
	v2 =	vimm.s32 $0x0;
	v1 =	vsel vm0, v33, v1  }
0x38: {  	v2 =	vsel vm0, $0xFFFFFFFF, v2;
	vm0 =	vlt.f32 v53, v1  }
0x39: {  	v55 =	vld [tilespmem:$0xA0];
	[tilespmem:$0x1FE70] =	vst v2;
	v2 =	vimm.s32 $0x0;
	v1 =	vsel vm0, v53, v1  }
0x3a: {  	v2 =	vsel vm0, $0xFFFFFFFF, v2;
	vm0 =	vlt.f32 v52, v1  }
0x3b: {  	v54 =	vld [tilespmem:$0xB0];
	[tilespmem:$0x1FE80] =	vst v2;
	v2 =	vimm.s32 $0x0;
	v1 =	vsel vm0, v52, v1  }
0x3c: {  	v2 =	vsel vm0, $0xFFFFFFFF, v2;
	vm0 =	vlt.f32 v30, v1  }
0x3d: {  	v56 =	vld [tilespmem:$0xC0];
	v38 =	vsel vm0, v30, v1  }
0x3e: {  	vm10 =	vlt.f32 v55, v38  }
0x3f: {  	v63 =	vld [tilespmem:$0xD0];
	v38 =	vsel vm10, v55, v38  }
0x40: {  	vm11 =	vlt.f32 v54, v38  }
0x41: {  	v61 =	vld [tilespmem:$0xE0];
	v38 =	vsel vm11, v54, v38  }
0x42: {  	vm12 =	vlt.f32 v56, v38  }
0x43: {  	v62 =	vld [tilespmem:$0xF0];
	v38 =	vsel vm12, v56, v38  }
0x44: {  	vm13 =	vlt.f32 v63, v38  }
0x45: {  	v60 =	vld [tilespmem:$0x100];
	[tilespmem:$0x1FE90] =	vst v2;
	v2 =	vimm.s32 $0x0;
	v38 =	vsel vm13, v63, v38  }
0x46: {  	v2 =	vsel vm0, $0xFFFFFFFF, v2;
	vm0 =	vlt.f32 v61, v38  }
0x47: {  	v59 =	vld [tilespmem:$0x110];
	v38 =	vsel vm0, v61, v38  }
0x48: {  	vm1 =	vlt.f32 v62, v38  }
0x49: {  	v58 =	vld [tilespmem:$0x120];
	v38 =	vsel vm1, v62, v38  }
0x4a: {  	vm2 =	vlt.f32 v60, v38  }
0x4b: {  	v57 =	vld [tilespmem:$0x130];
	v38 =	vsel vm2, v60, v38  }
0x4c: {  	vm3 =	vlt.f32 v59, v38  }
0x4d: {  	v1 =	vld [tilespmem:$0x140];
	v38 =	vsel vm3, v59, v38  }
0x4e: {  	vm4 =	vlt.f32 v58, v38  }
0x4f: {  	v28 =	vld [tilespmem:$0x150];
	v38 =	vsel vm4, v58, v38  }
0x50: {  	vm5 =	vlt.f32 v57, v38  }
0x51: {  	v27 =	vld [tilespmem:$0x160];
	v38 =	vsel vm5, v57, v38  }
0x52: {  	vm6 =	vlt.f32 v1, v38  }
0x53: {  	[tilespmem:$0x1FEA0] =	vst v2;
	v2 =	vld [tilespmem:$0x170];
	v38 =	vsel vm6, v1, v38  }
0x54: {  	vm7 =	vlt.f32 v28, v38  }
0x55: {  	[tilespmem:$0x1FEB0] =	vst v1;
	v1 =	vld [tilespmem:$0x180];
	v38 =	vsel vm7, v28, v38  }
0x56: {  	vm8 =	vlt.f32 v27, v38  }
0x57: {  	v38 =	vsel vm8, v27, v38  }
0x58: {  	vm14 =	vlt.f32 v2, v38  }
0x59: {  	v38 =	vsel vm14, v2, v38  }
0x5a: {  	vm15 =	vlt.f32 v1, v38  }
0x5b: {  	[tilespmem:$0x1FEF0] =	vst v1;
	v38 =	vsel vm15, v1, v38;
	v1 =	vld [tilespmem:$0x1FE10];
	_ =	sdelay $0x4  }
0x5c: {  	vm9 =	vnez.u8 v1;
	v1 =	vld [tilespmem:$0x1FE20];
	_ =	sdelay $0x4  }
0x5d: {  	v39 =	vnsel vm9, $0x40000000, v0;
	vm9 =	vnez.u8 v1;
	v1 =	vld [tilespmem:$0x1FE30];
	_ =	sdelay $0x4  }
0x5e: {  	v39 =	vsel vm9, v3, v39;
	vm9 =	vnez.u8 v1;
	v1 =	vld [tilespmem:$0x1FE40];
	_ =	sdelay $0x4  }
0x5f: {  	v39 =	vsel vm9, v4, v39;
	vm9 =	vnez.u8 v1;
	v1 =	vld [tilespmem:$0x1FE50];
	_ =	sdelay $0x4  }
0x60: {  	v39 =	vsel vm9, v5, v39;
	vm9 =	vnez.u8 v1;
	v1 =	vld [tilespmem:$0x1FE60];
	_ =	sdelay $0x4  }
0x61: {  	v39 =	vsel vm9, v6, v39;
	vm9 =	vnez.u8 v1;
	v1 =	vld [tilespmem:$0x1FE70];
	_ =	sdelay $0x3  }
0x62: {  	(v2sf) =	vpush v38, $0x0  }
0x63: {  	(v2sf) =	vpush v38, $0x1;
	v39 =	vsel vm9, v7, v39;
	vm9 =	vnez.u8 v1;
	v1 =	vld [tilespmem:$0x1FE80]  }
0x64: {  	(v2sf) =	vpush v38, $0x2  }
0x65: {  	(v2sf) =	vpush v38, $0x3  }
0x66: {  	(v2sf) =	vpush v38, $0x4  }
0x67: {  	(v2sf) =	vpush v38, $0x5  }
0x68: {  	(v2sf) =	vpush v38, $0x6;
	v39 =	vsel vm9, v8, v39;
	vm9 =	vnez.u8 v1;
	v1 =	vld [tilespmem:$0x1FE90]  }
0x69: {  	(v2sf) =	vpush v38, $0x7  }
0x6a: {  	(v2sf) =	vpush v38, $0x8  }
0x6b: {  	(v2sf) =	vpush v38, $0x9  }
0x6c: {  	(v2sf) =	vpush v38, $0xA  }
0x6d: {  	(v2sf) =	vpush v38, $0xB;
	v39 =	vsel vm9, v9, v39;
	vm9 =	vnez.u8 v1;
	v1 =	vld [tilespmem:$0x1FEA0]  }
0x6e: {  	(v2sf) =	vpush v38, $0xC  }
0x6f: {  	(v2sf) =	vpush v38, $0xD  }
0x70: {  	(v2sf) =	vpush v38, $0xE  }
0x71: {  	s12 =	spop (v2sf);
	(v2sf) =	vpush v38, $0xF  }
0x72: {  	s13 =	spop (v2sf);
	v39 =	vsel vm9, v10, v39;
	vm9 =	vnez.u8 v1  }
0x73: {  	s14 =	spop (v2sf);
	s12 =	smin.f32 s12, s13;
	v39 =	vsel vm9, v11, v39  }
0x74: {  	s31 =	spop (v2sf);
	s12 =	smin.f32 s12, s14;
	v39 =	vsel vm10, v12, v39  }
0x75: {  	s15 =	spop (v2sf);
	s12 =	smin.f32 s12, s31;
	v39 =	vsel vm11, v13, v39  }
0x76: {  	s16 =	spop (v2sf);
	s12 =	smin.f32 s12, s15;
	v39 =	vsel vm12, v14, v39  }
0x77: {  	s17 =	spop (v2sf);
	s12 =	smin.f32 s12, s16;
	v39 =	vsel vm13, v15, v39  }
0x78: {  	s12 =	smin.f32 s12, s17;
	s18 =	spop (v2sf);
	v39 =	vsel vm0, v16, v39  }
0x79: {  	s12 =	smin.f32 s12, s18;
	s19 =	spop (v2sf);
	v39 =	vsel vm1, v17, v39  }
0x7a: {  	s12 =	smin.f32 s12, s19;
	s20 =	spop (v2sf);
	v39 =	vsel vm2, v18, v39  }
0x7b: {  	s12 =	smin.f32 s12, s20;
	s21 =	spop (v2sf);
	v39 =	vsel vm3, v19, v39  }
0x7c: {  	s12 =	smin.f32 s12, s21;
	s22 =	spop (v2sf);
	v39 =	vsel vm4, v20, v39  }
0x7d: {  	s12 =	smin.f32 s12, s22;
	s23 =	spop (v2sf);
	v39 =	vsel vm5, v21, v39  }
0x7e: {  	s12 =	smin.f32 s12, s23;
	s24 =	spop (v2sf);
	v39 =	vsel vm6, v22, v39  }
0x7f: {  	s12 =	smin.f32 s12, s24;
	s25 =	spop (v2sf);
	v39 =	vsel vm7, v23, v39  }
0x80: {  	s12 =	smin.f32 s12, s25;
	s26 =	spop (v2sf);
	v39 =	vsel vm8, v24, v39  }
0x81: {  	s12 =	smin.f32 s12, s26;
	v39 =	vsel vm14, v25, v39  }
0x82: {  	vm9 =	veq.f32 v38, s12;
	v39 =	vsel vm15, v26, v39  }
0x83: {  	v38 =	vnsel vm9, $0x40000000, v39  }
0x84: {  	(v2sf) =	vpush v38, $0x0  }
0x85: {  	(v2sf) =	vpush v38, $0x1;
	_ =	sdelay $0x1  }
0x86: {  	(v2sf) =	vpush v38, $0x2;
	_ =	sdelay $0x1  }
0x87: {  	(v2sf) =	vpush v38, $0x3;
	_ =	sdelay $0x1  }
0x88: {  	(v2sf) =	vpush v38, $0x4;
	_ =	sdelay $0x1  }
0x89: {  	(v2sf) =	vpush v38, $0x5;
	_ =	sdelay $0x1  }
0x8a: {  	(v2sf) =	vpush v38, $0x6;
	_ =	sdelay $0x1  }
0x8b: {  	(v2sf) =	vpush v38, $0x7;
	_ =	sdelay $0x1  }
0x8c: {  	(v2sf) =	vpush v38, $0x8;
	s12 =	spop (v2sf)  }
0x8d: {  	s13 =	spop (v2sf)  }
0x8e: {  	(v2sf) =	vpush v38, $0x9;
	p0 =	slt.s32 s12, s13  }
0x8f: {  	s13 =	smov.u32 @p0 s12;
	s12 =	spop (v2sf)  }
0x90: {  	(v2sf) =	vpush v38, $0xA;
	p0 =	slt.s32 s13, s12  }
0x91: {  	s12 =	smov.u32 @p0 s13;
	s13 =	spop (v2sf)  }
0x92: {  	(v2sf) =	vpush v38, $0xB;
	p0 =	slt.s32 s12, s13  }
0x93: {  	s13 =	smov.u32 @p0 s12;
	s12 =	spop (v2sf)  }
0x94: {  	(v2sf) =	vpush v38, $0xC;
	p0 =	slt.s32 s13, s12  }
0x95: {  	s12 =	smov.u32 @p0 s13;
	s13 =	spop (v2sf)  }
0x96: {  	(v2sf) =	vpush v38, $0xD;
	p0 =	slt.s32 s12, s13  }
0x97: {  	s13 =	smov.u32 @p0 s12;
	s12 =	spop (v2sf)  }
0x98: {  	(v2sf) =	vpush v38, $0xE;
	p0 =	slt.s32 s13, s12  }
0x99: {  	s12 =	smov.u32 @p0 s13;
	s13 =	spop (v2sf)  }
0x9a: {  	(v2sf) =	vpush v38, $0xF;
	p0 =	slt.s32 s12, s13  }
0x9b: {  	s13 =	smov.u32 @p0 s12;
	s12 =	spop (v2sf)  }
0x9c: {  	p0 =	slt.s32 s13, s12  }
0x9d: {  	s12 =	smov.u32 @p0 s13;
	s13 =	spop (v2sf)  }
0x9e: {  	p0 =	slt.s32 s12, s13  }
0x9f: {  	s13 =	smov.u32 @p0 s12;
	s12 =	spop (v2sf)  }
0xa0: {  	p0 =	slt.s32 s13, s12  }
0xa1: {  	s12 =	smov.u32 @p0 s13;
	s13 =	spop (v2sf)  }
0xa2: {  	p0 =	slt.s32 s12, s13  }
0xa3: {  	s13 =	smov.u32 @p0 s12;
	s12 =	spop (v2sf)  }
0xa4: {  	p0 =	slt.s32 s13, s12  }
0xa5: {  	s12 =	smov.u32 @p0 s13;
	s13 =	spop (v2sf)  }
0xa6: {  	p0 =	slt.s32 s12, s13  }
0xa7: {  	v38 =	vld [tilespmem:$0x200];
	s14 =	spop (v2sf);
	s13 =	smov.u32 @p0 s12  }
0xa8: {  	p0 =	slt.s32 s13, s14  }
0xa9: {  	s12 =	spop (v2sf);
	s14 =	smov.u32 @p0 s13  }
0xaa: {  	v39 =	vld [tilespmem:$0x210];
	p0 =	slt.s32 s14, s12  }
0xab: {  	s12 =	smov.u32 @p0 s14  }
0xac: {  	v41 =	vld [tilespmem:$0x220];
	vm10 =	vlt.s32 v38, $0x40000000;
	v40 =	vmov s12  }
0xad: {  	v42 =	vnsel vm10, $0x40000000, v38;
	vm11 =	veq.s32 v40, v0  }
0xae: {  	v29 =	vmov v48;
	v48 =	vmov v43;
	v43 =	vld [tilespmem:$0x230];
	v42 =	vnsel vm11, $0x40000000, v42  }
0xaf: {  	[tilespmem:$0x1FEC0] =	vst v28;
	v28 =	vmov v49;
	vm12 =	vlt.s32 v42, v39  }
0xb0: {  	v49 =	vmovc v44;
	v44 =	vld [tilespmem:$0x240];
	vm13 =	veq.s32 v40, v3;
	vm14 =	veq.s32 v40, v4;
	v39 =	vsel vm12, v42, v39  }
0xb1: {  	v41 =	vnsel vm14, $0x40000000, v41;
	v39 =	vsel vm13, v39, v42  }
0xb2: {  	vm15 =	veq.s32 v40, v5;
	v42 =	vld [tilespmem:$0x250];
	vm0 =	vlt.s32 v39, v41  }
0xb3: {  	v39 =	vsel vm0, v39, v41;
	v41 =	vnsel vm15, $0x40000000, v43  }
0xb4: {  	vm4 =	veq.s32 v40, v6;
	v43 =	vld [tilespmem:$0x260];
	vm0 =	vlt.s32 v39, v41  }
0xb5: {  	v39 =	vsel vm0, v39, v41;
	v41 =	vnsel vm4, $0x40000000, v44  }
0xb6: {  	vm5 =	veq.s32 v40, v7;
	v44 =	vld [tilespmem:$0x270];
	vm0 =	vlt.s32 v39, v41  }
0xb7: {  	v39 =	vsel vm0, v39, v41;
	v41 =	vnsel vm5, $0x40000000, v42  }
0xb8: {  	vm6 =	veq.s32 v40, v8;
	v42 =	vld [tilespmem:$0x280];
	vm0 =	vlt.s32 v39, v41  }
0xb9: {  	v39 =	vsel vm0, v39, v41;
	v41 =	vnsel vm6, $0x40000000, v43  }
0xba: {  	vm7 =	veq.s32 v40, v9;
	v43 =	vld [tilespmem:$0x290];
	vm0 =	vlt.s32 v39, v41  }
0xbb: {  	v39 =	vsel vm0, v39, v41;
	v41 =	vnsel vm7, $0x40000000, v44  }
0xbc: {  	vm8 =	veq.s32 v40, v10;
	v44 =	vld [tilespmem:$0x2A0];
	vm0 =	vlt.s32 v39, v41  }
0xbd: {  	v39 =	vsel vm0, v39, v41;
	v41 =	vnsel vm8, $0x40000000, v42  }
0xbe: {  	vm9 =	veq.s32 v40, v11;
	v42 =	vld [tilespmem:$0x2B0];
	vm0 =	vlt.s32 v39, v41  }
0xbf: {  	v39 =	vsel vm0, v39, v41;
	v41 =	vnsel vm9, $0x40000000, v43  }
0xc0: {  	vm10 =	veq.s32 v40, v12;
	v43 =	vld [tilespmem:$0x2C0];
	vm0 =	vlt.s32 v39, v41  }
0xc1: {  	v39 =	vsel vm0, v39, v41;
	v41 =	vnsel vm10, $0x40000000, v44  }
0xc2: {  	vm11 =	veq.s32 v40, v13;
	v44 =	vld [tilespmem:$0x2D0];
	vm0 =	vlt.s32 v39, v41  }
0xc3: {  	v39 =	vsel vm0, v39, v41;
	v41 =	vnsel vm11, $0x40000000, v42  }
0xc4: {  	vm12 =	veq.s32 v40, v14;
	v42 =	vld [tilespmem:$0x2E0];
	vm0 =	vlt.s32 v39, v41  }
0xc5: {  	v39 =	vsel vm0, v39, v41;
	v41 =	vnsel vm12, $0x40000000, v43  }
0xc6: {  	vm13 =	veq.s32 v40, v15;
	v43 =	vld [tilespmem:$0x2F0];
	vm0 =	vlt.s32 v39, v41  }
0xc7: {  	v39 =	vsel vm0, v39, v41;
	v41 =	vnsel vm13, $0x40000000, v44  }
0xc8: {  	vm14 =	veq.s32 v40, v16;
	v44 =	vld [tilespmem:$0x300];
	vm0 =	vlt.s32 v39, v41  }
0xc9: {  	v39 =	vsel vm0, v39, v41;
	v41 =	vnsel vm14, $0x40000000, v42  }
0xca: {  	vm15 =	veq.s32 v40, v17;
	v42 =	vld [tilespmem:$0x310];
	vm0 =	vlt.s32 v39, v41  }
0xcb: {  	v39 =	vsel vm0, v39, v41;
	v41 =	vnsel vm15, $0x40000000, v43  }
0xcc: {  	vm4 =	veq.s32 v40, v18;
	v43 =	vld [tilespmem:$0x320];
	vm0 =	vlt.s32 v39, v41  }
0xcd: {  	v39 =	vsel vm0, v39, v41;
	v41 =	vnsel vm4, $0x40000000, v44  }
0xce: {  	vm5 =	veq.s32 v40, v19;
	v44 =	vld [tilespmem:$0x330];
	vm0 =	vlt.s32 v39, v41  }
0xcf: {  	v39 =	vsel vm0, v39, v41;
	v41 =	vnsel vm5, $0x40000000, v42  }
0xd0: {  	vm6 =	veq.s32 v40, v20;
	v42 =	vld [tilespmem:$0x340];
	vm0 =	vlt.s32 v39, v41  }
0xd1: {  	v39 =	vsel vm0, v39, v41;
	v41 =	vnsel vm6, $0x40000000, v43  }
0xd2: {  	vm7 =	veq.s32 v40, v21;
	v43 =	vld [tilespmem:$0x350];
	vm0 =	vlt.s32 v39, v41  }
0xd3: {  	v39 =	vsel vm0, v39, v41;
	v41 =	vnsel vm7, $0x40000000, v44  }
0xd4: {  	vm8 =	veq.s32 v40, v22;
	v44 =	vld [tilespmem:$0x360];
	vm0 =	vlt.s32 v39, v41  }
0xd5: {  	v39 =	vsel vm0, v39, v41;
	v41 =	vnsel vm8, $0x40000000, v42  }
0xd6: {  	vm9 =	veq.s32 v40, v23;
	v42 =	vld [tilespmem:$0x370];
	vm0 =	vlt.s32 v39, v41  }
0xd7: {  	v39 =	vsel vm0, v39, v41;
	v41 =	vnsel vm9, $0x40000000, v43  }
0xd8: {  	vm10 =	veq.s32 v40, v24;
	v43 =	vld [tilespmem:$0x380];
	vm0 =	vlt.s32 v39, v41  }
0xd9: {  	v44 =	vnsel vm10, $0x40000000, v44;
	v39 =	vsel vm0, v39, v41  }
0xda: {  	vm11 =	veq.s32 v40, v25;
	vm0 =	vlt.s32 v39, v44  }
0xdb: {  	v39 =	vsel vm0, v39, v44;
	v44 =	vnsel vm11, $0x40000000, v42  }
0xdc: {  	vm12 =	veq.s32 v40, v26;
	vm0 =	vlt.s32 v39, v44  }
0xdd: {  	v40 =	vnsel vm12, $0x40000000, v43;
	v39 =	vsel vm0, v39, v44  }
0xde: {  	vm0 =	vlt.s32 v39, v40  }
0xdf: {  	v39 =	vsel vm0, v39, v40  }
0xe0: {  	(v2sf) =	vpush v39, $0x0  }
0xe1: {  	(v2sf) =	vpush v39, $0x1;
	_ =	sdelay $0x1  }
0xe2: {  	(v2sf) =	vpush v39, $0x2;
	_ =	sdelay $0x1  }
0xe3: {  	(v2sf) =	vpush v39, $0x3;
	_ =	sdelay $0x1  }
0xe4: {  	(v2sf) =	vpush v39, $0x4;
	_ =	sdelay $0x1  }
0xe5: {  	(v2sf) =	vpush v39, $0x5;
	_ =	sdelay $0x1  }
0xe6: {  	(v2sf) =	vpush v39, $0x6;
	_ =	sdelay $0x1  }
0xe7: {  	(v2sf) =	vpush v39, $0x7;
	_ =	sdelay $0x1  }
0xe8: {  	(v2sf) =	vpush v39, $0x8;
	s13 =	spop (v2sf)  }
0xe9: {  	s14 =	spop (v2sf)  }
0xea: {  	p0 =	slt.s32 s13, s14  }
0xeb: {  	(v2sf) =	vpush v39, $0x9;
	s14 =	smov.u32 @p0 s13;
	s13 =	spop (v2sf)  }
0xec: {  	p0 =	slt.s32 s14, s13  }
0xed: {  	(v2sf) =	vpush v39, $0xA;
	s15 =	spop (v2sf);
	s13 =	smov.u32 @p0 s14  }
0xee: {  	p0 =	slt.s32 s13, s15  }
0xef: {  	(v2sf) =	vpush v39, $0xB;
	s15 =	smov.u32 @p0 s13;
	s13 =	spop (v2sf)  }
0xf0: {  	p0 =	slt.s32 s15, s13  }
0xf1: {  	(v2sf) =	vpush v39, $0xC;
	s14 =	spop (v2sf);
	s13 =	smov.u32 @p0 s15  }
0xf2: {  	p0 =	slt.s32 s13, s14  }
0xf3: {  	(v2sf) =	vpush v39, $0xD;
	s14 =	smov.u32 @p0 s13;
	s13 =	spop (v2sf)  }
0xf4: {  	p0 =	slt.s32 s14, s13  }
0xf5: {  	(v2sf) =	vpush v39, $0xE;
	s15 =	spop (v2sf);
	s13 =	smov.u32 @p0 s14  }
0xf6: {  	p0 =	slt.s32 s13, s15  }
0xf7: {  	s15 =	smov.u32 @p0 s13;
	s13 =	spop (v2sf);
	(v2sf) =	vpush v39, $0xF;
	_ =	sdelay $0x1  }
0xf8: {  	p0 =	slt.s32 s15, s13  }
0xf9: {  	s14 =	spop (v2sf);
	s13 =	smov.u32 @p0 s15  }
0xfa: {  	p0 =	slt.s32 s13, s14  }
0xfb: {  	s15 =	spop (v2sf);
	s14 =	smov.u32 @p0 s13  }
0xfc: {  	s28 =	smulhi.u32 $0x66666667, s12;
	s17 =	sshra.s32 s12, $0x1F;
	p0 =	slt.s32 s14, s15  }
0xfd: {  	s29 =	smul.u32 $0x66666667, s17;
	s16 =	spop (v2sf);
	s15 =	smov.u32 @p0 s14  }
0xfe: {  	p0 =	slt.s32 s15, s16  }
0xff: {  	[tilespmem:$0x1FEE0] =	vst v2;
	v2 =	vmov v50;
	v50 =	vmov v45;
	v45 =	vld [tilespmem:$0x270];
	s17 =	spop (v2sf);
	s13 =	sadd.s32 s29, s28;
	s16 =	smov.u32 @p0 s15  }
0x100: {  	v41 =	vld [tilespmem:$0x230];
	s14 =	sshrl.u32 s13, $0x1F;
	s13 =	sshra.s32 s13, $0x3;
	p0 =	slt.s32 s16, s17  }
0x101: {  	v42 =	vld [tilespmem:$0x240];
	s14 =	sadd.s32 s14, s13;
	s15 =	spop (v2sf);
	s17 =	smov.u32 @p0 s16  }
0x102: {  	v43 =	vld [tilespmem:$0x250];
	s13 =	smul.u32 $0xFFFFFFEC, s14;
	p0 =	slt.s32 s17, s15  }
0x103: {  	s30 =	ssub.s32 $0x0, s12;
	v40 =	vld [tilespmem:$0x220];
	s16 =	spop (v2sf);
	s15 =	smov.u32 @p0 s17  }
0x104: {  	p2 =	slt.s32 s12, $0x1;
	v39 =	vld [tilespmem:$0x210];
	p6 =	sne.s32 s13, s30;
	p1 =	slt.s32 s15, s16  }
0x105: {  	v44 =	vld [tilespmem:$0x260];
	p0 =	por !p2, !p6;
	s16 =	smov.u32 @p1 s15;
	s13 =	spop (v2sf)  }
0x106: {  	v1 =	vmov v51;
	v51 =	vmov v46;
	v46 =	vld [tilespmem:$0x280];
	p0 =	por !p0, !p0;
	s15 =	simm.s32 $0x1;
	p1 =	slt.s32 s16, s13  }
0x107: {  	v0 =	vmov v47;
	v47 =	vld [tilespmem:$0x290];
	s15 =	simm.s32 @!p0 $0x0;
	s13 =	smov.u32 @p1 s16  }
0x108: {  	[tilespmem:$0x1FED0] =	vst v27;
	v27 =	vlaneseq.u32;
	s15 =	ssub.s32 s14, s15;
	vm2 =	veq.s32 v38, s13  }
0x109: {  	s14 =	smul.u32 $0x14, s15;
	vm10 =	veq.s32 v39, s13;
	vm0 =	veq.s32 v40, s13;
	vm6 =	veq.s32 v41, s13  }
0x10a: {  	vm4 =	veq.s32 v42, s13;
	v40 =	vld [tilespmem:$0x2A0];
	vm3 =	veq.s32 v43, s13;
	vm1 =	veq.s32 v44, s13  }
0x10b: {  	v43 =	vmovc v48;
	vm7 =	veq.s32 v45, s13;
	v41 =	vld [tilespmem:$0x2B0];
	vm9 =	veq.s32 v46, s13;
	s31 =	sadd.s32 $0x14, s14;
	v39 =	vmov s14  }
0x10c: {  	v44 =	vmovc v49;
	vm11 =	veq.s32 v47, s13;
	v38 =	vmov s31;
	vm13 =	vlt.s32 v39, v43  }
0x10d: {  	v42 =	vld [tilespmem:$0x2C0];
	vm8 =	vlt.s32 v39, v44;
	vm14 =	vgt.s32 v38, v27;
	vm12 =	vgt.s32 v38, v3  }
0x10e: {  	v45 =	vmovc v50;
	vm15 =	vgt.s32 v38, v6;
	vm5 =	vmand vm13, vm14;
	vm12 =	vmand vm8, vm12  }
0x10f: {  	vm13 =	vlt.s32 v39, v45;
	vm2 =	vmor vm5, vm2;
	vm5 =	veq.s32 v40, s13;
	v40 =	vld [tilespmem:$0x2D0]  }
0x110: {  	v46 =	vmovc v51;
	vm14 =	vgt.s32 v38, v4;
	vm8 =	veq.s32 v41, s13;
	v37 =	vsel vm2, $0x7F800000, v37  }
0x111: {  	v41 =	vld [tilespmem:$0x2E0];
	vm2 =	vmor vm12, vm10;
	vm12 =	vmand vm13, vm14;
	vm13 =	vlt.s32 v39, v46  }
0x112: {  	vm14 =	vgt.s32 v38, v5;
	vm10 =	veq.s32 v42, s13;
	v42 =	vld [tilespmem:$0x2F0];
	vm12 =	vmor vm12, vm0  }
0x113: {  	v48 =	vmovc v29;
	v47 =	vmovc v0;
	v36 =	vsel vm2, $0x7F800000, v36;
	v34 =	vsel vm12, $0x7F800000, v34;
	vm12 =	vlt.s32 v39, v29;
	v29 =	vld [tilespmem:$0x1FF00]  }
0x114: {  	vm13 =	vmand vm13, vm14;
	vm14 =	vlt.s32 v39, v47;
	vm2 =	veq.s32 v40, s13;
	v40 =	vld [tilespmem:$0x300]  }
0x115: {  	vm6 =	vmor vm13, vm6;
	vm13 =	vmand vm14, vm15  }
0x116: {  	vm14 =	vgt.s32 v38, v8;
	vm15 =	vlt.s32 v39, v28;
	vm0 =	veq.s32 v41, s13;
	v41 =	vld [tilespmem:$0x310]  }
0x117: {  	v35 =	vsel vm6, $0x7F800000, v35;
	vm4 =	vmor vm13, vm4;
	vm13 =	vgt.s32 v38, v7  }
0x118: {  	vm12 =	vmand vm12, vm13;
	v31 =	vsel vm4, $0x7F800000, v31;
	vm6 =	veq.s32 v42, s13  }
0x119: {  	vm12 =	vmor vm12, vm3;
	vm13 =	vlt.s32 v39, v29;
	vm3 =	veq.s32 v40, s13;
	v40 =	vld [tilespmem:$0x320]  }
0x11a: {  	v32 =	vsel vm12, $0x7F800000, v32;
	vm12 =	vgt.s32 v38, v9;
	vm13 =	vmand vm13, vm14  }
0x11b: {  	v42 =	vld [tilespmem:$0x1FF10];
	vm12 =	vmand vm15, vm12;
	vm1 =	vmor vm13, vm1;
	vm4 =	veq.s32 v41, s13  }
0x11c: {  	v41 =	vld [tilespmem:$0x330];
	vm13 =	vgt.s32 v38, v10;
	v33 =	vsel vm1, $0x7F800000, v33;
	vm1 =	vlt.s32 v39, v2  }
0x11d: {  	vm15 =	vgt.s32 v38, v11;
	vm14 =	vlt.s32 v39, v1;
	vm13 =	vmand vm1, vm13  }
0x11e: {  	vm7 =	vmor vm12, vm7;
	vm9 =	vmor vm13, vm9;
	vm1 =	veq.s32 v40, s13;
	v40 =	vld [tilespmem:$0x340]  }
0x11f: {  	v49 =	vmovc v28;
	vm14 =	vmand vm14, vm15;
	v28 =	vsel vm7, $0x7F800000, v53;
	v29 =	vsel vm9, $0x7F800000, v52;
	v52 =	vld [tilespmem:$0x1FF20]  }
0x120: {  	v53 =	vld [tilespmem:$0x1FF30];
	vm11 =	vmor vm14, vm11;
	vm14 =	vgt.s32 v38, v12;
	vm13 =	vlt.s32 v39, v42  }
0x121: {  	vm9 =	vmand vm13, vm14;
	vm7 =	veq.s32 v41, s13;
	v41 =	vld [tilespmem:$0x1FF40]  }
0x122: {  	vm5 =	vmor vm9, vm5  }
0x123: {  	v50 =	vmovc v2;
	vm12 =	vgt.s32 v38, v13;
	v2 =	vsel vm5, $0x7F800000, v55;
	vm5 =	veq.s32 v40, s13;
	v40 =	vld [tilespmem:$0x1FF70]  }
0x124: {  	v30 =	vsel vm11, $0x7F800000, v30;
	vm13 =	vgt.s32 v38, v14;
	vm11 =	vlt.s32 v39, v52;
	v52 =	vld [tilespmem:$0x1FF50]  }
0x125: {  	vm14 =	vgt.s32 v38, v15;
	vm11 =	vmand vm11, vm12;
	vm12 =	vlt.s32 v39, v53;
	v53 =	vld [tilespmem:$0x1FF60]  }
0x126: {  	vm8 =	vmor vm11, vm8;
	vm15 =	vmand vm12, vm13;
	vm13 =	vlt.s32 v39, v41  }
0x127: {  	v42 =	vld [tilespmem:$0x350];
	v27 =	vsel vm8, $0x7F800000, v54;
	vm12 =	vmor vm15, vm10;
	vm8 =	vmand vm13, vm14  }
0x128: {  	v51 =	vmovc v1;
	vm10 =	vgt.s32 v38, v16;
	v1 =	vsel vm12, $0x7F800000, v56;
	vm14 =	vlt.s32 v39, v40;
	v40 =	vld [tilespmem:$0x1FF80]  }
0x129: {  	v54 =	vld [tilespmem:$0x1FF90];
	vm12 =	vgt.s32 v38, v17;
	vm2 =	vmor vm8, vm2;
	vm9 =	vlt.s32 v39, v52  }
0x12a: {  	v63 =	vsel vm2, $0x7F800000, v63;
	vm11 =	vlt.s32 v39, v53;
	vm15 =	vmand vm9, vm10  }
0x12b: {  	vm12 =	vmand vm11, vm12;
	vm13 =	vmor vm15, vm0;
	vm15 =	vgt.s32 v38, v18  }
0x12c: {  	vm0 =	veq.s32 v42, s13;
	vm6 =	vmor vm12, vm6;
	v42 =	vsel vm13, $0x7F800000, v61  }
0x12d: {  	vm11 =	vmand vm14, vm15;
	vm13 =	vgt.s32 v38, v19;
	vm12 =	vlt.s32 v39, v40  }
0x12e: {  	vm14 =	vlt.s32 v39, v54;
	v54 =	vld [tilespmem:$0x1FFB0];
	vm2 =	vmor vm11, vm3;
	vm3 =	vmand vm12, vm13  }
0x12f: {  	v55 =	vld [tilespmem:$0x1FFA0];
	vm12 =	vmor vm3, vm4  }
0x130: {  	[tilespmem:$0xC0] =	vst v1;
	v1 =	vsel vm12, $0x7F800000, v59  }
0x131: {  	vm15 =	vgt.s32 v38, v20;
	[tilespmem:$0x110] =	vst v1;
	v1 =	vld [tilespmem:$0x1FEB0]  }
0x132: {  	vm13 =	vmand vm14, vm15  }
0x133: {  	[tilespmem:$0x0] =	vst v37;
	v53 =	vld [tilespmem:$0x1FFC0];
	vm1 =	vmor vm13, vm1;
	vm13 =	vgt.s32 v38, v22;
	vm12 =	vlt.s32 v39, v54  }
0x134: {  	[tilespmem:$0x10] =	vst v36;
	vm14 =	vlt.s32 v39, v55;
	v55 =	vsel vm1, $0x7F800000, v58;
	v58 =	vld [tilespmem:$0x1FFD0];
	vm9 =	vmand vm12, vm13  }
0x135: {  	[tilespmem:$0x20] =	vst v34;
	v41 =	vld [tilespmem:$0x360];
	vm1 =	vmor vm9, vm5  }
0x136: {  	[tilespmem:$0xB0] =	vst v27;
	v27 =	vld [tilespmem:$0x370];
	vm15 =	vgt.s32 v38, v21;
	v1 =	vsel vm1, $0x7F800000, v1  }
0x137: {  	vm10 =	vmand vm14, vm15;
	[tilespmem:$0x140] =	vst v1;
	v1 =	vld [tilespmem:$0x1FED0]  }
0x138: {  	[tilespmem:$0x30] =	vst v35;
	vm14 =	vlt.s32 v39, v53;
	vm15 =	vgt.s32 v38, v23;
	vm11 =	vmor vm10, vm7  }
0x139: {  	[tilespmem:$0x40] =	vst v31;
	v59 =	vsel vm11, $0x7F800000, v57;
	vm12 =	vgt.s32 v38, v24;
	vm11 =	vlt.s32 v39, v58  }
0x13a: {  	[tilespmem:$0x50] =	vst v32;
	v56 =	vld [tilespmem:$0x1FFE0];
	vm8 =	veq.s32 v41, s13;
	vm10 =	vmand vm14, vm15;
	vm14 =	vmand vm11, vm12  }
0x13b: {  	[tilespmem:$0x70] =	vst v28;
	vm15 =	vmor vm14, vm8  }
0x13c: {  	[tilespmem:$0x60] =	vst v33;
	vm13 =	veq.s32 v27, s13;
	v27 =	vld [tilespmem:$0x1FEC0];
	v1 =	vsel vm15, $0x7F800000, v1  }
0x13d: {  	[tilespmem:$0x160] =	vst v1;
	v1 =	vld [tilespmem:$0x1FEE0]  }
0x13e: {  	[tilespmem:$0x90] =	vst v30  }
0x13f: {  	[tilespmem:$0x80] =	vst v29;
	vm7 =	vlt.s32 v39, v56;
	vm8 =	vgt.s32 v38, v25  }
0x140: {  	[tilespmem:$0xA0] =	vst v2;
	v2 =	vsel vm2, $0x7F800000, v60;
	v60 =	vld [tilespmem:$0x1FFF0];
	vm0 =	vmor vm10, vm0;
	vm10 =	vmand vm7, vm8  }
0x141: {  	[tilespmem:$0x100] =	vst v2;
	v2 =	vld [tilespmem:$0x380];
	v27 =	vsel vm0, $0x7F800000, v27;
	vm0 =	vmor vm10, vm13  }
0x142: {  	[tilespmem:$0xD0] =	vst v63;
	v1 =	vsel vm0, $0x7F800000, v1  }
0x143: {  	[tilespmem:$0x170] =	vst v1;
	v1 =	vld [tilespmem:$0x1FEF0]  }
0x144: {  	v61 =	vld [tilespmem:$0x400];
	v52 =	vsel vm6, $0x7F800000, v62;
	[tilespmem:$0xE0] =	vst v42  }
0x145: {  	v62 =	vld [tilespmem:$0x410];
	[tilespmem:$0xF0] =	vst v52;
	vm9 =	vlt.s32 v39, v60;
	vm11 =	vgt.s32 v38, v26  }
0x146: {  	[tilespmem:$0x120] =	vst v55;
	vm12 =	veq.s32 v2, s13;
	v2 =	vld [tilespmem:$0x420];
	vm1 =	vmand vm9, vm11  }
0x147: {  	v0 =	vlaneseq.u32;
	v63 =	vld [tilespmem:$0x430];
	[tilespmem:$0x150] =	vst v27;
	v27 =	vmov s15;
	vm13 =	vmor vm1, vm12  }
0x148: {  	p0 =	sne.s32 s11, $0x1;
	s12 =	ssub.s32 s12, s14;
	[tilespmem:$0x130] =	vst v59;
	vm14 =	veq.s32 v27, v0;
	v1 =	vsel vm13, $0x7F800000, v1  }
.Ltmp1:
0x149: {  	vm15 =	veq.s32 v27, v3;
	[tilespmem:$0x180] =	vst v1;
	v1 =	vsel vm14, s12, v61;
	(pc) =	sbr.rel @p0 .LBB2_3-.Ltmp1, $4  }
0x14a: {  	[tilespmem:$0x400] =	vst v1;
	v1 =	vsel vm15, s12, v62  }
0x14b: {  	[tilespmem:$0x410] =	vst v1;
	v1 =	vsel vm14, s13, v2  }
0x14c: {  	[tilespmem:$0x420] =	vst v1;
	v1 =	vsel vm15, s13, v63  }
0x14d: {  	s11 =	sadd.s32 $0xFFFFFFFF, s11;
	[tilespmem:$0x430] =	vst v1  }
0x14e: {  	s10 =	sadd.s32 $0x1, s10  }
0x14f: {  	p0 =	sne.s32 s10, s6  }
.Ltmp2:
0x150: {  	_ = 	snop;
	(pc) =	sbr.rel @p0 .LBB2_2-.Ltmp2, $4  }
0x151: {  	[hbm4b:s4+s2] =	stream.linear.scatter [tilespmem:s9], [sflag:$0x1], $0x40, $0x38;
	[tilespmem:$0x480] =	vst v63  }
0x152: {  	_ =	swait.ge [sflag:s7], $0x40  }
0x153: {  	[sflag:s7] =	ssyncset.done $0x0  }
0x154: {  	[sflag:s7] =	ssyncadd.s32 $0xFFFFFFC0  }
.LBB2_5:
0x155: {  	_ =	sfence.sel $0x180000  }
0x156: {  	[bflag:$0x0] =	sbarrier.arrive $0xFFFF  }
0x157: {  	p0 =	sne.s32 s1, $0x0;
	_ =	strace $0x90000047  }
0x158: {  	s0 =	sadd.s32 @!p0 $0x100000, s0;
	[bflag:$0x2] =	sbarrier.arrive $0xFFFF  }
0x159: {  	[sflag:s0] =	ssyncadd.tile.s32 @!p0 $0x1;
	_ =	shalt  }
.Lfunc_end2:
_tile_overlayer_lowered:
.L_overlay_start_2:
0x15a: {  	(tag) =	ssettag $0x2  }
0x15b: {  	s0 =	rddreg [dreg:$0x0];
	s2 =	stileid.u32  }
0x15c: {  	s1 =	rddreg [dreg:$0x1];
	p0 =	sne.s32 s2, $0x0  }
0x15d: {  	s3 =	rddreg [dreg:$0x2];
	[bflag:$0x3] =	sbarrier.arrive $0xFFFF;
	s2 =	simm.s32 @!p0 $0x1C01  }
0x15e: {  	[timem:s3], [sflag:s2] =	dma.local @!p0 [hbm:s0], s1  }
0x15f: {  	s0 =	simm.s32 @!p0 $0x1  }
0x160: {  	_ =	swait.ge @!p0 [sflag:s0], s1  }
0x161: {  	s1 =	ssub.s32 @!p0 $0x0, s1;
	[sflag:s0] =	ssyncset.done @!p0 $0x0  }
0x162: {  	[sflag:s0] =	ssyncadd.s32 @!p0 s1  }
0x163: {  	[bflag:$0x3] =	sbarrier.arrive $0xFFFF  }
0x164: {  	_ =	shalt  }

</sc_bundles>
